<compile_context>
chip_gen: v7x
topology: tpu7x:2x2x1
jax: 0.10.2.dev20260603
libtpu: 0.0.44.dev20260713+nightly
codegen_flags: <defaults>
</compile_context>

<pallas_src>
import jax
import jax.numpy as jnp
from jax import lax
from jax.experimental import pallas as pl
from jax.experimental.pallas import tpu as pltpu
from jax.experimental.pallas import tpu_sc as plsc

N = 10000
E = 320000
D = 128
H = 128
C = 64

NC = 2
NS = 16
NW = NC * NS
CK = 128
NCHUNK = 80
EPTP = NCHUNK * CK
EPAD = NW * EPTP
NPAD = 10240
NPT = NPAD // NS
LANES = 16


def _sc_agg_body(h_hbm, src_hbm, dst_hbm, sums_hbm,
                 srcb, dstb, rows_v, acc_sh,
                 gs0, gs1, ss0, ss1, ds0, ds1):
    c = lax.axis_index("c")
    s = lax.axis_index("s")
    wid = c * NS + s

    gsem = (gs0, gs1)
    ssem = (ss0, ss1)
    dsem = (ds0, ds1)

    def zero_rows(k, _):
        r = k // (D // LANES)
        col = (k % (D // LANES)) * LANES
        rows_v[0, r, pl.ds(col, LANES)] = jnp.zeros((LANES,), jnp.float32)
        return _
    lax.fori_loop(0, CK * (D // LANES), zero_rows, None)
    for k in range(NPT // CK):
        pltpu.sync_copy(rows_v.at[0], acc_sh.at[pl.ds(s * NPT + k * CK, CK), :])

    plsc.subcore_barrier()

    def issue_ids(j, b):
        pltpu.async_copy(src_hbm.at[wid, j], srcb.at[b], ssem[b])
        pltpu.async_copy(dst_hbm.at[wid, j], dstb.at[b], dsem[b])

    def wait_ids(j, b):
        pltpu.make_async_copy(src_hbm.at[wid, j], srcb.at[b], ssem[b]).wait()
        pltpu.make_async_copy(dst_hbm.at[wid, j], dstb.at[b], dsem[b]).wait()

    def issue_gather(j, b):
        pltpu.async_copy(h_hbm.at[srcb.at[b]], rows_v.at[b], gsem[b])

    def wait_gather(j, b):
        pltpu.make_async_copy(h_hbm.at[srcb.at[b]], rows_v.at[b],
                              gsem[b]).wait()

    issue_ids(0, 0)
    issue_ids(1, 1)
    wait_ids(0, 0)
    issue_gather(0, 0)

    def pair(g, _):
        for b in range(2):
            j = 2 * g + b
            nb = 1 - b
            wait_gather(j, b)
            pltpu.sync_copy(rows_v.at[b], acc_sh.at[dstb.at[b]], add=True)
            issue_ids(j + 2, b)
            wait_ids(j + 1, nb)
            issue_gather(j + 1, nb)
        return _
    lax.fori_loop(0, NCHUNK // 2 - 1, pair, None)

    wait_gather(NCHUNK - 2, 0)
    pltpu.sync_copy(rows_v.at[0], acc_sh.at[dstb.at[0]], add=True)
    wait_ids(NCHUNK - 1, 1)
    issue_gather(NCHUNK - 1, 1)
    wait_gather(NCHUNK - 1, 1)
    pltpu.sync_copy(rows_v.at[1], acc_sh.at[dstb.at[1]], add=True)

    plsc.subcore_barrier()

    pltpu.sync_copy(acc_sh.at[pl.ds(s * NPT, NPT), :],
                    sums_hbm.at[c, pl.ds(s * NPT, NPT), :])


def _sc_cnt_body(dst_hbm, cnt_hbm, dst_v, ones_v, cnt_sh, gsem):
    c = lax.axis_index("c")
    s = lax.axis_index("s")
    wid = c * NS + s

    def store_const(val, k, _):
        r = k // (D // LANES)
        col = (k % (D // LANES)) * LANES
        ones_v[r, pl.ds(col, LANES)] = jnp.full((LANES,), val, jnp.float32)
        return _

    lax.fori_loop(0, CK * (D // LANES),
                  lambda k, _: store_const(0.0, k, _), None)
    for k in range(NPT // CK):
        pltpu.sync_copy(ones_v, cnt_sh.at[pl.ds(s * NPT + k * CK, CK), :])

    lax.fori_loop(0, CK * (D // LANES),
                  lambda k, _: store_const(1.0, k, _), None)

    pltpu.sync_copy(dst_hbm.at[wid], dst_v)

    plsc.subcore_barrier()

    def step(j, _):
        pltpu.sync_copy(ones_v, cnt_sh.at[dst_v.at[j]], add=True)
        return _
    lax.fori_loop(0, NCHUNK, step, None)

    plsc.subcore_barrier()

    pltpu.sync_copy(cnt_sh.at[pl.ds(s * NPT, NPT), :],
                    cnt_hbm.at[c, pl.ds(s * NPT, NPT), :])


_sc_mesh = plsc.VectorSubcoreMesh(core_axis_name="c", subcore_axis_name="s")

_sc_agg = pl.kernel(
    _sc_agg_body,
    out_type=(jax.ShapeDtypeStruct((NC, NPAD, D), jnp.float32),),
    mesh=_sc_mesh,
    scratch_types=[
        pltpu.VMEM((2, CK), jnp.int32),
        pltpu.VMEM((2, CK), jnp.int32),
        pltpu.VMEM((2, CK, D), jnp.float32),
        pltpu.VMEM_SHARED((NPAD, D), jnp.float32),
        pltpu.SemaphoreType.DMA,
        pltpu.SemaphoreType.DMA,
        pltpu.SemaphoreType.DMA,
        pltpu.SemaphoreType.DMA,
        pltpu.SemaphoreType.DMA,
        pltpu.SemaphoreType.DMA,
    ],
)

_sc_cnt = pl.kernel(
    _sc_cnt_body,
    out_type=(jax.ShapeDtypeStruct((NC, NPAD, D), jnp.float32),),
    mesh=_sc_mesh,
    scratch_types=[
        pltpu.VMEM((NCHUNK, CK), jnp.int32),
        pltpu.VMEM((CK, D), jnp.float32),
        pltpu.VMEM_SHARED((NPAD, D), jnp.float32),
        pltpu.SemaphoreType.DMA,
    ],
)

RB = 1000


def _tc_layer1_body(sums_ref, cnt_ref, x_ref, wl_ref, bl_ref, wr_ref, o_ref):
    ssum = sums_ref[0] + sums_ref[1]
    cnt = cnt_ref[0] + cnt_ref[1]
    mean = ssum / jnp.maximum(cnt, 1.0)
    h = (jnp.dot(mean, wl_ref[...], preferred_element_type=jnp.float32,
                 precision=lax.Precision.HIGHEST)
         + jnp.dot(x_ref[...], wr_ref[...], preferred_element_type=jnp.float32,
                   precision=lax.Precision.HIGHEST)
         + bl_ref[...])
    o_ref[...] = jnp.maximum(h, 0.0)


def _tc_layer2_body(sums_ref, cnt_ref, h_ref, wl_ref, bl_ref, wr_ref,
                    wo_ref, bo_ref, o_ref):
    ssum = sums_ref[0] + sums_ref[1]
    cnt = cnt_ref[0] + cnt_ref[1]
    mean = ssum / jnp.maximum(cnt, 1.0)
    h = (jnp.dot(mean, wl_ref[...], preferred_element_type=jnp.float32,
                 precision=lax.Precision.HIGHEST)
         + jnp.dot(h_ref[...], wr_ref[...], preferred_element_type=jnp.float32,
                   precision=lax.Precision.HIGHEST)
         + bl_ref[...])
    h = jnp.maximum(h, 0.0)
    o_ref[...] = (jnp.dot(h, wo_ref[...], preferred_element_type=jnp.float32,
                          precision=lax.Precision.HIGHEST)
                  + bo_ref[...])


def _tc_layer1(sums, cnt, x, Wl, bl, Wr):
    grid = (N // RB,)
    return pl.pallas_call(
        _tc_layer1_body,
        grid=grid,
        in_specs=[
            pl.BlockSpec((NC, RB, D), lambda i: (0, i, 0)),
            pl.BlockSpec((NC, RB, D), lambda i: (0, i, 0)),
            pl.BlockSpec((RB, D), lambda i: (i, 0)),
            pl.BlockSpec((D, H), lambda i: (0, 0)),
            pl.BlockSpec((1, H), lambda i: (0, 0)),
            pl.BlockSpec((D, H), lambda i: (0, 0)),
        ],
        out_specs=pl.BlockSpec((RB, H), lambda i: (i, 0)),
        out_shape=jax.ShapeDtypeStruct((N, H), jnp.float32),
    )(sums, cnt, x, Wl, bl, Wr)


def _tc_layer2(sums, cnt, h, Wl, bl, Wr, Wout, bout):
    grid = (N // RB,)
    return pl.pallas_call(
        _tc_layer2_body,
        grid=grid,
        in_specs=[
            pl.BlockSpec((NC, RB, H), lambda i: (0, i, 0)),
            pl.BlockSpec((NC, RB, D), lambda i: (0, i, 0)),
            pl.BlockSpec((RB, H), lambda i: (i, 0)),
            pl.BlockSpec((H, H), lambda i: (0, 0)),
            pl.BlockSpec((1, H), lambda i: (0, 0)),
            pl.BlockSpec((H, H), lambda i: (0, 0)),
            pl.BlockSpec((H, C), lambda i: (0, 0)),
            pl.BlockSpec((1, C), lambda i: (0, 0)),
        ],
        out_specs=pl.BlockSpec((RB, C), lambda i: (i, 0)),
        out_shape=jax.ShapeDtypeStruct((N, C), jnp.float32),
    )(sums, cnt, h, Wl, bl, Wr, Wout, bout)


def kernel(x, edge_index, Wl1, bl1, Wr1, Wl2, bl2, Wr2, Wout, bout):
    npad_e = EPAD - E
    src_p = jnp.concatenate(
        [edge_index[0], jnp.zeros((npad_e,), jnp.int32)])
    dst_p = jnp.concatenate(
        [edge_index[1],
         N + (jnp.arange(npad_e, dtype=jnp.int32) % (NPAD - N))])
    src3 = src_p.reshape(NW, NCHUNK, CK)
    dst3 = dst_p.reshape(NW, NCHUNK, CK)

    (cnt,) = _sc_cnt(dst3)
    (sums1,) = _sc_agg(x, src3, dst3)
    h1 = _tc_layer1(sums1, cnt, x, Wl1, bl1.reshape(1, H), Wr1)
    (sums2,) = _sc_agg(h1, src3, dst3)
    out = _tc_layer2(sums2, cnt, h1, Wl2, bl2.reshape(1, H), Wr2,
                     Wout, bout.reshape(1, C))
    return out

# --- scband reference (transcript-rebuilt; emitter-appended) ---
"""Pipeline reference for scband-gm-sage-13572096655879 (READ-ONLY COPY).

The authoritative reference and input builder live on the scoring server;
editing this copy changes nothing except your own understanding.
"""

import jax, jax.numpy as jnp
import numpy as np

N = 10000
E = 320000
D = 128
H = 128
C = 64


def setup_inputs(seed: int = 0) -> dict:
    key = jax.random.key(seed)
    ks = jax.random.split(key, 12)
    x = jax.random.normal(ks[0], (N, D), dtype=jnp.float32)
    edge_index = jax.random.randint(ks[1], (2, E), 0, N, dtype=jnp.int32)
    s1 = 1.0 / np.sqrt(D)
    s2 = 1.0 / np.sqrt(H)
    Wl1 = jax.random.normal(ks[2], (D, H), dtype=jnp.float32) * s1
    bl1 = jnp.zeros((H,), dtype=jnp.float32)
    Wr1 = jax.random.normal(ks[3], (D, H), dtype=jnp.float32) * s1
    Wl2 = jax.random.normal(ks[4], (H, H), dtype=jnp.float32) * s2
    bl2 = jnp.zeros((H,), dtype=jnp.float32)
    Wr2 = jax.random.normal(ks[5], (H, H), dtype=jnp.float32) * s2
    Wout = jax.random.normal(ks[6], (H, C), dtype=jnp.float32) * s2
    bout = jnp.zeros((C,), dtype=jnp.float32)
    return {"x": x, "edge_index": edge_index, "Wl1": Wl1, "bl1": bl1, "Wr1": Wr1,
            "Wl2": Wl2, "bl2": bl2, "Wr2": Wr2, "Wout": Wout, "bout": bout}


def sage_conv(h, edge_index, Wl, bl, Wr):
    # PyG SAGEConv with mean aggregation, root_weight=True, normalize=False
    src = edge_index[0]
    dst = edge_index[1]
    n = h.shape[0]
    msgs = jnp.take(h, src, axis=0)                       # gather x_j
    summed = jax.ops.segment_sum(msgs, dst, num_segments=n)
    counts = jax.ops.segment_sum(jnp.ones((msgs.shape[0],), dtype=h.dtype), dst, num_segments=n)
    mean = summed / jnp.maximum(counts, 1.0)[:, None]     # mean aggregation
    out = mean @ Wl + bl + h @ Wr                         # lin_l(agg) + lin_r(x_r)
    return out


def reference(x, edge_index, Wl1, bl1, Wr1, Wl2, bl2, Wr2, Wout, bout):
    h = sage_conv(x, edge_index, Wl1, bl1, Wr1)
    h = jax.nn.relu(h)  # dropout=0 -> identity
    h = sage_conv(h, edge_index, Wl2, bl2, Wr2)
    h = jax.nn.relu(h)
    # IdenticalPool readout (node-level)
    out = h @ Wout + bout
    return out

if __name__ == "__main__":
    import jax
    _d = setup_inputs()
    print(jax.jit(kernel)(*tuple(_d.values())))

</pallas_src>

<mosaic_0001>
#map = affine_map<(d0, d1) -> (0, 0)>
#map1 = affine_map<(d0, d1) -> (0, 0, 0)>
module attributes {stable_mosaic.version = 14 : i64} {
  func.func @_sc_agg_body(%arg0: i32, %arg1: i32, %arg2: memref<10000x128xf32, #tpu.memory_space<hbm>>, %arg3: memref<32x80x128xi32, #tpu.memory_space<hbm>>, %arg4: memref<32x80x128xi32, #tpu.memory_space<hbm>>, %arg5: memref<2x10240x128xf32, #tpu.memory_space<hbm>>, %arg6: memref<2x128xi32, #tpu.memory_space<vmem>>, %arg7: memref<2x128xi32, #tpu.memory_space<vmem>>, %arg8: memref<2x128x128xf32, #tpu.memory_space<vmem>>, %arg9: memref<10240x128xf32, #tpu.memory_space<vmem_shared>>, %arg10: memref<!tpu.dma_semaphore, #tpu.memory_space<semaphore_mem>>, %arg11: memref<!tpu.dma_semaphore, #tpu.memory_space<semaphore_mem>>, %arg12: memref<!tpu.dma_semaphore, #tpu.memory_space<semaphore_mem>>, %arg13: memref<!tpu.dma_semaphore, #tpu.memory_space<semaphore_mem>>, %arg14: memref<!tpu.dma_semaphore, #tpu.memory_space<semaphore_mem>>, %arg15: memref<!tpu.dma_semaphore, #tpu.memory_space<semaphore_mem>>) attributes {dimension_semantics = [#tpu.dimension_semantics<core_parallel>, #tpu.dimension_semantics<subcore_parallel>], iteration_bounds = array<i64: 2, 16>, scalar_prefetch = 0 : i64, scratch_operands = 10 : i64, tpu.core_type = #tpu.core_type<sc_vector_subcore>, window_params = [{transform_indices = #map}, {transform_indices = #map1}, {transform_indices = #map1}, {transform_indices = #map1}]} {
    %mul3A = arith.constant 16 : i32
    %mul3A_0 = arith.muli %arg0, %mul3A : i32
    %add3A = arith.addi %mul3A_0, %arg1 : i32
    %scan3A = arith.constant 0 : i32
    %scan3A_1 = arith.constant 1024 : i32
    %scan3A_2 = arith.addi %scan3A, %scan3A_1 : i32
    %scan3A_3 = arith.constant 1 : i32
    scf.for %scan3A_201 = %scan3A to %scan3A_2 step %scan3A_3  : i32 {
      %jit3A = arith.constant 8 : i32
      %div3A = arith.divsi %scan3A_201, %jit3A : i32
      %sign3A = arith.constant 0 : i32
      %sign3A_202 = arith.cmpi sgt, %scan3A_201, %sign3A : i32
      %sign3A_203 = arith.extui %sign3A_202 : i1 to i32
      %sign3A_204 = arith.constant 0 : i32
      %sign3A_205 = arith.cmpi slt, %scan3A_201, %sign3A_204 : i32
      %sign3A_206 = arith.extui %sign3A_205 : i1 to i32
      %sign3A_207 = arith.subi %sign3A_203, %sign3A_206 : i32
      %sign3A_208 = arith.constant 0 : i32
      %sign3A_209 = arith.cmpi sgt, %jit3A, %sign3A_208 : i32
      %sign3A_210 = arith.extui %sign3A_209 : i1 to i32
      %sign3A_211 = arith.constant 0 : i32
      %sign3A_212 = arith.cmpi slt, %jit3A, %sign3A_211 : i32
      %sign3A_213 = arith.extui %sign3A_212 : i1 to i32
      %sign3A_214 = arith.subi %sign3A_210, %sign3A_213 : i32
      %ne3A = arith.cmpi ne, %sign3A_207, %sign3A_214 : i32
      %rem3A = arith.remsi %scan3A_201, %jit3A : i32
      %ne3A_215 = arith.constant 0 : i32
      %ne3A_216 = arith.cmpi ne, %rem3A, %ne3A_215 : i32
      %and3A = arith.andi %ne3A, %ne3A_216 : i1
      %sub3A = arith.constant 1 : i32
      %sub3A_217 = arith.subi %div3A, %sub3A : i32
      %select_n3A = arith.select %and3A, %sub3A_217, %div3A : i32
      %jit3A_218 = arith.constant 8 : i32
      %eq3A = arith.constant 0 : i32
      %eq3A_219 = arith.cmpi eq, %jit3A_218, %eq3A : i32
      %jit3A_220 = arith.constant 1 : i32
      %select_n3A_221 = arith.select %eq3A_219, %jit3A_220, %jit3A_218 : i32
      %rem3A_222 = arith.remsi %scan3A_201, %select_n3A_221 : i32
      %ne3A_223 = arith.constant 0 : i32
      %ne3A_224 = arith.cmpi ne, %rem3A_222, %ne3A_223 : i32
      %lt3A = arith.constant 0 : i32
      %lt3A_225 = arith.cmpi slt, %rem3A_222, %lt3A : i32
      %lt3A_226 = arith.constant 0 : i32
      %lt3A_227 = arith.cmpi slt, %select_n3A_221, %lt3A_226 : i32
      %ne3A_228 = arith.xori %lt3A_225, %lt3A_227 : i1
      %and3A_229 = arith.andi %ne3A_228, %ne3A_224 : i1
      %add3A_230 = arith.addi %rem3A_222, %select_n3A_221 : i32
      %select_n3A_231 = arith.select %and3A_229, %add3A_230, %rem3A_222 : i32
      %mul3A_232 = arith.constant 16 : i32
      %mul3A_233 = arith.muli %select_n3A_231, %mul3A_232 : i32
      %broadcast_in_dim3A = arith.constant 0.000000e+00 : f32
      %broadcast_in_dim3A_234 = vector.broadcast %broadcast_in_dim3A : f32 to vector<16xf32>
      %swap3A = arith.constant 0 : i32
      %swap3A_235 = arith.index_cast %swap3A : i32 to index
      %swap3A_236 = arith.index_cast %select_n3A : i32 to index
      %swap3A_237 = arith.index_cast %mul3A_233 : i32 to index
      %swap3A_238 = tpu.vector_load %arg8[%swap3A_235, %swap3A_236, %swap3A_237] {strides = array<i32>} : memref<2x128x128xf32, #tpu.memory_space<vmem>>, vector<1x1x16xf32>,
      %swap3A_239 = vector.shape_cast %swap3A_238 : vector<1x1x16xf32> to vector<16xf32>
      %swap3A_240 = vector.shape_cast %broadcast_in_dim3A_234 : vector<16xf32> to vector<1x1x16xf32>
      tpu.vector_store %arg8[%swap3A_235, %swap3A_236, %swap3A_237], %swap3A_240 {strides = array<i32>} : memref<2x128x128xf32, #tpu.memory_space<vmem>>, vector<1x1x16xf32>,
    }
    %scan3A_4 = arith.constant 1024 : i32
    %mul3A_5 = arith.constant 640 : i32
    %mul3A_6 = arith.muli %arg1, %mul3A_5 : i32
    %add3A_7 = arith.constant 0 : i32
    %add3A_8 = arith.addi %mul3A_6, %add3A_7 : i32
    %run_scoped3A = arith.constant 0 : i32
    "tpu.region"() ({
      %run_scoped3A_201 = tpu.sem_alloc : memref<!tpu.dma_semaphore, #tpu.memory_space<semaphore_mem>>
      %dma_start3A_202 = arith.constant 0 : i32
      %dma_start3A_203 = arith.constant 0 : i32
      %dma_start3A_204 = tpu.memref_slice %arg8[%run_scoped3A, %dma_start3A_202, %dma_start3A_203] : memref<2x128x128xf32, #tpu.memory_space<vmem>> -> memref<1x128x128xf32, #tpu.memory_space<vmem>>
      %dma_start3A_205 = tpu.memref_squeeze %dma_start3A_204 : memref<1x128x128xf32, #tpu.memory_space<vmem>> -> memref<128x128xf32, #tpu.memory_space<vmem>>
      %dma_start3A_206 = arith.constant 0 : i32
      %dma_start3A_207 = tpu.memref_slice %arg9[%add3A_8, %dma_start3A_206] : memref<10240x128xf32, #tpu.memory_space<vmem_shared>> -> memref<128x128xf32, #tpu.memory_space<vmem_shared>>
      %dma_start3A_208 = arith.constant 0 : i32
      %dma_start3A_209 = tpu.memref_slice %arg9[%add3A_8, %dma_start3A_208] : memref<10240x128xf32, #tpu.memory_space<vmem_shared>> -> memref<128x128xf32, #tpu.memory_space<vmem_shared>>
      %dma_start3A_210 = arith.constant 0 : i32
      %dma_start3A_211 = arith.constant 0 : i32
      %dma_start3A_212 = tpu.memref_slice %arg8[%run_scoped3A, %dma_start3A_210, %dma_start3A_211] : memref<2x128x128xf32, #tpu.memory_space<vmem>> -> memref<1x128x128xf32, #tpu.memory_space<vmem>>
      %dma_start3A_213 = tpu.memref_squeeze %dma_start3A_212 : memref<1x128x128xf32, #tpu.memory_space<vmem>> -> memref<128x128xf32, #tpu.memory_space<vmem>>
      tpu.enqueue_dma source(%dma_start3A_213 : memref<128x128xf32, #tpu.memory_space<vmem>>) target(%dma_start3A_209 : memref<128x128xf32, #tpu.memory_space<vmem_shared>>) target_semaphore(%run_scoped3A_201 : memref<!tpu.dma_semaphore, #tpu.memory_space<semaphore_mem>>)
      %dma_wait3A_214 = arith.constant 0 : i32
      %dma_wait3A_215 = arith.constant 0 : i32
      %dma_wait3A_216 = tpu.memref_slice %arg8[%run_scoped3A, %dma_wait3A_214, %dma_wait3A_215] : memref<2x128x128xf32, #tpu.memory_space<vmem>> -> memref<1x128x128xf32, #tpu.memory_space<vmem>>
      %dma_wait3A_217 = tpu.memref_squeeze %dma_wait3A_216 : memref<1x128x128xf32, #tpu.memory_space<vmem>> -> memref<128x128xf32, #tpu.memory_space<vmem>>
      %dma_wait3A_218 = arith.constant 0 : i32
      %dma_wait3A_219 = tpu.memref_slice %arg9[%add3A_8, %dma_wait3A_218] : memref<10240x128xf32, #tpu.memory_space<vmem_shared>> -> memref<128x128xf32, #tpu.memory_space<vmem_shared>>
      %dma_wait3A_220 = arith.constant 0 : i32
      %dma_wait3A_221 = tpu.memref_slice %arg9[%add3A_8, %dma_wait3A_220] : memref<10240x128xf32, #tpu.memory_space<vmem_shared>> -> memref<128x128xf32, #tpu.memory_space<vmem_shared>>
      %dma_wait3A_222 = arith.constant 0 : i32
      %dma_wait3A_223 = arith.constant 0 : i32
      %dma_wait3A_224 = tpu.memref_slice %arg8[%run_scoped3A, %dma_wait3A_222, %dma_wait3A_223] : memref<2x128x128xf32, #tpu.memory_space<vmem>> -> memref<1x128x128xf32, #tpu.memory_space<vmem>>
      %dma_wait3A_225 = tpu.memref_squeeze %dma_wait3A_224 : memref<1x128x128xf32, #tpu.memory_space<vmem>> -> memref<128x128xf32, #tpu.memory_space<vmem>>
      tpu.wait_dma2 semaphore(%run_scoped3A_201 : memref<!tpu.dma_semaphore, #tpu.memory_space<semaphore_mem>>) src(%dma_wait3A_225 : memref<128x128xf32, #tpu.memory_space<vmem>>) dst(%dma_wait3A_221 : memref<128x128xf32, #tpu.memory_space<vmem_shared>>)
      tpu.yield
    }) : () -> ()
    %mul3A_9 = arith.constant 640 : i32
    %mul3A_10 = arith.muli %arg1, %mul3A_9 : i32
    %add3A_11 = arith.constant 128 : i32
    %add3A_12 = arith.addi %mul3A_10, %add3A_11 : i32
    %run_scoped3A_13 = arith.constant 0 : i32
    "tpu.region"() ({
      %run_scoped3A_201 = tpu.sem_alloc : memref<!tpu.dma_semaphore, #tpu.memory_space<semaphore_mem>>
      %dma_start3A_202 = arith.constant 0 : i32
      %dma_start3A_203 = arith.constant 0 : i32
      %dma_start3A_204 = tpu.memref_slice %arg8[%run_scoped3A_13, %dma_start3A_202, %dma_start3A_203] : memref<2x128x128xf32, #tpu.memory_space<vmem>> -> memref<1x128x128xf32, #tpu.memory_space<vmem>>
      %dma_start3A_205 = tpu.memref_squeeze %dma_start3A_204 : memref<1x128x128xf32, #tpu.memory_space<vmem>> -> memref<128x128xf32, #tpu.memory_space<vmem>>
      %dma_start3A_206 = arith.constant 0 : i32
      %dma_start3A_207 = tpu.memref_slice %arg9[%add3A_12, %dma_start3A_206] : memref<10240x128xf32, #tpu.memory_space<vmem_shared>> -> memref<128x128xf32, #tpu.memory_space<vmem_shared>>
      %dma_start3A_208 = arith.constant 0 : i32
      %dma_start3A_209 = tpu.memref_slice %arg9[%add3A_12, %dma_start3A_208] : memref<10240x128xf32, #tpu.memory_space<vmem_shared>> -> memref<128x128xf32, #tpu.memory_space<vmem_shared>>
      %dma_start3A_210 = arith.constant 0 : i32
      %dma_start3A_211 = arith.constant 0 : i32
      %dma_start3A_212 = tpu.memref_slice %arg8[%run_scoped3A_13, %dma_start3A_210, %dma_start3A_211] : memref<2x128x128xf32, #tpu.memory_space<vmem>> -> memref<1x128x128xf32, #tpu.memory_space<vmem>>
      %dma_start3A_213 = tpu.memref_squeeze %dma_start3A_212 : memref<1x128x128xf32, #tpu.memory_space<vmem>> -> memref<128x128xf32, #tpu.memory_space<vmem>>
      tpu.enqueue_dma source(%dma_start3A_213 : memref<128x128xf32, #tpu.memory_space<vmem>>) target(%dma_start3A_209 : memref<128x128xf32, #tpu.memory_space<vmem_shared>>) target_semaphore(%run_scoped3A_201 : memref<!tpu.dma_semaphore, #tpu.memory_space<semaphore_mem>>)
      %dma_wait3A_214 = arith.constant 0 : i32
      %dma_wait3A_215 = arith.constant 0 : i32
      %dma_wait3A_216 = tpu.memref_slice %arg8[%run_scoped3A_13, %dma_wait3A_214, %dma_wait3A_215] : memref<2x128x128xf32, #tpu.memory_space<vmem>> -> memref<1x128x128xf32, #tpu.memory_space<vmem>>
      %dma_wait3A_217 = tpu.memref_squeeze %dma_wait3A_216 : memref<1x128x128xf32, #tpu.memory_space<vmem>> -> memref<128x128xf32, #tpu.memory_space<vmem>>
      %dma_wait3A_218 = arith.constant 0 : i32
      %dma_wait3A_219 = tpu.memref_slice %arg9[%add3A_12, %dma_wait3A_218] : memref<10240x128xf32, #tpu.memory_space<vmem_shared>> -> memref<128x128xf32, #tpu.memory_space<vmem_shared>>
      %dma_wait3A_220 = arith.constant 0 : i32
      %dma_wait3A_221 = tpu.memref_slice %arg9[%add3A_12, %dma_wait3A_220] : memref<10240x128xf32, #tpu.memory_space<vmem_shared>> -> memref<128x128xf32, #tpu.memory_space<vmem_shared>>
      %dma_wait3A_222 = arith.constant 0 : i32
      %dma_wait3A_223 = arith.constant 0 : i32
      %dma_wait3A_224 = tpu.memref_slice %arg8[%run_scoped3A_13, %dma_wait3A_222, %dma_wait3A_223] : memref<2x128x128xf32, #tpu.memory_space<vmem>> -> memref<1x128x128xf32, #tpu.memory_space<vmem>>
      %dma_wait3A_225 = tpu.memref_squeeze %dma_wait3A_224 : memref<1x128x128xf32, #tpu.memory_space<vmem>> -> memref<128x128xf32, #tpu.memory_space<vmem>>
      tpu.wait_dma2 semaphore(%run_scoped3A_201 : memref<!tpu.dma_semaphore, #tpu.memory_space<semaphore_mem>>) src(%dma_wait3A_225 : memref<128x128xf32, #tpu.memory_space<vmem>>) dst(%dma_wait3A_221 : memref<128x128xf32, #tpu.memory_space<vmem_shared>>)
      tpu.yield
    }) : () -> ()
    %mul3A_14 = arith.constant 640 : i32
    %mul3A_15 = arith.muli %arg1, %mul3A_14 : i32
    %add3A_16 = arith.constant 256 : i32
    %add3A_17 = arith.addi %mul3A_15, %add3A_16 : i32
    %run_scoped3A_18 = arith.constant 0 : i32
    "tpu.region"() ({
      %run_scoped3A_201 = tpu.sem_alloc : memref<!tpu.dma_semaphore, #tpu.memory_space<semaphore_mem>>
      %dma_start3A_202 = arith.constant 0 : i32
      %dma_start3A_203 = arith.constant 0 : i32
      %dma_start3A_204 = tpu.memref_slice %arg8[%run_scoped3A_18, %dma_start3A_202, %dma_start3A_203] : memref<2x128x128xf32, #tpu.memory_space<vmem>> -> memref<1x128x128xf32, #tpu.memory_space<vmem>>
      %dma_start3A_205 = tpu.memref_squeeze %dma_start3A_204 : memref<1x128x128xf32, #tpu.memory_space<vmem>> -> memref<128x128xf32, #tpu.memory_space<vmem>>
      %dma_start3A_206 = arith.constant 0 : i32
      %dma_start3A_207 = tpu.memref_slice %arg9[%add3A_17, %dma_start3A_206] : memref<10240x128xf32, #tpu.memory_space<vmem_shared>> -> memref<128x128xf32, #tpu.memory_space<vmem_shared>>
      %dma_start3A_208 = arith.constant 0 : i32
      %dma_start3A_209 = tpu.memref_slice %arg9[%add3A_17, %dma_start3A_208] : memref<10240x128xf32, #tpu.memory_space<vmem_shared>> -> memref<128x128xf32, #tpu.memory_space<vmem_shared>>
      %dma_start3A_210 = arith.constant 0 : i32
      %dma_start3A_211 = arith.constant 0 : i32
      %dma_start3A_212 = tpu.memref_slice %arg8[%run_scoped3A_18, %dma_start3A_210, %dma_start3A_211] : memref<2x128x128xf32, #tpu.memory_space<vmem>> -> memref<1x128x128xf32, #tpu.memory_space<vmem>>
      %dma_start3A_213 = tpu.memref_squeeze %dma_start3A_212 : memref<1x128x128xf32, #tpu.memory_space<vmem>> -> memref<128x128xf32, #tpu.memory_space<vmem>>
      tpu.enqueue_dma source(%dma_start3A_213 : memref<128x128xf32, #tpu.memory_space<vmem>>) target(%dma_start3A_209 : memref<128x128xf32, #tpu.memory_space<vmem_shared>>) target_semaphore(%run_scoped3A_201 : memref<!tpu.dma_semaphore, #tpu.memory_space<semaphore_mem>>)
      %dma_wait3A_214 = arith.constant 0 : i32
      %dma_wait3A_215 = arith.constant 0 : i32
      %dma_wait3A_216 = tpu.memref_slice %arg8[%run_scoped3A_18, %dma_wait3A_214, %dma_wait3A_215] : memref<2x128x128xf32, #tpu.memory_space<vmem>> -> memref<1x128x128xf32, #tpu.memory_space<vmem>>
      %dma_wait3A_217 = tpu.memref_squeeze %dma_wait3A_216 : memref<1x128x128xf32, #tpu.memory_space<vmem>> -> memref<128x128xf32, #tpu.memory_space<vmem>>
      %dma_wait3A_218 = arith.constant 0 : i32
      %dma_wait3A_219 = tpu.memref_slice %arg9[%add3A_17, %dma_wait3A_218] : memref<10240x128xf32, #tpu.memory_space<vmem_shared>> -> memref<128x128xf32, #tpu.memory_space<vmem_shared>>
      %dma_wait3A_220 = arith.constant 0 : i32
      %dma_wait3A_221 = tpu.memref_slice %arg9[%add3A_17, %dma_wait3A_220] : memref<10240x128xf32, #tpu.memory_space<vmem_shared>> -> memref<128x128xf32, #tpu.memory_space<vmem_shared>>
      %dma_wait3A_222 = arith.constant 0 : i32
      %dma_wait3A_223 = arith.constant 0 : i32
      %dma_wait3A_224 = tpu.memref_slice %arg8[%run_scoped3A_18, %dma_wait3A_222, %dma_wait3A_223] : memref<2x128x128xf32, #tpu.memory_space<vmem>> -> memref<1x128x128xf32, #tpu.memory_space<vmem>>
      %dma_wait3A_225 = tpu.memref_squeeze %dma_wait3A_224 : memref<1x128x128xf32, #tpu.memory_space<vmem>> -> memref<128x128xf32, #tpu.memory_space<vmem>>
      tpu.wait_dma2 semaphore(%run_scoped3A_201 : memref<!tpu.dma_semaphore, #tpu.memory_space<semaphore_mem>>) src(%dma_wait3A_225 : memref<128x128xf32, #tpu.memory_space<vmem>>) dst(%dma_wait3A_221 : memref<128x128xf32, #tpu.memory_space<vmem_shared>>)
      tpu.yield
    }) : () -> ()
    %mul3A_19 = arith.constant 640 : i32
    %mul3A_20 = arith.muli %arg1, %mul3A_19 : i32
    %add3A_21 = arith.constant 384 : i32
    %add3A_22 = arith.addi %mul3A_20, %add3A_21 : i32
    %run_scoped3A_23 = arith.constant 0 : i32
    "tpu.region"() ({
      %run_scoped3A_201 = tpu.sem_alloc : memref<!tpu.dma_semaphore, #tpu.memory_space<semaphore_mem>>
      %dma_start3A_202 = arith.constant 0 : i32
      %dma_start3A_203 = arith.constant 0 : i32
      %dma_start3A_204 = tpu.memref_slice %arg8[%run_scoped3A_23, %dma_start3A_202, %dma_start3A_203] : memref<2x128x128xf32, #tpu.memory_space<vmem>> -> memref<1x128x128xf32, #tpu.memory_space<vmem>>
      %dma_start3A_205 = tpu.memref_squeeze %dma_start3A_204 : memref<1x128x128xf32, #tpu.memory_space<vmem>> -> memref<128x128xf32, #tpu.memory_space<vmem>>
      %dma_start3A_206 = arith.constant 0 : i32
      %dma_start3A_207 = tpu.memref_slice %arg9[%add3A_22, %dma_start3A_206] : memref<10240x128xf32, #tpu.memory_space<vmem_shared>> -> memref<128x128xf32, #tpu.memory_space<vmem_shared>>
      %dma_start3A_208 = arith.constant 0 : i32
      %dma_start3A_209 = tpu.memref_slice %arg9[%add3A_22, %dma_start3A_208] : memref<10240x128xf32, #tpu.memory_space<vmem_shared>> -> memref<128x128xf32, #tpu.memory_space<vmem_shared>>
      %dma_start3A_210 = arith.constant 0 : i32
      %dma_start3A_211 = arith.constant 0 : i32
      %dma_start3A_212 = tpu.memref_slice %arg8[%run_scoped3A_23, %dma_start3A_210, %dma_start3A_211] : memref<2x128x128xf32, #tpu.memory_space<vmem>> -> memref<1x128x128xf32, #tpu.memory_space<vmem>>
      %dma_start3A_213 = tpu.memref_squeeze %dma_start3A_212 : memref<1x128x128xf32, #tpu.memory_space<vmem>> -> memref<128x128xf32, #tpu.memory_space<vmem>>
      tpu.enqueue_dma source(%dma_start3A_213 : memref<128x128xf32, #tpu.memory_space<vmem>>) target(%dma_start3A_209 : memref<128x128xf32, #tpu.memory_space<vmem_shared>>) target_semaphore(%run_scoped3A_201 : memref<!tpu.dma_semaphore, #tpu.memory_space<semaphore_mem>>)
      %dma_wait3A_214 = arith.constant 0 : i32
      %dma_wait3A_215 = arith.constant 0 : i32
      %dma_wait3A_216 = tpu.memref_slice %arg8[%run_scoped3A_23, %dma_wait3A_214, %dma_wait3A_215] : memref<2x128x128xf32, #tpu.memory_space<vmem>> -> memref<1x128x128xf32, #tpu.memory_space<vmem>>
      %dma_wait3A_217 = tpu.memref_squeeze %dma_wait3A_216 : memref<1x128x128xf32, #tpu.memory_space<vmem>> -> memref<128x128xf32, #tpu.memory_space<vmem>>
      %dma_wait3A_218 = arith.constant 0 : i32
      %dma_wait3A_219 = tpu.memref_slice %arg9[%add3A_22, %dma_wait3A_218] : memref<10240x128xf32, #tpu.memory_space<vmem_shared>> -> memref<128x128xf32, #tpu.memory_space<vmem_shared>>
      %dma_wait3A_220 = arith.constant 0 : i32
      %dma_wait3A_221 = tpu.memref_slice %arg9[%add3A_22, %dma_wait3A_220] : memref<10240x128xf32, #tpu.memory_space<vmem_shared>> -> memref<128x128xf32, #tpu.memory_space<vmem_shared>>
      %dma_wait3A_222 = arith.constant 0 : i32
      %dma_wait3A_223 = arith.constant 0 : i32
      %dma_wait3A_224 = tpu.memref_slice %arg8[%run_scoped3A_23, %dma_wait3A_222, %dma_wait3A_223] : memref<2x128x128xf32, #tpu.memory_space<vmem>> -> memref<1x128x128xf32, #tpu.memory_space<vmem>>
      %dma_wait3A_225 = tpu.memref_squeeze %dma_wait3A_224 : memref<1x128x128xf32, #tpu.memory_space<vmem>> -> memref<128x128xf32, #tpu.memory_space<vmem>>
      tpu.wait_dma2 semaphore(%run_scoped3A_201 : memref<!tpu.dma_semaphore, #tpu.memory_space<semaphore_mem>>) src(%dma_wait3A_225 : memref<128x128xf32, #tpu.memory_space<vmem>>) dst(%dma_wait3A_221 : memref<128x128xf32, #tpu.memory_space<vmem_shared>>)
      tpu.yield
    }) : () -> ()
    %mul3A_24 = arith.constant 640 : i32
    %mul3A_25 = arith.muli %arg1, %mul3A_24 : i32
    %add3A_26 = arith.constant 512 : i32
    %add3A_27 = arith.addi %mul3A_25, %add3A_26 : i32
    %run_scoped3A_28 = arith.constant 0 : i32
    "tpu.region"() ({
      %run_scoped3A_201 = tpu.sem_alloc : memref<!tpu.dma_semaphore, #tpu.memory_space<semaphore_mem>>
      %dma_start3A_202 = arith.constant 0 : i32
      %dma_start3A_203 = arith.constant 0 : i32
      %dma_start3A_204 = tpu.memref_slice %arg8[%run_scoped3A_28, %dma_start3A_202, %dma_start3A_203] : memref<2x128x128xf32, #tpu.memory_space<vmem>> -> memref<1x128x128xf32, #tpu.memory_space<vmem>>
      %dma_start3A_205 = tpu.memref_squeeze %dma_start3A_204 : memref<1x128x128xf32, #tpu.memory_space<vmem>> -> memref<128x128xf32, #tpu.memory_space<vmem>>
      %dma_start3A_206 = arith.constant 0 : i32
      %dma_start3A_207 = tpu.memref_slice %arg9[%add3A_27, %dma_start3A_206] : memref<10240x128xf32, #tpu.memory_space<vmem_shared>> -> memref<128x128xf32, #tpu.memory_space<vmem_shared>>
      %dma_start3A_208 = arith.constant 0 : i32
      %dma_start3A_209 = tpu.memref_slice %arg9[%add3A_27, %dma_start3A_208] : memref<10240x128xf32, #tpu.memory_space<vmem_shared>> -> memref<128x128xf32, #tpu.memory_space<vmem_shared>>
      %dma_start3A_210 = arith.constant 0 : i32
      %dma_start3A_211 = arith.constant 0 : i32
      %dma_start3A_212 = tpu.memref_slice %arg8[%run_scoped3A_28, %dma_start3A_210, %dma_start3A_211] : memref<2x128x128xf32, #tpu.memory_space<vmem>> -> memref<1x128x128xf32, #tpu.memory_space<vmem>>
      %dma_start3A_213 = tpu.memref_squeeze %dma_start3A_212 : memref<1x128x128xf32, #tpu.memory_space<vmem>> -> memref<128x128xf32, #tpu.memory_space<vmem>>
      tpu.enqueue_dma source(%dma_start3A_213 : memref<128x128xf32, #tpu.memory_space<vmem>>) target(%dma_start3A_209 : memref<128x128xf32, #tpu.memory_space<vmem_shared>>) target_semaphore(%run_scoped3A_201 : memref<!tpu.dma_semaphore, #tpu.memory_space<semaphore_mem>>)
      %dma_wait3A_214 = arith.constant 0 : i32
      %dma_wait3A_215 = arith.constant 0 : i32
      %dma_wait3A_216 = tpu.memref_slice %arg8[%run_scoped3A_28, %dma_wait3A_214, %dma_wait3A_215] : memref<2x128x128xf32, #tpu.memory_space<vmem>> -> memref<1x128x128xf32, #tpu.memory_space<vmem>>
      %dma_wait3A_217 = tpu.memref_squeeze %dma_wait3A_216 : memref<1x128x128xf32, #tpu.memory_space<vmem>> -> memref<128x128xf32, #tpu.memory_space<vmem>>
      %dma_wait3A_218 = arith.constant 0 : i32
      %dma_wait3A_219 = tpu.memref_slice %arg9[%add3A_27, %dma_wait3A_218] : memref<10240x128xf32, #tpu.memory_space<vmem_shared>> -> memref<128x128xf32, #tpu.memory_space<vmem_shared>>
      %dma_wait3A_220 = arith.constant 0 : i32
      %dma_wait3A_221 = tpu.memref_slice %arg9[%add3A_27, %dma_wait3A_220] : memref<10240x128xf32, #tpu.memory_space<vmem_shared>> -> memref<128x128xf32, #tpu.memory_space<vmem_shared>>
      %dma_wait3A_222 = arith.constant 0 : i32
      %dma_wait3A_223 = arith.constant 0 : i32
      %dma_wait3A_224 = tpu.memref_slice %arg8[%run_scoped3A_28, %dma_wait3A_222, %dma_wait3A_223] : memref<2x128x128xf32, #tpu.memory_space<vmem>> -> memref<1x128x128xf32, #tpu.memory_space<vmem>>
      %dma_wait3A_225 = tpu.memref_squeeze %dma_wait3A_224 : memref<1x128x128xf32, #tpu.memory_space<vmem>> -> memref<128x128xf32, #tpu.memory_space<vmem>>
      tpu.wait_dma2 semaphore(%run_scoped3A_201 : memref<!tpu.dma_semaphore, #tpu.memory_space<semaphore_mem>>) src(%dma_wait3A_225 : memref<128x128xf32, #tpu.memory_space<vmem>>) dst(%dma_wait3A_221 : memref<128x128xf32, #tpu.memory_space<vmem_shared>>)
      tpu.yield
    }) : () -> ()
    %barrier3A = arith.constant 0 : index
    tpu.barrier barrier_id(%barrier3A)
    %dma_start3A = arith.constant 0 : i32
    %dma_start3A_29 = arith.constant 0 : i32
    %dma_start3A_30 = arith.constant 0 : i32
    %dma_start3A_31 = tpu.memref_slice %arg6[%dma_start3A_29, %dma_start3A_30] : memref<2x128xi32, #tpu.memory_space<vmem>> -> memref<1x128xi32, #tpu.memory_space<vmem>>
    %dma_start3A_32 = tpu.memref_squeeze %dma_start3A_31 : memref<1x128xi32, #tpu.memory_space<vmem>> -> memref<128xi32, #tpu.memory_space<vmem>>
    %dma_start3A_33 = arith.constant 0 : i32
    %dma_start3A_34 = tpu.memref_slice %arg3[%add3A, %dma_start3A, %dma_start3A_33] : memref<32x80x128xi32, #tpu.memory_space<hbm>> -> memref<1x1x128xi32, #tpu.memory_space<hbm>>
    %dma_start3A_35 = tpu.memref_squeeze %dma_start3A_34 : memref<1x1x128xi32, #tpu.memory_space<hbm>> -> memref<128xi32, #tpu.memory_space<hbm>>
    %dma_start3A_36 = arith.constant 0 : i32
    %dma_start3A_37 = tpu.memref_slice %arg6[%dma_start3A_29, %dma_start3A_36] : memref<2x128xi32, #tpu.memory_space<vmem>> -> memref<1x128xi32, #tpu.memory_space<vmem>>
    %dma_start3A_38 = tpu.memref_squeeze %dma_start3A_37 : memref<1x128xi32, #tpu.memory_space<vmem>> -> memref<128xi32, #tpu.memory_space<vmem>>
    %dma_start3A_39 = arith.constant 0 : i32
    %dma_start3A_40 = tpu.memref_slice %arg3[%add3A, %dma_start3A, %dma_start3A_39] : memref<32x80x128xi32, #tpu.memory_space<hbm>> -> memref<1x1x128xi32, #tpu.memory_space<hbm>>
    %dma_start3A_41 = tpu.memref_squeeze %dma_start3A_40 : memref<1x1x128xi32, #tpu.memory_space<hbm>> -> memref<128xi32, #tpu.memory_space<hbm>>
    tpu.enqueue_dma source(%dma_start3A_41 : memref<128xi32, #tpu.memory_space<hbm>>) target(%dma_start3A_38 : memref<128xi32, #tpu.memory_space<vmem>>) target_semaphore(%arg12 : memref<!tpu.dma_semaphore, #tpu.memory_space<semaphore_mem>>)
    %dma_start3A_42 = arith.constant 0 : i32
    %dma_start3A_43 = arith.constant 0 : i32
    %dma_start3A_44 = arith.constant 0 : i32
    %dma_start3A_45 = tpu.memref_slice %arg7[%dma_start3A_43, %dma_start3A_44] : memref<2x128xi32, #tpu.memory_space<vmem>> -> memref<1x128xi32, #tpu.memory_space<vmem>>
    %dma_start3A_46 = tpu.memref_squeeze %dma_start3A_45 : memref<1x128xi32, #tpu.memory_space<vmem>> -> memref<128xi32, #tpu.memory_space<vmem>>
    %dma_start3A_47 = arith.constant 0 : i32
    %dma_start3A_48 = tpu.memref_slice %arg4[%add3A, %dma_start3A_42, %dma_start3A_47] : memref<32x80x128xi32, #tpu.memory_space<hbm>> -> memref<1x1x128xi32, #tpu.memory_space<hbm>>
    %dma_start3A_49 = tpu.memref_squeeze %dma_start3A_48 : memref<1x1x128xi32, #tpu.memory_space<hbm>> -> memref<128xi32, #tpu.memory_space<hbm>>
    %dma_start3A_50 = arith.constant 0 : i32
    %dma_start3A_51 = tpu.memref_slice %arg7[%dma_start3A_43, %dma_start3A_50] : memref<2x128xi32, #tpu.memory_space<vmem>> -> memref<1x128xi32, #tpu.memory_space<vmem>>
    %dma_start3A_52 = tpu.memref_squeeze %dma_start3A_51 : memref<1x128xi32, #tpu.memory_space<vmem>> -> memref<128xi32, #tpu.memory_space<vmem>>
    %dma_start3A_53 = arith.constant 0 : i32
    %dma_start3A_54 = tpu.memref_slice %arg4[%add3A, %dma_start3A_42, %dma_start3A_53] : memref<32x80x128xi32, #tpu.memory_space<hbm>> -> memref<1x1x128xi32, #tpu.memory_space<hbm>>
    %dma_start3A_55 = tpu.memref_squeeze %dma_start3A_54 : memref<1x1x128xi32, #tpu.memory_space<hbm>> -> memref<128xi32, #tpu.memory_space<hbm>>
    tpu.enqueue_dma source(%dma_start3A_55 : memref<128xi32, #tpu.memory_space<hbm>>) target(%dma_start3A_52 : memref<128xi32, #tpu.memory_space<vmem>>) target_semaphore(%arg14 : memref<!tpu.dma_semaphore, #tpu.memory_space<semaphore_mem>>)
    %dma_start3A_56 = arith.constant 1 : i32
    %dma_start3A_57 = arith.constant 1 : i32
    %dma_start3A_58 = arith.constant 0 : i32
    %dma_start3A_59 = tpu.memref_slice %arg6[%dma_start3A_57, %dma_start3A_58] : memref<2x128xi32, #tpu.memory_space<vmem>> -> memref<1x128xi32, #tpu.memory_space<vmem>>
    %dma_start3A_60 = tpu.memref_squeeze %dma_start3A_59 : memref<1x128xi32, #tpu.memory_space<vmem>> -> memref<128xi32, #tpu.memory_space<vmem>>
    %dma_start3A_61 = arith.constant 0 : i32
    %dma_start3A_62 = tpu.memref_slice %arg3[%add3A, %dma_start3A_56, %dma_start3A_61] : memref<32x80x128xi32, #tpu.memory_space<hbm>> -> memref<1x1x128xi32, #tpu.memory_space<hbm>>
    %dma_start3A_63 = tpu.memref_squeeze %dma_start3A_62 : memref<1x1x128xi32, #tpu.memory_space<hbm>> -> memref<128xi32, #tpu.memory_space<hbm>>
    %dma_start3A_64 = arith.constant 0 : i32
    %dma_start3A_65 = tpu.memref_slice %arg6[%dma_start3A_57, %dma_start3A_64] : memref<2x128xi32, #tpu.memory_space<vmem>> -> memref<1x128xi32, #tpu.memory_space<vmem>>
    %dma_start3A_66 = tpu.memref_squeeze %dma_start3A_65 : memref<1x128xi32, #tpu.memory_space<vmem>> -> memref<128xi32, #tpu.memory_space<vmem>>
    %dma_start3A_67 = arith.constant 0 : i32
    %dma_start3A_68 = tpu.memref_slice %arg3[%add3A, %dma_start3A_56, %dma_start3A_67] : memref<32x80x128xi32, #tpu.memory_space<hbm>> -> memref<1x1x128xi32, #tpu.memory_space<hbm>>
    %dma_start3A_69 = tpu.memref_squeeze %dma_start3A_68 : memref<1x1x128xi32, #tpu.memory_space<hbm>> -> memref<128xi32, #tpu.memory_space<hbm>>
    tpu.enqueue_dma source(%dma_start3A_69 : memref<128xi32, #tpu.memory_space<hbm>>) target(%dma_start3A_66 : memref<128xi32, #tpu.memory_space<vmem>>) target_semaphore(%arg13 : memref<!tpu.dma_semaphore, #tpu.memory_space<semaphore_mem>>)
    %dma_start3A_70 = arith.constant 1 : i32
    %dma_start3A_71 = arith.constant 1 : i32
    %dma_start3A_72 = arith.constant 0 : i32
    %dma_start3A_73 = tpu.memref_slice %arg7[%dma_start3A_71, %dma_start3A_72] : memref<2x128xi32, #tpu.memory_space<vmem>> -> memref<1x128xi32, #tpu.memory_space<vmem>>
    %dma_start3A_74 = tpu.memref_squeeze %dma_start3A_73 : memref<1x128xi32, #tpu.memory_space<vmem>> -> memref<128xi32, #tpu.memory_space<vmem>>
    %dma_start3A_75 = arith.constant 0 : i32
    %dma_start3A_76 = tpu.memref_slice %arg4[%add3A, %dma_start3A_70, %dma_start3A_75] : memref<32x80x128xi32, #tpu.memory_space<hbm>> -> memref<1x1x128xi32, #tpu.memory_space<hbm>>
    %dma_start3A_77 = tpu.memref_squeeze %dma_start3A_76 : memref<1x1x128xi32, #tpu.memory_space<hbm>> -> memref<128xi32, #tpu.memory_space<hbm>>
    %dma_start3A_78 = arith.constant 0 : i32
    %dma_start3A_79 = tpu.memref_slice %arg7[%dma_start3A_71, %dma_start3A_78] : memref<2x128xi32, #tpu.memory_space<vmem>> -> memref<1x128xi32, #tpu.memory_space<vmem>>
    %dma_start3A_80 = tpu.memref_squeeze %dma_start3A_79 : memref<1x128xi32, #tpu.memory_space<vmem>> -> memref<128xi32, #tpu.memory_space<vmem>>
    %dma_start3A_81 = arith.constant 0 : i32
    %dma_start3A_82 = tpu.memref_slice %arg4[%add3A, %dma_start3A_70, %dma_start3A_81] : memref<32x80x128xi32, #tpu.memory_space<hbm>> -> memref<1x1x128xi32, #tpu.memory_space<hbm>>
    %dma_start3A_83 = tpu.memref_squeeze %dma_start3A_82 : memref<1x1x128xi32, #tpu.memory_space<hbm>> -> memref<128xi32, #tpu.memory_space<hbm>>
    tpu.enqueue_dma source(%dma_start3A_83 : memref<128xi32, #tpu.memory_space<hbm>>) target(%dma_start3A_80 : memref<128xi32, #tpu.memory_space<vmem>>) target_semaphore(%arg15 : memref<!tpu.dma_semaphore, #tpu.memory_space<semaphore_mem>>)
    %dma_wait3A = arith.constant 0 : i32
    %dma_wait3A_84 = arith.constant 0 : i32
    %dma_wait3A_85 = arith.constant 0 : i32
    %dma_wait3A_86 = tpu.memref_slice %arg6[%dma_wait3A_84, %dma_wait3A_85] : memref<2x128xi32, #tpu.memory_space<vmem>> -> memref<1x128xi32, #tpu.memory_space<vmem>>
    %dma_wait3A_87 = tpu.memref_squeeze %dma_wait3A_86 : memref<1x128xi32, #tpu.memory_space<vmem>> -> memref<128xi32, #tpu.memory_space<vmem>>
    %dma_wait3A_88 = arith.constant 0 : i32
    %dma_wait3A_89 = tpu.memref_slice %arg3[%add3A, %dma_wait3A, %dma_wait3A_88] : memref<32x80x128xi32, #tpu.memory_space<hbm>> -> memref<1x1x128xi32, #tpu.memory_space<hbm>>
    %dma_wait3A_90 = tpu.memref_squeeze %dma_wait3A_89 : memref<1x1x128xi32, #tpu.memory_space<hbm>> -> memref<128xi32, #tpu.memory_space<hbm>>
    %dma_wait3A_91 = arith.constant 0 : i32
    %dma_wait3A_92 = tpu.memref_slice %arg6[%dma_wait3A_84, %dma_wait3A_91] : memref<2x128xi32, #tpu.memory_space<vmem>> -> memref<1x128xi32, #tpu.memory_space<vmem>>
    %dma_wait3A_93 = tpu.memref_squeeze %dma_wait3A_92 : memref<1x128xi32, #tpu.memory_space<vmem>> -> memref<128xi32, #tpu.memory_space<vmem>>
    %dma_wait3A_94 = arith.constant 0 : i32
    %dma_wait3A_95 = tpu.memref_slice %arg3[%add3A, %dma_wait3A, %dma_wait3A_94] : memref<32x80x128xi32, #tpu.memory_space<hbm>> -> memref<1x1x128xi32, #tpu.memory_space<hbm>>
    %dma_wait3A_96 = tpu.memref_squeeze %dma_wait3A_95 : memref<1x1x128xi32, #tpu.memory_space<hbm>> -> memref<128xi32, #tpu.memory_space<hbm>>
    tpu.wait_dma2 semaphore(%arg12 : memref<!tpu.dma_semaphore, #tpu.memory_space<semaphore_mem>>) src(%dma_wait3A_96 : memref<128xi32, #tpu.memory_space<hbm>>) dst(%dma_wait3A_93 : memref<128xi32, #tpu.memory_space<vmem>>)
    %dma_wait3A_97 = arith.constant 0 : i32
    %dma_wait3A_98 = arith.constant 0 : i32
    %dma_wait3A_99 = arith.constant 0 : i32
    %dma_wait3A_100 = tpu.memref_slice %arg7[%dma_wait3A_98, %dma_wait3A_99] : memref<2x128xi32, #tpu.memory_space<vmem>> -> memref<1x128xi32, #tpu.memory_space<vmem>>
    %dma_wait3A_101 = tpu.memref_squeeze %dma_wait3A_100 : memref<1x128xi32, #tpu.memory_space<vmem>> -> memref<128xi32, #tpu.memory_space<vmem>>
    %dma_wait3A_102 = arith.constant 0 : i32
    %dma_wait3A_103 = tpu.memref_slice %arg4[%add3A, %dma_wait3A_97, %dma_wait3A_102] : memref<32x80x128xi32, #tpu.memory_space<hbm>> -> memref<1x1x128xi32, #tpu.memory_space<hbm>>
    %dma_wait3A_104 = tpu.memref_squeeze %dma_wait3A_103 : memref<1x1x128xi32, #tpu.memory_space<hbm>> -> memref<128xi32, #tpu.memory_space<hbm>>
    %dma_wait3A_105 = arith.constant 0 : i32
    %dma_wait3A_106 = tpu.memref_slice %arg7[%dma_wait3A_98, %dma_wait3A_105] : memref<2x128xi32, #tpu.memory_space<vmem>> -> memref<1x128xi32, #tpu.memory_space<vmem>>
    %dma_wait3A_107 = tpu.memref_squeeze %dma_wait3A_106 : memref<1x128xi32, #tpu.memory_space<vmem>> -> memref<128xi32, #tpu.memory_space<vmem>>
    %dma_wait3A_108 = arith.constant 0 : i32
    %dma_wait3A_109 = tpu.memref_slice %arg4[%add3A, %dma_wait3A_97, %dma_wait3A_108] : memref<32x80x128xi32, #tpu.memory_space<hbm>> -> memref<1x1x128xi32, #tpu.memory_space<hbm>>
    %dma_wait3A_110 = tpu.memref_squeeze %dma_wait3A_109 : memref<1x1x128xi32, #tpu.memory_space<hbm>> -> memref<128xi32, #tpu.memory_space<hbm>>
    tpu.wait_dma2 semaphore(%arg14 : memref<!tpu.dma_semaphore, #tpu.memory_space<semaphore_mem>>) src(%dma_wait3A_110 : memref<128xi32, #tpu.memory_space<hbm>>) dst(%dma_wait3A_107 : memref<128xi32, #tpu.memory_space<vmem>>)
    %dma_start3A_111 = arith.constant 0 : i32
    %dma_start3A_112 = arith.constant 0 : i32
    %dma_start3A_113 = arith.constant 0 : i32
    %dma_start3A_114 = arith.constant 0 : i32
    %dma_start3A_115 = tpu.memref_slice %arg8[%dma_start3A_112, %dma_start3A_113, %dma_start3A_114] : memref<2x128x128xf32, #tpu.memory_space<vmem>> -> memref<1x128x128xf32, #tpu.memory_space<vmem>>
    %dma_start3A_116 = tpu.memref_squeeze %dma_start3A_115 : memref<1x128x128xf32, #tpu.memory_space<vmem>> -> memref<128x128xf32, #tpu.memory_space<vmem>>
    %dma_start3A_117 = arith.constant 0 : i32
    %dma_start3A_118 = tpu.memref_slice %arg6[%dma_start3A_111, %dma_start3A_117] : memref<2x128xi32, #tpu.memory_space<vmem>> -> memref<1x128xi32, #tpu.memory_space<vmem>>
    %dma_start3A_119 = tpu.memref_squeeze %dma_start3A_118 : memref<1x128xi32, #tpu.memory_space<vmem>> -> memref<128xi32, #tpu.memory_space<vmem>>
    %dma_start3A_120 = arith.constant 0 : i32
    %dma_start3A_121 = arith.constant 0 : i32
    %dma_start3A_122 = tpu.memref_slice %arg2[%dma_start3A_120, %dma_start3A_121] : memref<10000x128xf32, #tpu.memory_space<hbm>> -> memref<10000x128xf32, #tpu.memory_space<hbm>>
    tpu.enqueue_indirect_dma source(%dma_start3A_122 : memref<10000x128xf32, #tpu.memory_space<hbm>>) target(%dma_start3A_116 : memref<128x128xf32, #tpu.memory_space<vmem>>) offsets(%dma_start3A_119 : memref<128xi32, #tpu.memory_space<vmem>>) semaphore(%arg10 : memref<!tpu.dma_semaphore, #tpu.memory_space<semaphore_mem>>)
    %scan3A_123 = arith.constant 0 : i32
    %scan3A_124 = arith.constant 39 : i32
    %scan3A_125 = arith.addi %scan3A_123, %scan3A_124 : i32
    %scan3A_126 = arith.constant 1 : i32
    scf.for %scan3A_201 = %scan3A_123 to %scan3A_125 step %scan3A_126  : i32 {
      %mul3A_202 = arith.constant 2 : i32
      %mul3A_203 = arith.muli %mul3A_202, %scan3A_201 : i32
      %add3A_204 = arith.constant 0 : i32
      %add3A_205 = arith.addi %mul3A_203, %add3A_204 : i32
      %dma_wait3A_206 = arith.constant 0 : i32
      %dma_wait3A_207 = arith.constant 0 : i32
      %dma_wait3A_208 = arith.constant 0 : i32
      %dma_wait3A_209 = arith.constant 0 : i32
      %dma_wait3A_210 = tpu.memref_slice %arg8[%dma_wait3A_207, %dma_wait3A_208, %dma_wait3A_209] : memref<2x128x128xf32, #tpu.memory_space<vmem>> -> memref<1x128x128xf32, #tpu.memory_space<vmem>>
      %dma_wait3A_211 = tpu.memref_squeeze %dma_wait3A_210 : memref<1x128x128xf32, #tpu.memory_space<vmem>> -> memref<128x128xf32, #tpu.memory_space<vmem>>
      %dma_wait3A_212 = arith.constant 0 : i32
      %dma_wait3A_213 = tpu.memref_slice %arg6[%dma_wait3A_206, %dma_wait3A_212] : memref<2x128xi32, #tpu.memory_space<vmem>> -> memref<1x128xi32, #tpu.memory_space<vmem>>
      %dma_wait3A_214 = tpu.memref_squeeze %dma_wait3A_213 : memref<1x128xi32, #tpu.memory_space<vmem>> -> memref<128xi32, #tpu.memory_space<vmem>>
      %dma_wait3A_215 = arith.constant 0 : i32
      %dma_wait3A_216 = arith.constant 0 : i32
      %dma_wait3A_217 = tpu.memref_slice %arg2[%dma_wait3A_215, %dma_wait3A_216] : memref<10000x128xf32, #tpu.memory_space<hbm>> -> memref<10000x128xf32, #tpu.memory_space<hbm>>
      tpu.wait_indirect_dma semaphore(%arg10 : memref<!tpu.dma_semaphore, #tpu.memory_space<semaphore_mem>>) src(%dma_wait3A_217 : memref<10000x128xf32, #tpu.memory_space<hbm>>) dst(%dma_wait3A_211 : memref<128x128xf32, #tpu.memory_space<vmem>>)
      %run_scoped3A_218 = arith.constant 0 : i32
      %run_scoped3A_219 = arith.constant 0 : i32
      "tpu.region"() ({
        %run_scoped3A_378 = tpu.sem_alloc : memref<!tpu.dma_semaphore, #tpu.memory_space<semaphore_mem>>
        %dma_start3A_379 = arith.constant 0 : i32
        %dma_start3A_380 = arith.constant 0 : i32
        %dma_start3A_381 = tpu.memref_slice %arg8[%run_scoped3A_218, %dma_start3A_379, %dma_start3A_380] : memref<2x128x128xf32, #tpu.memory_space<vmem>> -> memref<1x128x128xf32, #tpu.memory_space<vmem>>
        %dma_start3A_382 = tpu.memref_squeeze %dma_start3A_381 : memref<1x128x128xf32, #tpu.memory_space<vmem>> -> memref<128x128xf32, #tpu.memory_space<vmem>>
        %dma_start3A_383 = arith.constant 0 : i32
        %dma_start3A_384 = tpu.memref_slice %arg7[%run_scoped3A_219, %dma_start3A_383] : memref<2x128xi32, #tpu.memory_space<vmem>> -> memref<1x128xi32, #tpu.memory_space<vmem>>
        %dma_start3A_385 = tpu.memref_squeeze %dma_start3A_384 : memref<1x128xi32, #tpu.memory_space<vmem>> -> memref<128xi32, #tpu.memory_space<vmem>>
        %dma_start3A_386 = arith.constant 0 : i32
        %dma_start3A_387 = arith.constant 0 : i32
        %dma_start3A_388 = tpu.memref_slice %arg9[%dma_start3A_386, %dma_start3A_387] : memref<10240x128xf32, #tpu.memory_space<vmem_shared>> -> memref<10240x128xf32, #tpu.memory_space<vmem_shared>>
        tpu.enqueue_indirect_dma source(%dma_start3A_382 : memref<128x128xf32, #tpu.memory_space<vmem>>) target(%dma_start3A_388 : memref<10240x128xf32, #tpu.memory_space<vmem_shared>>) offsets(%dma_start3A_385 : memref<128xi32, #tpu.memory_space<vmem>>) semaphore(%run_scoped3A_378 : memref<!tpu.dma_semaphore, #tpu.memory_space<semaphore_mem>>) {add = true}
        %dma_wait3A_389 = arith.constant 0 : i32
        %dma_wait3A_390 = arith.constant 0 : i32
        %dma_wait3A_391 = tpu.memref_slice %arg8[%run_scoped3A_218, %dma_wait3A_389, %dma_wait3A_390] : memref<2x128x128xf32, #tpu.memory_space<vmem>> -> memref<1x128x128xf32, #tpu.memory_space<vmem>>
        %dma_wait3A_392 = tpu.memref_squeeze %dma_wait3A_391 : memref<1x128x128xf32, #tpu.memory_space<vmem>> -> memref<128x128xf32, #tpu.memory_space<vmem>>
        %dma_wait3A_393 = arith.constant 0 : i32
        %dma_wait3A_394 = tpu.memref_slice %arg7[%run_scoped3A_219, %dma_wait3A_393] : memref<2x128xi32, #tpu.memory_space<vmem>> -> memref<1x128xi32, #tpu.memory_space<vmem>>
        %dma_wait3A_395 = tpu.memref_squeeze %dma_wait3A_394 : memref<1x128xi32, #tpu.memory_space<vmem>> -> memref<128xi32, #tpu.memory_space<vmem>>
        %dma_wait3A_396 = arith.constant 0 : i32
        %dma_wait3A_397 = arith.constant 0 : i32
        %dma_wait3A_398 = tpu.memref_slice %arg9[%dma_wait3A_396, %dma_wait3A_397] : memref<10240x128xf32, #tpu.memory_space<vmem_shared>> -> memref<10240x128xf32, #tpu.memory_space<vmem_shared>>
        tpu.wait_indirect_dma semaphore(%run_scoped3A_378 : memref<!tpu.dma_semaphore, #tpu.memory_space<semaphore_mem>>) src(%dma_wait3A_392 : memref<128x128xf32, #tpu.memory_space<vmem>>) dst(%dma_wait3A_398 : memref<10240x128xf32, #tpu.memory_space<vmem_shared>>)
        tpu.yield
      }) : () -> ()
      %add3A_220 = arith.constant 2 : i32
      %add3A_221 = arith.addi %add3A_205, %add3A_220 : i32
      %dma_start3A_222 = arith.constant 0 : i32
      %dma_start3A_223 = arith.constant 0 : i32
      %dma_start3A_224 = tpu.memref_slice %arg6[%dma_start3A_222, %dma_start3A_223] : memref<2x128xi32, #tpu.memory_space<vmem>> -> memref<1x128xi32, #tpu.memory_space<vmem>>
      %dma_start3A_225 = tpu.memref_squeeze %dma_start3A_224 : memref<1x128xi32, #tpu.memory_space<vmem>> -> memref<128xi32, #tpu.memory_space<vmem>>
      %dma_start3A_226 = arith.constant 0 : i32
      %dma_start3A_227 = tpu.memref_slice %arg3[%add3A, %add3A_221, %dma_start3A_226] : memref<32x80x128xi32, #tpu.memory_space<hbm>> -> memref<1x1x128xi32, #tpu.memory_space<hbm>>
      %dma_start3A_228 = tpu.memref_squeeze %dma_start3A_227 : memref<1x1x128xi32, #tpu.memory_space<hbm>> -> memref<128xi32, #tpu.memory_space<hbm>>
      %dma_start3A_229 = arith.constant 0 : i32
      %dma_start3A_230 = tpu.memref_slice %arg6[%dma_start3A_222, %dma_start3A_229] : memref<2x128xi32, #tpu.memory_space<vmem>> -> memref<1x128xi32, #tpu.memory_space<vmem>>
      %dma_start3A_231 = tpu.memref_squeeze %dma_start3A_230 : memref<1x128xi32, #tpu.memory_space<vmem>> -> memref<128xi32, #tpu.memory_space<vmem>>
      %dma_start3A_232 = arith.constant 0 : i32
      %dma_start3A_233 = tpu.memref_slice %arg3[%add3A, %add3A_221, %dma_start3A_232] : memref<32x80x128xi32, #tpu.memory_space<hbm>> -> memref<1x1x128xi32, #tpu.memory_space<hbm>>
      %dma_start3A_234 = tpu.memref_squeeze %dma_start3A_233 : memref<1x1x128xi32, #tpu.memory_space<hbm>> -> memref<128xi32, #tpu.memory_space<hbm>>
      tpu.enqueue_dma source(%dma_start3A_234 : memref<128xi32, #tpu.memory_space<hbm>>) target(%dma_start3A_231 : memref<128xi32, #tpu.memory_space<vmem>>) target_semaphore(%arg12 : memref<!tpu.dma_semaphore, #tpu.memory_space<semaphore_mem>>)
      %dma_start3A_235 = arith.constant 0 : i32
      %dma_start3A_236 = arith.constant 0 : i32
      %dma_start3A_237 = tpu.memref_slice %arg7[%dma_start3A_235, %dma_start3A_236] : memref<2x128xi32, #tpu.memory_space<vmem>> -> memref<1x128xi32, #tpu.memory_space<vmem>>
      %dma_start3A_238 = tpu.memref_squeeze %dma_start3A_237 : memref<1x128xi32, #tpu.memory_space<vmem>> -> memref<128xi32, #tpu.memory_space<vmem>>
      %dma_start3A_239 = arith.constant 0 : i32
      %dma_start3A_240 = tpu.memref_slice %arg4[%add3A, %add3A_221, %dma_start3A_239] : memref<32x80x128xi32, #tpu.memory_space<hbm>> -> memref<1x1x128xi32, #tpu.memory_space<hbm>>
      %dma_start3A_241 = tpu.memref_squeeze %dma_start3A_240 : memref<1x1x128xi32, #tpu.memory_space<hbm>> -> memref<128xi32, #tpu.memory_space<hbm>>
      %dma_start3A_242 = arith.constant 0 : i32
      %dma_start3A_243 = tpu.memref_slice %arg7[%dma_start3A_235, %dma_start3A_242] : memref<2x128xi32, #tpu.memory_space<vmem>> -> memref<1x128xi32, #tpu.memory_space<vmem>>
      %dma_start3A_244 = tpu.memref_squeeze %dma_start3A_243 : memref<1x128xi32, #tpu.memory_space<vmem>> -> memref<128xi32, #tpu.memory_space<vmem>>
      %dma_start3A_245 = arith.constant 0 : i32
      %dma_start3A_246 = tpu.memref_slice %arg4[%add3A, %add3A_221, %dma_start3A_245] : memref<32x80x128xi32, #tpu.memory_space<hbm>> -> memref<1x1x128xi32, #tpu.memory_space<hbm>>
      %dma_start3A_247 = tpu.memref_squeeze %dma_start3A_246 : memref<1x1x128xi32, #tpu.memory_space<hbm>> -> memref<128xi32, #tpu.memory_space<hbm>>
      tpu.enqueue_dma source(%dma_start3A_247 : memref<128xi32, #tpu.memory_space<hbm>>) target(%dma_start3A_244 : memref<128xi32, #tpu.memory_space<vmem>>) target_semaphore(%arg14 : memref<!tpu.dma_semaphore, #tpu.memory_space<semaphore_mem>>)
      %add3A_248 = arith.constant 1 : i32
      %add3A_249 = arith.addi %add3A_205, %add3A_248 : i32
      %dma_wait3A_250 = arith.constant 1 : i32
      %dma_wait3A_251 = arith.constant 0 : i32
      %dma_wait3A_252 = tpu.memref_slice %arg6[%dma_wait3A_250, %dma_wait3A_251] : memref<2x128xi32, #tpu.memory_space<vmem>> -> memref<1x128xi32, #tpu.memory_space<vmem>>
      %dma_wait3A_253 = tpu.memref_squeeze %dma_wait3A_252 : memref<1x128xi32, #tpu.memory_space<vmem>> -> memref<128xi32, #tpu.memory_space<vmem>>
      %dma_wait3A_254 = arith.constant 0 : i32
      %dma_wait3A_255 = tpu.memref_slice %arg3[%add3A, %add3A_249, %dma_wait3A_254] : memref<32x80x128xi32, #tpu.memory_space<hbm>> -> memref<1x1x128xi32, #tpu.memory_space<hbm>>
      %dma_wait3A_256 = tpu.memref_squeeze %dma_wait3A_255 : memref<1x1x128xi32, #tpu.memory_space<hbm>> -> memref<128xi32, #tpu.memory_space<hbm>>
      %dma_wait3A_257 = arith.constant 0 : i32
      %dma_wait3A_258 = tpu.memref_slice %arg6[%dma_wait3A_250, %dma_wait3A_257] : memref<2x128xi32, #tpu.memory_space<vmem>> -> memref<1x128xi32, #tpu.memory_space<vmem>>
      %dma_wait3A_259 = tpu.memref_squeeze %dma_wait3A_258 : memref<1x128xi32, #tpu.memory_space<vmem>> -> memref<128xi32, #tpu.memory_space<vmem>>
      %dma_wait3A_260 = arith.constant 0 : i32
      %dma_wait3A_261 = tpu.memref_slice %arg3[%add3A, %add3A_249, %dma_wait3A_260] : memref<32x80x128xi32, #tpu.memory_space<hbm>> -> memref<1x1x128xi32, #tpu.memory_space<hbm>>
      %dma_wait3A_262 = tpu.memref_squeeze %dma_wait3A_261 : memref<1x1x128xi32, #tpu.memory_space<hbm>> -> memref<128xi32, #tpu.memory_space<hbm>>
      tpu.wait_dma2 semaphore(%arg13 : memref<!tpu.dma_semaphore, #tpu.memory_space<semaphore_mem>>) src(%dma_wait3A_262 : memref<128xi32, #tpu.memory_space<hbm>>) dst(%dma_wait3A_259 : memref<128xi32, #tpu.memory_space<vmem>>)
      %dma_wait3A_263 = arith.constant 1 : i32
      %dma_wait3A_264 = arith.constant 0 : i32
      %dma_wait3A_265 = tpu.memref_slice %arg7[%dma_wait3A_263, %dma_wait3A_264] : memref<2x128xi32, #tpu.memory_space<vmem>> -> memref<1x128xi32, #tpu.memory_space<vmem>>
      %dma_wait3A_266 = tpu.memref_squeeze %dma_wait3A_265 : memref<1x128xi32, #tpu.memory_space<vmem>> -> memref<128xi32, #tpu.memory_space<vmem>>
      %dma_wait3A_267 = arith.constant 0 : i32
      %dma_wait3A_268 = tpu.memref_slice %arg4[%add3A, %add3A_249, %dma_wait3A_267] : memref<32x80x128xi32, #tpu.memory_space<hbm>> -> memref<1x1x128xi32, #tpu.memory_space<hbm>>
      %dma_wait3A_269 = tpu.memref_squeeze %dma_wait3A_268 : memref<1x1x128xi32, #tpu.memory_space<hbm>> -> memref<128xi32, #tpu.memory_space<hbm>>
      %dma_wait3A_270 = arith.constant 0 : i32
      %dma_wait3A_271 = tpu.memref_slice %arg7[%dma_wait3A_263, %dma_wait3A_270] : memref<2x128xi32, #tpu.memory_space<vmem>> -> memref<1x128xi32, #tpu.memory_space<vmem>>
      %dma_wait3A_272 = tpu.memref_squeeze %dma_wait3A_271 : memref<1x128xi32, #tpu.memory_space<vmem>> -> memref<128xi32, #tpu.memory_space<vmem>>
      %dma_wait3A_273 = arith.constant 0 : i32
      %dma_wait3A_274 = tpu.memref_slice %arg4[%add3A, %add3A_249, %dma_wait3A_273] : memref<32x80x128xi32, #tpu.memory_space<hbm>> -> memref<1x1x128xi32, #tpu.memory_space<hbm>>
      %dma_wait3A_275 = tpu.memref_squeeze %dma_wait3A_274 : memref<1x1x128xi32, #tpu.memory_space<hbm>> -> memref<128xi32, #tpu.memory_space<hbm>>
      tpu.wait_dma2 semaphore(%arg15 : memref<!tpu.dma_semaphore, #tpu.memory_space<semaphore_mem>>) src(%dma_wait3A_275 : memref<128xi32, #tpu.memory_space<hbm>>) dst(%dma_wait3A_272 : memref<128xi32, #tpu.memory_space<vmem>>)
      %add3A_276 = arith.constant 1 : i32
      %add3A_277 = arith.addi %add3A_205, %add3A_276 : i32
      %dma_start3A_278 = arith.constant 1 : i32
      %dma_start3A_279 = arith.constant 1 : i32
      %dma_start3A_280 = arith.constant 0 : i32
      %dma_start3A_281 = arith.constant 0 : i32
      %dma_start3A_282 = tpu.memref_slice %arg8[%dma_start3A_279, %dma_start3A_280, %dma_start3A_281] : memref<2x128x128xf32, #tpu.memory_space<vmem>> -> memref<1x128x128xf32, #tpu.memory_space<vmem>>
      %dma_start3A_283 = tpu.memref_squeeze %dma_start3A_282 : memref<1x128x128xf32, #tpu.memory_space<vmem>> -> memref<128x128xf32, #tpu.memory_space<vmem>>
      %dma_start3A_284 = arith.constant 0 : i32
      %dma_start3A_285 = tpu.memref_slice %arg6[%dma_start3A_278, %dma_start3A_284] : memref<2x128xi32, #tpu.memory_space<vmem>> -> memref<1x128xi32, #tpu.memory_space<vmem>>
      %dma_start3A_286 = tpu.memref_squeeze %dma_start3A_285 : memref<1x128xi32, #tpu.memory_space<vmem>> -> memref<128xi32, #tpu.memory_space<vmem>>
      %dma_start3A_287 = arith.constant 0 : i32
      %dma_start3A_288 = arith.constant 0 : i32
      %dma_start3A_289 = tpu.memref_slice %arg2[%dma_start3A_287, %dma_start3A_288] : memref<10000x128xf32, #tpu.memory_space<hbm>> -> memref<10000x128xf32, #tpu.memory_space<hbm>>
      tpu.enqueue_indirect_dma source(%dma_start3A_289 : memref<10000x128xf32, #tpu.memory_space<hbm>>) target(%dma_start3A_283 : memref<128x128xf32, #tpu.memory_space<vmem>>) offsets(%dma_start3A_286 : memref<128xi32, #tpu.memory_space<vmem>>) semaphore(%arg11 : memref<!tpu.dma_semaphore, #tpu.memory_space<semaphore_mem>>)
      %mul3A_290 = arith.constant 2 : i32
      %mul3A_291 = arith.muli %mul3A_290, %scan3A_201 : i32
      %add3A_292 = arith.constant 1 : i32
      %add3A_293 = arith.addi %mul3A_291, %add3A_292 : i32
      %dma_wait3A_294 = arith.constant 1 : i32
      %dma_wait3A_295 = arith.constant 1 : i32
      %dma_wait3A_296 = arith.constant 0 : i32
      %dma_wait3A_297 = arith.constant 0 : i32
      %dma_wait3A_298 = tpu.memref_slice %arg8[%dma_wait3A_295, %dma_wait3A_296, %dma_wait3A_297] : memref<2x128x128xf32, #tpu.memory_space<vmem>> -> memref<1x128x128xf32, #tpu.memory_space<vmem>>
      %dma_wait3A_299 = tpu.memref_squeeze %dma_wait3A_298 : memref<1x128x128xf32, #tpu.memory_space<vmem>> -> memref<128x128xf32, #tpu.memory_space<vmem>>
      %dma_wait3A_300 = arith.constant 0 : i32
      %dma_wait3A_301 = tpu.memref_slice %arg6[%dma_wait3A_294, %dma_wait3A_300] : memref<2x128xi32, #tpu.memory_space<vmem>> -> memref<1x128xi32, #tpu.memory_space<vmem>>
      %dma_wait3A_302 = tpu.memref_squeeze %dma_wait3A_301 : memref<1x128xi32, #tpu.memory_space<vmem>> -> memref<128xi32, #tpu.memory_space<vmem>>
      %dma_wait3A_303 = arith.constant 0 : i32
      %dma_wait3A_304 = arith.constant 0 : i32
      %dma_wait3A_305 = tpu.memref_slice %arg2[%dma_wait3A_303, %dma_wait3A_304] : memref<10000x128xf32, #tpu.memory_space<hbm>> -> memref<10000x128xf32, #tpu.memory_space<hbm>>
      tpu.wait_indirect_dma semaphore(%arg11 : memref<!tpu.dma_semaphore, #tpu.memory_space<semaphore_mem>>) src(%dma_wait3A_305 : memref<10000x128xf32, #tpu.memory_space<hbm>>) dst(%dma_wait3A_299 : memref<128x128xf32, #tpu.memory_space<vmem>>)
      %run_scoped3A_306 = arith.constant 1 : i32
      %run_scoped3A_307 = arith.constant 1 : i32
      "tpu.region"() ({
        %run_scoped3A_378 = tpu.sem_alloc : memref<!tpu.dma_semaphore, #tpu.memory_space<semaphore_mem>>
        %dma_start3A_379 = arith.constant 0 : i32
        %dma_start3A_380 = arith.constant 0 : i32
        %dma_start3A_381 = tpu.memref_slice %arg8[%run_scoped3A_306, %dma_start3A_379, %dma_start3A_380] : memref<2x128x128xf32, #tpu.memory_space<vmem>> -> memref<1x128x128xf32, #tpu.memory_space<vmem>>
        %dma_start3A_382 = tpu.memref_squeeze %dma_start3A_381 : memref<1x128x128xf32, #tpu.memory_space<vmem>> -> memref<128x128xf32, #tpu.memory_space<vmem>>
        %dma_start3A_383 = arith.constant 0 : i32
        %dma_start3A_384 = tpu.memref_slice %arg7[%run_scoped3A_307, %dma_start3A_383] : memref<2x128xi32, #tpu.memory_space<vmem>> -> memref<1x128xi32, #tpu.memory_space<vmem>>
        %dma_start3A_385 = tpu.memref_squeeze %dma_start3A_384 : memref<1x128xi32, #tpu.memory_space<vmem>> -> memref<128xi32, #tpu.memory_space<vmem>>
        %dma_start3A_386 = arith.constant 0 : i32
        %dma_start3A_387 = arith.constant 0 : i32
        %dma_start3A_388 = tpu.memref_slice %arg9[%dma_start3A_386, %dma_start3A_387] : memref<10240x128xf32, #tpu.memory_space<vmem_shared>> -> memref<10240x128xf32, #tpu.memory_space<vmem_shared>>
        tpu.enqueue_indirect_dma source(%dma_start3A_382 : memref<128x128xf32, #tpu.memory_space<vmem>>) target(%dma_start3A_388 : memref<10240x128xf32, #tpu.memory_space<vmem_shared>>) offsets(%dma_start3A_385 : memref<128xi32, #tpu.memory_space<vmem>>) semaphore(%run_scoped3A_378 : memref<!tpu.dma_semaphore, #tpu.memory_space<semaphore_mem>>) {add = true}
        %dma_wait3A_389 = arith.constant 0 : i32
        %dma_wait3A_390 = arith.constant 0 : i32
        %dma_wait3A_391 = tpu.memref_slice %arg8[%run_scoped3A_306, %dma_wait3A_389, %dma_wait3A_390] : memref<2x128x128xf32, #tpu.memory_space<vmem>> -> memref<1x128x128xf32, #tpu.memory_space<vmem>>
        %dma_wait3A_392 = tpu.memref_squeeze %dma_wait3A_391 : memref<1x128x128xf32, #tpu.memory_space<vmem>> -> memref<128x128xf32, #tpu.memory_space<vmem>>
        %dma_wait3A_393 = arith.constant 0 : i32
        %dma_wait3A_394 = tpu.memref_slice %arg7[%run_scoped3A_307, %dma_wait3A_393] : memref<2x128xi32, #tpu.memory_space<vmem>> -> memref<1x128xi32, #tpu.memory_space<vmem>>
        %dma_wait3A_395 = tpu.memref_squeeze %dma_wait3A_394 : memref<1x128xi32, #tpu.memory_space<vmem>> -> memref<128xi32, #tpu.memory_space<vmem>>
        %dma_wait3A_396 = arith.constant 0 : i32
        %dma_wait3A_397 = arith.constant 0 : i32
        %dma_wait3A_398 = tpu.memref_slice %arg9[%dma_wait3A_396, %dma_wait3A_397] : memref<10240x128xf32, #tpu.memory_space<vmem_shared>> -> memref<10240x128xf32, #tpu.memory_space<vmem_shared>>
        tpu.wait_indirect_dma semaphore(%run_scoped3A_378 : memref<!tpu.dma_semaphore, #tpu.memory_space<semaphore_mem>>) src(%dma_wait3A_392 : memref<128x128xf32, #tpu.memory_space<vmem>>) dst(%dma_wait3A_398 : memref<10240x128xf32, #tpu.memory_space<vmem_shared>>)
        tpu.yield
      }) : () -> ()
      %add3A_308 = arith.constant 2 : i32
      %add3A_309 = arith.addi %add3A_293, %add3A_308 : i32
      %dma_start3A_310 = arith.constant 1 : i32
      %dma_start3A_311 = arith.constant 0 : i32
      %dma_start3A_312 = tpu.memref_slice %arg6[%dma_start3A_310, %dma_start3A_311] : memref<2x128xi32, #tpu.memory_space<vmem>> -> memref<1x128xi32, #tpu.memory_space<vmem>>
      %dma_start3A_313 = tpu.memref_squeeze %dma_start3A_312 : memref<1x128xi32, #tpu.memory_space<vmem>> -> memref<128xi32, #tpu.memory_space<vmem>>
      %dma_start3A_314 = arith.constant 0 : i32
      %dma_start3A_315 = tpu.memref_slice %arg3[%add3A, %add3A_309, %dma_start3A_314] : memref<32x80x128xi32, #tpu.memory_space<hbm>> -> memref<1x1x128xi32, #tpu.memory_space<hbm>>
      %dma_start3A_316 = tpu.memref_squeeze %dma_start3A_315 : memref<1x1x128xi32, #tpu.memory_space<hbm>> -> memref<128xi32, #tpu.memory_space<hbm>>
      %dma_start3A_317 = arith.constant 0 : i32
      %dma_start3A_318 = tpu.memref_slice %arg6[%dma_start3A_310, %dma_start3A_317] : memref<2x128xi32, #tpu.memory_space<vmem>> -> memref<1x128xi32, #tpu.memory_space<vmem>>
      %dma_start3A_319 = tpu.memref_squeeze %dma_start3A_318 : memref<1x128xi32, #tpu.memory_space<vmem>> -> memref<128xi32, #tpu.memory_space<vmem>>
      %dma_start3A_320 = arith.constant 0 : i32
      %dma_start3A_321 = tpu.memref_slice %arg3[%add3A, %add3A_309, %dma_start3A_320] : memref<32x80x128xi32, #tpu.memory_space<hbm>> -> memref<1x1x128xi32, #tpu.memory_space<hbm>>
      %dma_start3A_322 = tpu.memref_squeeze %dma_start3A_321 : memref<1x1x128xi32, #tpu.memory_space<hbm>> -> memref<128xi32, #tpu.memory_space<hbm>>
      tpu.enqueue_dma source(%dma_start3A_322 : memref<128xi32, #tpu.memory_space<hbm>>) target(%dma_start3A_319 : memref<128xi32, #tpu.memory_space<vmem>>) target_semaphore(%arg13 : memref<!tpu.dma_semaphore, #tpu.memory_space<semaphore_mem>>)
      %dma_start3A_323 = arith.constant 1 : i32
      %dma_start3A_324 = arith.constant 0 : i32
      %dma_start3A_325 = tpu.memref_slice %arg7[%dma_start3A_323, %dma_start3A_324] : memref<2x128xi32, #tpu.memory_space<vmem>> -> memref<1x128xi32, #tpu.memory_space<vmem>>
      %dma_start3A_326 = tpu.memref_squeeze %dma_start3A_325 : memref<1x128xi32, #tpu.memory_space<vmem>> -> memref<128xi32, #tpu.memory_space<vmem>>
      %dma_start3A_327 = arith.constant 0 : i32
      %dma_start3A_328 = tpu.memref_slice %arg4[%add3A, %add3A_309, %dma_start3A_327] : memref<32x80x128xi32, #tpu.memory_space<hbm>> -> memref<1x1x128xi32, #tpu.memory_space<hbm>>
      %dma_start3A_329 = tpu.memref_squeeze %dma_start3A_328 : memref<1x1x128xi32, #tpu.memory_space<hbm>> -> memref<128xi32, #tpu.memory_space<hbm>>
      %dma_start3A_330 = arith.constant 0 : i32
      %dma_start3A_331 = tpu.memref_slice %arg7[%dma_start3A_323, %dma_start3A_330] : memref<2x128xi32, #tpu.memory_space<vmem>> -> memref<1x128xi32, #tpu.memory_space<vmem>>
      %dma_start3A_332 = tpu.memref_squeeze %dma_start3A_331 : memref<1x128xi32, #tpu.memory_space<vmem>> -> memref<128xi32, #tpu.memory_space<vmem>>
      %dma_start3A_333 = arith.constant 0 : i32
      %dma_start3A_334 = tpu.memref_slice %arg4[%add3A, %add3A_309, %dma_start3A_333] : memref<32x80x128xi32, #tpu.memory_space<hbm>> -> memref<1x1x128xi32, #tpu.memory_space<hbm>>
      %dma_start3A_335 = tpu.memref_squeeze %dma_start3A_334 : memref<1x1x128xi32, #tpu.memory_space<hbm>> -> memref<128xi32, #tpu.memory_space<hbm>>
      tpu.enqueue_dma source(%dma_start3A_335 : memref<128xi32, #tpu.memory_space<hbm>>) target(%dma_start3A_332 : memref<128xi32, #tpu.memory_space<vmem>>) target_semaphore(%arg15 : memref<!tpu.dma_semaphore, #tpu.memory_space<semaphore_mem>>)
      %add3A_336 = arith.constant 1 : i32
      %add3A_337 = arith.addi %add3A_293, %add3A_336 : i32
      %dma_wait3A_338 = arith.constant 0 : i32
      %dma_wait3A_339 = arith.constant 0 : i32
      %dma_wait3A_340 = tpu.memref_slice %arg6[%dma_wait3A_338, %dma_wait3A_339] : memref<2x128xi32, #tpu.memory_space<vmem>> -> memref<1x128xi32, #tpu.memory_space<vmem>>
      %dma_wait3A_341 = tpu.memref_squeeze %dma_wait3A_340 : memref<1x128xi32, #tpu.memory_space<vmem>> -> memref<128xi32, #tpu.memory_space<vmem>>
      %dma_wait3A_342 = arith.constant 0 : i32
      %dma_wait3A_343 = tpu.memref_slice %arg3[%add3A, %add3A_337, %dma_wait3A_342] : memref<32x80x128xi32, #tpu.memory_space<hbm>> -> memref<1x1x128xi32, #tpu.memory_space<hbm>>
      %dma_wait3A_344 = tpu.memref_squeeze %dma_wait3A_343 : memref<1x1x128xi32, #tpu.memory_space<hbm>> -> memref<128xi32, #tpu.memory_space<hbm>>
      %dma_wait3A_345 = arith.constant 0 : i32
      %dma_wait3A_346 = tpu.memref_slice %arg6[%dma_wait3A_338, %dma_wait3A_345] : memref<2x128xi32, #tpu.memory_space<vmem>> -> memref<1x128xi32, #tpu.memory_space<vmem>>
      %dma_wait3A_347 = tpu.memref_squeeze %dma_wait3A_346 : memref<1x128xi32, #tpu.memory_space<vmem>> -> memref<128xi32, #tpu.memory_space<vmem>>
      %dma_wait3A_348 = arith.constant 0 : i32
      %dma_wait3A_349 = tpu.memref_slice %arg3[%add3A, %add3A_337, %dma_wait3A_348] : memref<32x80x128xi32, #tpu.memory_space<hbm>> -> memref<1x1x128xi32, #tpu.memory_space<hbm>>
      %dma_wait3A_350 = tpu.memref_squeeze %dma_wait3A_349 : memref<1x1x128xi32, #tpu.memory_space<hbm>> -> memref<128xi32, #tpu.memory_space<hbm>>
      tpu.wait_dma2 semaphore(%arg12 : memref<!tpu.dma_semaphore, #tpu.memory_space<semaphore_mem>>) src(%dma_wait3A_350 : memref<128xi32, #tpu.memory_space<hbm>>) dst(%dma_wait3A_347 : memref<128xi32, #tpu.memory_space<vmem>>)
      %dma_wait3A_351 = arith.constant 0 : i32
      %dma_wait3A_352 = arith.constant 0 : i32
      %dma_wait3A_353 = tpu.memref_slice %arg7[%dma_wait3A_351, %dma_wait3A_352] : memref<2x128xi32, #tpu.memory_space<vmem>> -> memref<1x128xi32, #tpu.memory_space<vmem>>
      %dma_wait3A_354 = tpu.memref_squeeze %dma_wait3A_353 : memref<1x128xi32, #tpu.memory_space<vmem>> -> memref<128xi32, #tpu.memory_space<vmem>>
      %dma_wait3A_355 = arith.constant 0 : i32
      %dma_wait3A_356 = tpu.memref_slice %arg4[%add3A, %add3A_337, %dma_wait3A_355] : memref<32x80x128xi32, #tpu.memory_space<hbm>> -> memref<1x1x128xi32, #tpu.memory_space<hbm>>
      %dma_wait3A_357 = tpu.memref_squeeze %dma_wait3A_356 : memref<1x1x128xi32, #tpu.memory_space<hbm>> -> memref<128xi32, #tpu.memory_space<hbm>>
      %dma_wait3A_358 = arith.constant 0 : i32
      %dma_wait3A_359 = tpu.memref_slice %arg7[%dma_wait3A_351, %dma_wait3A_358] : memref<2x128xi32, #tpu.memory_space<vmem>> -> memref<1x128xi32, #tpu.memory_space<vmem>>
      %dma_wait3A_360 = tpu.memref_squeeze %dma_wait3A_359 : memref<1x128xi32, #tpu.memory_space<vmem>> -> memref<128xi32, #tpu.memory_space<vmem>>
      %dma_wait3A_361 = arith.constant 0 : i32
      %dma_wait3A_362 = tpu.memref_slice %arg4[%add3A, %add3A_337, %dma_wait3A_361] : memref<32x80x128xi32, #tpu.memory_space<hbm>> -> memref<1x1x128xi32, #tpu.memory_space<hbm>>
      %dma_wait3A_363 = tpu.memref_squeeze %dma_wait3A_362 : memref<1x1x128xi32, #tpu.memory_space<hbm>> -> memref<128xi32, #tpu.memory_space<hbm>>
      tpu.wait_dma2 semaphore(%arg14 : memref<!tpu.dma_semaphore, #tpu.memory_space<semaphore_mem>>) src(%dma_wait3A_363 : memref<128xi32, #tpu.memory_space<hbm>>) dst(%dma_wait3A_360 : memref<128xi32, #tpu.memory_space<vmem>>)
      %add3A_364 = arith.constant 1 : i32
      %add3A_365 = arith.addi %add3A_293, %add3A_364 : i32
      %dma_start3A_366 = arith.constant 0 : i32
      %dma_start3A_367 = arith.constant 0 : i32
      %dma_start3A_368 = arith.constant 0 : i32
      %dma_start3A_369 = arith.constant 0 : i32
      %dma_start3A_370 = tpu.memref_slice %arg8[%dma_start3A_367, %dma_start3A_368, %dma_start3A_369] : memref<2x128x128xf32, #tpu.memory_space<vmem>> -> memref<1x128x128xf32, #tpu.memory_space<vmem>>
      %dma_start3A_371 = tpu.memref_squeeze %dma_start3A_370 : memref<1x128x128xf32, #tpu.memory_space<vmem>> -> memref<128x128xf32, #tpu.memory_space<vmem>>
      %dma_start3A_372 = arith.constant 0 : i32
      %dma_start3A_373 = tpu.memref_slice %arg6[%dma_start3A_366, %dma_start3A_372] : memref<2x128xi32, #tpu.memory_space<vmem>> -> memref<1x128xi32, #tpu.memory_space<vmem>>
      %dma_start3A_374 = tpu.memref_squeeze %dma_start3A_373 : memref<1x128xi32, #tpu.memory_space<vmem>> -> memref<128xi32, #tpu.memory_space<vmem>>
      %dma_start3A_375 = arith.constant 0 : i32
      %dma_start3A_376 = arith.constant 0 : i32
      %dma_start3A_377 = tpu.memref_slice %arg2[%dma_start3A_375, %dma_start3A_376] : memref<10000x128xf32, #tpu.memory_space<hbm>> -> memref<10000x128xf32, #tpu.memory_space<hbm>>
      tpu.enqueue_indirect_dma source(%dma_start3A_377 : memref<10000x128xf32, #tpu.memory_space<hbm>>) target(%dma_start3A_371 : memref<128x128xf32, #tpu.memory_space<vmem>>) offsets(%dma_start3A_374 : memref<128xi32, #tpu.memory_space<vmem>>) semaphore(%arg10 : memref<!tpu.dma_semaphore, #tpu.memory_space<semaphore_mem>>)
    }
    %scan3A_127 = arith.constant 39 : i32
    %dma_wait3A_128 = arith.constant 0 : i32
    %dma_wait3A_129 = arith.constant 0 : i32
    %dma_wait3A_130 = arith.constant 0 : i32
    %dma_wait3A_131 = arith.constant 0 : i32
    %dma_wait3A_132 = tpu.memref_slice %arg8[%dma_wait3A_129, %dma_wait3A_130, %dma_wait3A_131] : memref<2x128x128xf32, #tpu.memory_space<vmem>> -> memref<1x128x128xf32, #tpu.memory_space<vmem>>
    %dma_wait3A_133 = tpu.memref_squeeze %dma_wait3A_132 : memref<1x128x128xf32, #tpu.memory_space<vmem>> -> memref<128x128xf32, #tpu.memory_space<vmem>>
    %dma_wait3A_134 = arith.constant 0 : i32
    %dma_wait3A_135 = tpu.memref_slice %arg6[%dma_wait3A_128, %dma_wait3A_134] : memref<2x128xi32, #tpu.memory_space<vmem>> -> memref<1x128xi32, #tpu.memory_space<vmem>>
    %dma_wait3A_136 = tpu.memref_squeeze %dma_wait3A_135 : memref<1x128xi32, #tpu.memory_space<vmem>> -> memref<128xi32, #tpu.memory_space<vmem>>
    %dma_wait3A_137 = arith.constant 0 : i32
    %dma_wait3A_138 = arith.constant 0 : i32
    %dma_wait3A_139 = tpu.memref_slice %arg2[%dma_wait3A_137, %dma_wait3A_138] : memref<10000x128xf32, #tpu.memory_space<hbm>> -> memref<10000x128xf32, #tpu.memory_space<hbm>>
    tpu.wait_indirect_dma semaphore(%arg10 : memref<!tpu.dma_semaphore, #tpu.memory_space<semaphore_mem>>) src(%dma_wait3A_139 : memref<10000x128xf32, #tpu.memory_space<hbm>>) dst(%dma_wait3A_133 : memref<128x128xf32, #tpu.memory_space<vmem>>)
    %run_scoped3A_140 = arith.constant 0 : i32
    %run_scoped3A_141 = arith.constant 0 : i32
    "tpu.region"() ({
      %run_scoped3A_201 = tpu.sem_alloc : memref<!tpu.dma_semaphore, #tpu.memory_space<semaphore_mem>>
      %dma_start3A_202 = arith.constant 0 : i32
      %dma_start3A_203 = arith.constant 0 : i32
      %dma_start3A_204 = tpu.memref_slice %arg8[%run_scoped3A_140, %dma_start3A_202, %dma_start3A_203] : memref<2x128x128xf32, #tpu.memory_space<vmem>> -> memref<1x128x128xf32, #tpu.memory_space<vmem>>
      %dma_start3A_205 = tpu.memref_squeeze %dma_start3A_204 : memref<1x128x128xf32, #tpu.memory_space<vmem>> -> memref<128x128xf32, #tpu.memory_space<vmem>>
      %dma_start3A_206 = arith.constant 0 : i32
      %dma_start3A_207 = tpu.memref_slice %arg7[%run_scoped3A_141, %dma_start3A_206] : memref<2x128xi32, #tpu.memory_space<vmem>> -> memref<1x128xi32, #tpu.memory_space<vmem>>
      %dma_start3A_208 = tpu.memref_squeeze %dma_start3A_207 : memref<1x128xi32, #tpu.memory_space<vmem>> -> memref<128xi32, #tpu.memory_space<vmem>>
      %dma_start3A_209 = arith.constant 0 : i32
      %dma_start3A_210 = arith.constant 0 : i32
      %dma_start3A_211 = tpu.memref_slice %arg9[%dma_start3A_209, %dma_start3A_210] : memref<10240x128xf32, #tpu.memory_space<vmem_shared>> -> memref<10240x128xf32, #tpu.memory_space<vmem_shared>>
      tpu.enqueue_indirect_dma source(%dma_start3A_205 : memref<128x128xf32, #tpu.memory_space<vmem>>) target(%dma_start3A_211 : memref<10240x128xf32, #tpu.memory_space<vmem_shared>>) offsets(%dma_start3A_208 : memref<128xi32, #tpu.memory_space<vmem>>) semaphore(%run_scoped3A_201 : memref<!tpu.dma_semaphore, #tpu.memory_space<semaphore_mem>>) {add = true}
      %dma_wait3A_212 = arith.constant 0 : i32
      %dma_wait3A_213 = arith.constant 0 : i32
      %dma_wait3A_214 = tpu.memref_slice %arg8[%run_scoped3A_140, %dma_wait3A_212, %dma_wait3A_213] : memref<2x128x128xf32, #tpu.memory_space<vmem>> -> memref<1x128x128xf32, #tpu.memory_space<vmem>>
      %dma_wait3A_215 = tpu.memref_squeeze %dma_wait3A_214 : memref<1x128x128xf32, #tpu.memory_space<vmem>> -> memref<128x128xf32, #tpu.memory_space<vmem>>
      %dma_wait3A_216 = arith.constant 0 : i32
      %dma_wait3A_217 = tpu.memref_slice %arg7[%run_scoped3A_141, %dma_wait3A_216] : memref<2x128xi32, #tpu.memory_space<vmem>> -> memref<1x128xi32, #tpu.memory_space<vmem>>
      %dma_wait3A_218 = tpu.memref_squeeze %dma_wait3A_217 : memref<1x128xi32, #tpu.memory_space<vmem>> -> memref<128xi32, #tpu.memory_space<vmem>>
      %dma_wait3A_219 = arith.constant 0 : i32
      %dma_wait3A_220 = arith.constant 0 : i32
      %dma_wait3A_221 = tpu.memref_slice %arg9[%dma_wait3A_219, %dma_wait3A_220] : memref<10240x128xf32, #tpu.memory_space<vmem_shared>> -> memref<10240x128xf32, #tpu.memory_space<vmem_shared>>
      tpu.wait_indirect_dma semaphore(%run_scoped3A_201 : memref<!tpu.dma_semaphore, #tpu.memory_space<semaphore_mem>>) src(%dma_wait3A_215 : memref<128x128xf32, #tpu.memory_space<vmem>>) dst(%dma_wait3A_221 : memref<10240x128xf32, #tpu.memory_space<vmem_shared>>)
      tpu.yield
    }) : () -> ()
    %dma_wait3A_142 = arith.constant 79 : i32
    %dma_wait3A_143 = arith.constant 1 : i32
    %dma_wait3A_144 = arith.constant 0 : i32
    %dma_wait3A_145 = tpu.memref_slice %arg6[%dma_wait3A_143, %dma_wait3A_144] : memref<2x128xi32, #tpu.memory_space<vmem>> -> memref<1x128xi32, #tpu.memory_space<vmem>>
    %dma_wait3A_146 = tpu.memref_squeeze %dma_wait3A_145 : memref<1x128xi32, #tpu.memory_space<vmem>> -> memref<128xi32, #tpu.memory_space<vmem>>
    %dma_wait3A_147 = arith.constant 0 : i32
    %dma_wait3A_148 = tpu.memref_slice %arg3[%add3A, %dma_wait3A_142, %dma_wait3A_147] : memref<32x80x128xi32, #tpu.memory_space<hbm>> -> memref<1x1x128xi32, #tpu.memory_space<hbm>>
    %dma_wait3A_149 = tpu.memref_squeeze %dma_wait3A_148 : memref<1x1x128xi32, #tpu.memory_space<hbm>> -> memref<128xi32, #tpu.memory_space<hbm>>
    %dma_wait3A_150 = arith.constant 0 : i32
    %dma_wait3A_151 = tpu.memref_slice %arg6[%dma_wait3A_143, %dma_wait3A_150] : memref<2x128xi32, #tpu.memory_space<vmem>> -> memref<1x128xi32, #tpu.memory_space<vmem>>
    %dma_wait3A_152 = tpu.memref_squeeze %dma_wait3A_151 : memref<1x128xi32, #tpu.memory_space<vmem>> -> memref<128xi32, #tpu.memory_space<vmem>>
    %dma_wait3A_153 = arith.constant 0 : i32
    %dma_wait3A_154 = tpu.memref_slice %arg3[%add3A, %dma_wait3A_142, %dma_wait3A_153] : memref<32x80x128xi32, #tpu.memory_space<hbm>> -> memref<1x1x128xi32, #tpu.memory_space<hbm>>
    %dma_wait3A_155 = tpu.memref_squeeze %dma_wait3A_154 : memref<1x1x128xi32, #tpu.memory_space<hbm>> -> memref<128xi32, #tpu.memory_space<hbm>>
    tpu.wait_dma2 semaphore(%arg13 : memref<!tpu.dma_semaphore, #tpu.memory_space<semaphore_mem>>) src(%dma_wait3A_155 : memref<128xi32, #tpu.memory_space<hbm>>) dst(%dma_wait3A_152 : memref<128xi32, #tpu.memory_space<vmem>>)
    %dma_wait3A_156 = arith.constant 79 : i32
    %dma_wait3A_157 = arith.constant 1 : i32
    %dma_wait3A_158 = arith.constant 0 : i32
    %dma_wait3A_159 = tpu.memref_slice %arg7[%dma_wait3A_157, %dma_wait3A_158] : memref<2x128xi32, #tpu.memory_space<vmem>> -> memref<1x128xi32, #tpu.memory_space<vmem>>
    %dma_wait3A_160 = tpu.memref_squeeze %dma_wait3A_159 : memref<1x128xi32, #tpu.memory_space<vmem>> -> memref<128xi32, #tpu.memory_space<vmem>>
    %dma_wait3A_161 = arith.constant 0 : i32
    %dma_wait3A_162 = tpu.memref_slice %arg4[%add3A, %dma_wait3A_156, %dma_wait3A_161] : memref<32x80x128xi32, #tpu.memory_space<hbm>> -> memref<1x1x128xi32, #tpu.memory_space<hbm>>
    %dma_wait3A_163 = tpu.memref_squeeze %dma_wait3A_162 : memref<1x1x128xi32, #tpu.memory_space<hbm>> -> memref<128xi32, #tpu.memory_space<hbm>>
    %dma_wait3A_164 = arith.constant 0 : i32
    %dma_wait3A_165 = tpu.memref_slice %arg7[%dma_wait3A_157, %dma_wait3A_164] : memref<2x128xi32, #tpu.memory_space<vmem>> -> memref<1x128xi32, #tpu.memory_space<vmem>>
    %dma_wait3A_166 = tpu.memref_squeeze %dma_wait3A_165 : memref<1x128xi32, #tpu.memory_space<vmem>> -> memref<128xi32, #tpu.memory_space<vmem>>
    %dma_wait3A_167 = arith.constant 0 : i32
    %dma_wait3A_168 = tpu.memref_slice %arg4[%add3A, %dma_wait3A_156, %dma_wait3A_167] : memref<32x80x128xi32, #tpu.memory_space<hbm>> -> memref<1x1x128xi32, #tpu.memory_space<hbm>>
    %dma_wait3A_169 = tpu.memref_squeeze %dma_wait3A_168 : memref<1x1x128xi32, #tpu.memory_space<hbm>> -> memref<128xi32, #tpu.memory_space<hbm>>
    tpu.wait_dma2 semaphore(%arg15 : memref<!tpu.dma_semaphore, #tpu.memory_space<semaphore_mem>>) src(%dma_wait3A_169 : memref<128xi32, #tpu.memory_space<hbm>>) dst(%dma_wait3A_166 : memref<128xi32, #tpu.memory_space<vmem>>)
    %dma_start3A_170 = arith.constant 1 : i32
    %dma_start3A_171 = arith.constant 1 : i32
    %dma_start3A_172 = arith.constant 0 : i32
    %dma_start3A_173 = arith.constant 0 : i32
    %dma_start3A_174 = tpu.memref_slice %arg8[%dma_start3A_171, %dma_start3A_172, %dma_start3A_173] : memref<2x128x128xf32, #tpu.memory_space<vmem>> -> memref<1x128x128xf32, #tpu.memory_space<vmem>>
    %dma_start3A_175 = tpu.memref_squeeze %dma_start3A_174 : memref<1x128x128xf32, #tpu.memory_space<vmem>> -> memref<128x128xf32, #tpu.memory_space<vmem>>
    %dma_start3A_176 = arith.constant 0 : i32
    %dma_start3A_177 = tpu.memref_slice %arg6[%dma_start3A_170, %dma_start3A_176] : memref<2x128xi32, #tpu.memory_space<vmem>> -> memref<1x128xi32, #tpu.memory_space<vmem>>
    %dma_start3A_178 = tpu.memref_squeeze %dma_start3A_177 : memref<1x128xi32, #tpu.memory_space<vmem>> -> memref<128xi32, #tpu.memory_space<vmem>>
    %dma_start3A_179 = arith.constant 0 : i32
    %dma_start3A_180 = arith.constant 0 : i32
    %dma_start3A_181 = tpu.memref_slice %arg2[%dma_start3A_179, %dma_start3A_180] : memref<10000x128xf32, #tpu.memory_space<hbm>> -> memref<10000x128xf32, #tpu.memory_space<hbm>>
    tpu.enqueue_indirect_dma source(%dma_start3A_181 : memref<10000x128xf32, #tpu.memory_space<hbm>>) target(%dma_start3A_175 : memref<128x128xf32, #tpu.memory_space<vmem>>) offsets(%dma_start3A_178 : memref<128xi32, #tpu.memory_space<vmem>>) semaphore(%arg11 : memref<!tpu.dma_semaphore, #tpu.memory_space<semaphore_mem>>)
    %dma_wait3A_182 = arith.constant 1 : i32
    %dma_wait3A_183 = arith.constant 1 : i32
    %dma_wait3A_184 = arith.constant 0 : i32
    %dma_wait3A_185 = arith.constant 0 : i32
    %dma_wait3A_186 = tpu.memref_slice %arg8[%dma_wait3A_183, %dma_wait3A_184, %dma_wait3A_185] : memref<2x128x128xf32, #tpu.memory_space<vmem>> -> memref<1x128x128xf32, #tpu.memory_space<vmem>>
    %dma_wait3A_187 = tpu.memref_squeeze %dma_wait3A_186 : memref<1x128x128xf32, #tpu.memory_space<vmem>> -> memref<128x128xf32, #tpu.memory_space<vmem>>
    %dma_wait3A_188 = arith.constant 0 : i32
    %dma_wait3A_189 = tpu.memref_slice %arg6[%dma_wait3A_182, %dma_wait3A_188] : memref<2x128xi32, #tpu.memory_space<vmem>> -> memref<1x128xi32, #tpu.memory_space<vmem>>
    %dma_wait3A_190 = tpu.memref_squeeze %dma_wait3A_189 : memref<1x128xi32, #tpu.memory_space<vmem>> -> memref<128xi32, #tpu.memory_space<vmem>>
    %dma_wait3A_191 = arith.constant 0 : i32
    %dma_wait3A_192 = arith.constant 0 : i32
    %dma_wait3A_193 = tpu.memref_slice %arg2[%dma_wait3A_191, %dma_wait3A_192] : memref<10000x128xf32, #tpu.memory_space<hbm>> -> memref<10000x128xf32, #tpu.memory_space<hbm>>
    tpu.wait_indirect_dma semaphore(%arg11 : memref<!tpu.dma_semaphore, #tpu.memory_space<semaphore_mem>>) src(%dma_wait3A_193 : memref<10000x128xf32, #tpu.memory_space<hbm>>) dst(%dma_wait3A_187 : memref<128x128xf32, #tpu.memory_space<vmem>>)
    %run_scoped3A_194 = arith.constant 1 : i32
    %run_scoped3A_195 = arith.constant 1 : i32
    "tpu.region"() ({
      %run_scoped3A_201 = tpu.sem_alloc : memref<!tpu.dma_semaphore, #tpu.memory_space<semaphore_mem>>
      %dma_start3A_202 = arith.constant 0 : i32
      %dma_start3A_203 = arith.constant 0 : i32
      %dma_start3A_204 = tpu.memref_slice %arg8[%run_scoped3A_194, %dma_start3A_202, %dma_start3A_203] : memref<2x128x128xf32, #tpu.memory_space<vmem>> -> memref<1x128x128xf32, #tpu.memory_space<vmem>>
      %dma_start3A_205 = tpu.memref_squeeze %dma_start3A_204 : memref<1x128x128xf32, #tpu.memory_space<vmem>> -> memref<128x128xf32, #tpu.memory_space<vmem>>
      %dma_start3A_206 = arith.constant 0 : i32
      %dma_start3A_207 = tpu.memref_slice %arg7[%run_scoped3A_195, %dma_start3A_206] : memref<2x128xi32, #tpu.memory_space<vmem>> -> memref<1x128xi32, #tpu.memory_space<vmem>>
      %dma_start3A_208 = tpu.memref_squeeze %dma_start3A_207 : memref<1x128xi32, #tpu.memory_space<vmem>> -> memref<128xi32, #tpu.memory_space<vmem>>
      %dma_start3A_209 = arith.constant 0 : i32
      %dma_start3A_210 = arith.constant 0 : i32
      %dma_start3A_211 = tpu.memref_slice %arg9[%dma_start3A_209, %dma_start3A_210] : memref<10240x128xf32, #tpu.memory_space<vmem_shared>> -> memref<10240x128xf32, #tpu.memory_space<vmem_shared>>
      tpu.enqueue_indirect_dma source(%dma_start3A_205 : memref<128x128xf32, #tpu.memory_space<vmem>>) target(%dma_start3A_211 : memref<10240x128xf32, #tpu.memory_space<vmem_shared>>) offsets(%dma_start3A_208 : memref<128xi32, #tpu.memory_space<vmem>>) semaphore(%run_scoped3A_201 : memref<!tpu.dma_semaphore, #tpu.memory_space<semaphore_mem>>) {add = true}
      %dma_wait3A_212 = arith.constant 0 : i32
      %dma_wait3A_213 = arith.constant 0 : i32
      %dma_wait3A_214 = tpu.memref_slice %arg8[%run_scoped3A_194, %dma_wait3A_212, %dma_wait3A_213] : memref<2x128x128xf32, #tpu.memory_space<vmem>> -> memref<1x128x128xf32, #tpu.memory_space<vmem>>
      %dma_wait3A_215 = tpu.memref_squeeze %dma_wait3A_214 : memref<1x128x128xf32, #tpu.memory_space<vmem>> -> memref<128x128xf32, #tpu.memory_space<vmem>>
      %dma_wait3A_216 = arith.constant 0 : i32
      %dma_wait3A_217 = tpu.memref_slice %arg7[%run_scoped3A_195, %dma_wait3A_216] : memref<2x128xi32, #tpu.memory_space<vmem>> -> memref<1x128xi32, #tpu.memory_space<vmem>>
      %dma_wait3A_218 = tpu.memref_squeeze %dma_wait3A_217 : memref<1x128xi32, #tpu.memory_space<vmem>> -> memref<128xi32, #tpu.memory_space<vmem>>
      %dma_wait3A_219 = arith.constant 0 : i32
      %dma_wait3A_220 = arith.constant 0 : i32
      %dma_wait3A_221 = tpu.memref_slice %arg9[%dma_wait3A_219, %dma_wait3A_220] : memref<10240x128xf32, #tpu.memory_space<vmem_shared>> -> memref<10240x128xf32, #tpu.memory_space<vmem_shared>>
      tpu.wait_indirect_dma semaphore(%run_scoped3A_201 : memref<!tpu.dma_semaphore, #tpu.memory_space<semaphore_mem>>) src(%dma_wait3A_215 : memref<128x128xf32, #tpu.memory_space<vmem>>) dst(%dma_wait3A_221 : memref<10240x128xf32, #tpu.memory_space<vmem_shared>>)
      tpu.yield
    }) : () -> ()
    %barrier3A_196 = arith.constant 0 : index
    tpu.barrier barrier_id(%barrier3A_196)
    %mul3A_197 = arith.constant 640 : i32
    %mul3A_198 = arith.muli %arg1, %mul3A_197 : i32
    %mul3A_199 = arith.constant 640 : i32
    %mul3A_200 = arith.muli %arg1, %mul3A_199 : i32
    "tpu.region"() ({
      %run_scoped3A_201 = tpu.sem_alloc : memref<!tpu.dma_semaphore, #tpu.memory_space<semaphore_mem>>
      %dma_start3A_202 = arith.constant 0 : i32
      %dma_start3A_203 = tpu.memref_slice %arg5[%arg0, %mul3A_200, %dma_start3A_202] : memref<2x10240x128xf32, #tpu.memory_space<hbm>> -> memref<1x640x128xf32, #tpu.memory_space<hbm>>
      %dma_start3A_204 = tpu.memref_squeeze %dma_start3A_203 : memref<1x640x128xf32, #tpu.memory_space<hbm>> -> memref<640x128xf32, #tpu.memory_space<hbm>>
      %dma_start3A_205 = arith.constant 0 : i32
      %dma_start3A_206 = tpu.memref_slice %arg9[%mul3A_198, %dma_start3A_205] : memref<10240x128xf32, #tpu.memory_space<vmem_shared>> -> memref<640x128xf32, #tpu.memory_space<vmem_shared>>
      tpu.enqueue_dma source(%dma_start3A_206 : memref<640x128xf32, #tpu.memory_space<vmem_shared>>) target(%dma_start3A_204 : memref<640x128xf32, #tpu.memory_space<hbm>>) target_semaphore(%run_scoped3A_201 : memref<!tpu.dma_semaphore, #tpu.memory_space<semaphore_mem>>)
      %dma_wait3A_207 = arith.constant 0 : i32
      %dma_wait3A_208 = tpu.memref_slice %arg5[%arg0, %mul3A_200, %dma_wait3A_207] : memref<2x10240x128xf32, #tpu.memory_space<hbm>> -> memref<1x640x128xf32, #tpu.memory_space<hbm>>
      %dma_wait3A_209 = tpu.memref_squeeze %dma_wait3A_208 : memref<1x640x128xf32, #tpu.memory_space<hbm>> -> memref<640x128xf32, #tpu.memory_space<hbm>>
      %dma_wait3A_210 = arith.constant 0 : i32
      %dma_wait3A_211 = tpu.memref_slice %arg9[%mul3A_198, %dma_wait3A_210] : memref<10240x128xf32, #tpu.memory_space<vmem_shared>> -> memref<640x128xf32, #tpu.memory_space<vmem_shared>>
      tpu.wait_dma2 semaphore(%run_scoped3A_201 : memref<!tpu.dma_semaphore, #tpu.memory_space<semaphore_mem>>) src(%dma_wait3A_211 : memref<640x128xf32, #tpu.memory_space<vmem_shared>>) dst(%dma_wait3A_209 : memref<640x128xf32, #tpu.memory_space<hbm>>)
      tpu.yield
    }) : () -> ()
    return
  }
}

#map = affine_map<(d0, d1) -> (0, 0, 0)>
module attributes {stable_mosaic.version = 14 : i64} {
  func.func @_sc_cnt_body(%arg0: i32, %arg1: i32, %arg2: memref<32x80x128xi32, #tpu.memory_space<hbm>>, %arg3: memref<2x10240x128xf32, #tpu.memory_space<hbm>>, %arg4: memref<80x128xi32, #tpu.memory_space<vmem>>, %arg5: memref<128x128xf32, #tpu.memory_space<vmem>>, %arg6: memref<10240x128xf32, #tpu.memory_space<vmem_shared>>, %arg7: memref<!tpu.dma_semaphore, #tpu.memory_space<semaphore_mem>>) attributes {dimension_semantics = [#tpu.dimension_semantics<core_parallel>, #tpu.dimension_semantics<subcore_parallel>], iteration_bounds = array<i64: 2, 16>, scalar_prefetch = 0 : i64, scratch_operands = 4 : i64, tpu.core_type = #tpu.core_type<sc_vector_subcore>, window_params = [{transform_indices = #map}, {transform_indices = #map}]} {
    %mul3A = arith.constant 16 : i32
    %mul3A_0 = arith.muli %arg0, %mul3A : i32
    %add3A = arith.addi %mul3A_0, %arg1 : i32
    %scan3A = arith.constant 0 : i32
    %scan3A_1 = arith.constant 1024 : i32
    %scan3A_2 = arith.addi %scan3A, %scan3A_1 : i32
    %scan3A_3 = arith.constant 1 : i32
    scf.for %scan3A_40 = %scan3A to %scan3A_2 step %scan3A_3  : i32 {
      %jit3A = arith.constant 8 : i32
      %div3A = arith.divsi %scan3A_40, %jit3A : i32
      %sign3A = arith.constant 0 : i32
      %sign3A_41 = arith.cmpi sgt, %scan3A_40, %sign3A : i32
      %sign3A_42 = arith.extui %sign3A_41 : i1 to i32
      %sign3A_43 = arith.constant 0 : i32
      %sign3A_44 = arith.cmpi slt, %scan3A_40, %sign3A_43 : i32
      %sign3A_45 = arith.extui %sign3A_44 : i1 to i32
      %sign3A_46 = arith.subi %sign3A_42, %sign3A_45 : i32
      %sign3A_47 = arith.constant 0 : i32
      %sign3A_48 = arith.cmpi sgt, %jit3A, %sign3A_47 : i32
      %sign3A_49 = arith.extui %sign3A_48 : i1 to i32
      %sign3A_50 = arith.constant 0 : i32
      %sign3A_51 = arith.cmpi slt, %jit3A, %sign3A_50 : i32
      %sign3A_52 = arith.extui %sign3A_51 : i1 to i32
      %sign3A_53 = arith.subi %sign3A_49, %sign3A_52 : i32
      %ne3A = arith.cmpi ne, %sign3A_46, %sign3A_53 : i32
      %rem3A = arith.remsi %scan3A_40, %jit3A : i32
      %ne3A_54 = arith.constant 0 : i32
      %ne3A_55 = arith.cmpi ne, %rem3A, %ne3A_54 : i32
      %and3A = arith.andi %ne3A, %ne3A_55 : i1
      %sub3A = arith.constant 1 : i32
      %sub3A_56 = arith.subi %div3A, %sub3A : i32
      %select_n3A = arith.select %and3A, %sub3A_56, %div3A : i32
      %jit3A_57 = arith.constant 8 : i32
      %eq3A = arith.constant 0 : i32
      %eq3A_58 = arith.cmpi eq, %jit3A_57, %eq3A : i32
      %jit3A_59 = arith.constant 1 : i32
      %select_n3A_60 = arith.select %eq3A_58, %jit3A_59, %jit3A_57 : i32
      %rem3A_61 = arith.remsi %scan3A_40, %select_n3A_60 : i32
      %ne3A_62 = arith.constant 0 : i32
      %ne3A_63 = arith.cmpi ne, %rem3A_61, %ne3A_62 : i32
      %lt3A = arith.constant 0 : i32
      %lt3A_64 = arith.cmpi slt, %rem3A_61, %lt3A : i32
      %lt3A_65 = arith.constant 0 : i32
      %lt3A_66 = arith.cmpi slt, %select_n3A_60, %lt3A_65 : i32
      %ne3A_67 = arith.xori %lt3A_64, %lt3A_66 : i1
      %and3A_68 = arith.andi %ne3A_67, %ne3A_63 : i1
      %add3A_69 = arith.addi %rem3A_61, %select_n3A_60 : i32
      %select_n3A_70 = arith.select %and3A_68, %add3A_69, %rem3A_61 : i32
      %mul3A_71 = arith.constant 16 : i32
      %mul3A_72 = arith.muli %select_n3A_70, %mul3A_71 : i32
      %broadcast_in_dim3A = arith.constant 0.000000e+00 : f32
      %broadcast_in_dim3A_73 = vector.broadcast %broadcast_in_dim3A : f32 to vector<16xf32>
      %swap3A = arith.index_cast %select_n3A : i32 to index
      %swap3A_74 = arith.index_cast %mul3A_72 : i32 to index
      %swap3A_75 = tpu.vector_load %arg5[%swap3A, %swap3A_74] {strides = array<i32>} : memref<128x128xf32, #tpu.memory_space<vmem>>, vector<1x16xf32>,
      %swap3A_76 = vector.shape_cast %swap3A_75 : vector<1x16xf32> to vector<16xf32>
      %swap3A_77 = vector.shape_cast %broadcast_in_dim3A_73 : vector<16xf32> to vector<1x16xf32>
      tpu.vector_store %arg5[%swap3A, %swap3A_74], %swap3A_77 {strides = array<i32>} : memref<128x128xf32, #tpu.memory_space<vmem>>, vector<1x16xf32>,
    }
    %scan3A_4 = arith.constant 1024 : i32
    %mul3A_5 = arith.constant 640 : i32
    %mul3A_6 = arith.muli %arg1, %mul3A_5 : i32
    %add3A_7 = arith.constant 0 : i32
    %add3A_8 = arith.addi %mul3A_6, %add3A_7 : i32
    "tpu.region"() ({
      %run_scoped3A = tpu.sem_alloc : memref<!tpu.dma_semaphore, #tpu.memory_space<semaphore_mem>>
      %dma_start3A = arith.constant 0 : i32
      %dma_start3A_40 = tpu.memref_slice %arg6[%add3A_8, %dma_start3A] : memref<10240x128xf32, #tpu.memory_space<vmem_shared>> -> memref<128x128xf32, #tpu.memory_space<vmem_shared>>
      %dma_start3A_41 = arith.constant 0 : i32
      %dma_start3A_42 = tpu.memref_slice %arg6[%add3A_8, %dma_start3A_41] : memref<10240x128xf32, #tpu.memory_space<vmem_shared>> -> memref<128x128xf32, #tpu.memory_space<vmem_shared>>
      tpu.enqueue_dma source(%arg5 : memref<128x128xf32, #tpu.memory_space<vmem>>) target(%dma_start3A_42 : memref<128x128xf32, #tpu.memory_space<vmem_shared>>) target_semaphore(%run_scoped3A : memref<!tpu.dma_semaphore, #tpu.memory_space<semaphore_mem>>)
      %dma_wait3A = arith.constant 0 : i32
      %dma_wait3A_43 = tpu.memref_slice %arg6[%add3A_8, %dma_wait3A] : memref<10240x128xf32, #tpu.memory_space<vmem_shared>> -> memref<128x128xf32, #tpu.memory_space<vmem_shared>>
      %dma_wait3A_44 = arith.constant 0 : i32
      %dma_wait3A_45 = tpu.memref_slice %arg6[%add3A_8, %dma_wait3A_44] : memref<10240x128xf32, #tpu.memory_space<vmem_shared>> -> memref<128x128xf32, #tpu.memory_space<vmem_shared>>
      tpu.wait_dma2 semaphore(%run_scoped3A : memref<!tpu.dma_semaphore, #tpu.memory_space<semaphore_mem>>) src(%arg5 : memref<128x128xf32, #tpu.memory_space<vmem>>) dst(%dma_wait3A_45 : memref<128x128xf32, #tpu.memory_space<vmem_shared>>)
      tpu.yield
    }) : () -> ()
    %mul3A_9 = arith.constant 640 : i32
    %mul3A_10 = arith.muli %arg1, %mul3A_9 : i32
    %add3A_11 = arith.constant 128 : i32
    %add3A_12 = arith.addi %mul3A_10, %add3A_11 : i32
    "tpu.region"() ({
      %run_scoped3A = tpu.sem_alloc : memref<!tpu.dma_semaphore, #tpu.memory_space<semaphore_mem>>
      %dma_start3A = arith.constant 0 : i32
      %dma_start3A_40 = tpu.memref_slice %arg6[%add3A_12, %dma_start3A] : memref<10240x128xf32, #tpu.memory_space<vmem_shared>> -> memref<128x128xf32, #tpu.memory_space<vmem_shared>>
      %dma_start3A_41 = arith.constant 0 : i32
      %dma_start3A_42 = tpu.memref_slice %arg6[%add3A_12, %dma_start3A_41] : memref<10240x128xf32, #tpu.memory_space<vmem_shared>> -> memref<128x128xf32, #tpu.memory_space<vmem_shared>>
      tpu.enqueue_dma source(%arg5 : memref<128x128xf32, #tpu.memory_space<vmem>>) target(%dma_start3A_42 : memref<128x128xf32, #tpu.memory_space<vmem_shared>>) target_semaphore(%run_scoped3A : memref<!tpu.dma_semaphore, #tpu.memory_space<semaphore_mem>>)
      %dma_wait3A = arith.constant 0 : i32
      %dma_wait3A_43 = tpu.memref_slice %arg6[%add3A_12, %dma_wait3A] : memref<10240x128xf32, #tpu.memory_space<vmem_shared>> -> memref<128x128xf32, #tpu.memory_space<vmem_shared>>
      %dma_wait3A_44 = arith.constant 0 : i32
      %dma_wait3A_45 = tpu.memref_slice %arg6[%add3A_12, %dma_wait3A_44] : memref<10240x128xf32, #tpu.memory_space<vmem_shared>> -> memref<128x128xf32, #tpu.memory_space<vmem_shared>>
      tpu.wait_dma2 semaphore(%run_scoped3A : memref<!tpu.dma_semaphore, #tpu.memory_space<semaphore_mem>>) src(%arg5 : memref<128x128xf32, #tpu.memory_space<vmem>>) dst(%dma_wait3A_45 : memref<128x128xf32, #tpu.memory_space<vmem_shared>>)
      tpu.yield
    }) : () -> ()
    %mul3A_13 = arith.constant 640 : i32
    %mul3A_14 = arith.muli %arg1, %mul3A_13 : i32
    %add3A_15 = arith.constant 256 : i32
    %add3A_16 = arith.addi %mul3A_14, %add3A_15 : i32
    "tpu.region"() ({
      %run_scoped3A = tpu.sem_alloc : memref<!tpu.dma_semaphore, #tpu.memory_space<semaphore_mem>>
      %dma_start3A = arith.constant 0 : i32
      %dma_start3A_40 = tpu.memref_slice %arg6[%add3A_16, %dma_start3A] : memref<10240x128xf32, #tpu.memory_space<vmem_shared>> -> memref<128x128xf32, #tpu.memory_space<vmem_shared>>
      %dma_start3A_41 = arith.constant 0 : i32
      %dma_start3A_42 = tpu.memref_slice %arg6[%add3A_16, %dma_start3A_41] : memref<10240x128xf32, #tpu.memory_space<vmem_shared>> -> memref<128x128xf32, #tpu.memory_space<vmem_shared>>
      tpu.enqueue_dma source(%arg5 : memref<128x128xf32, #tpu.memory_space<vmem>>) target(%dma_start3A_42 : memref<128x128xf32, #tpu.memory_space<vmem_shared>>) target_semaphore(%run_scoped3A : memref<!tpu.dma_semaphore, #tpu.memory_space<semaphore_mem>>)
      %dma_wait3A = arith.constant 0 : i32
      %dma_wait3A_43 = tpu.memref_slice %arg6[%add3A_16, %dma_wait3A] : memref<10240x128xf32, #tpu.memory_space<vmem_shared>> -> memref<128x128xf32, #tpu.memory_space<vmem_shared>>
      %dma_wait3A_44 = arith.constant 0 : i32
      %dma_wait3A_45 = tpu.memref_slice %arg6[%add3A_16, %dma_wait3A_44] : memref<10240x128xf32, #tpu.memory_space<vmem_shared>> -> memref<128x128xf32, #tpu.memory_space<vmem_shared>>
      tpu.wait_dma2 semaphore(%run_scoped3A : memref<!tpu.dma_semaphore, #tpu.memory_space<semaphore_mem>>) src(%arg5 : memref<128x128xf32, #tpu.memory_space<vmem>>) dst(%dma_wait3A_45 : memref<128x128xf32, #tpu.memory_space<vmem_shared>>)
      tpu.yield
    }) : () -> ()
    %mul3A_17 = arith.constant 640 : i32
    %mul3A_18 = arith.muli %arg1, %mul3A_17 : i32
    %add3A_19 = arith.constant 384 : i32
    %add3A_20 = arith.addi %mul3A_18, %add3A_19 : i32
    "tpu.region"() ({
      %run_scoped3A = tpu.sem_alloc : memref<!tpu.dma_semaphore, #tpu.memory_space<semaphore_mem>>
      %dma_start3A = arith.constant 0 : i32
      %dma_start3A_40 = tpu.memref_slice %arg6[%add3A_20, %dma_start3A] : memref<10240x128xf32, #tpu.memory_space<vmem_shared>> -> memref<128x128xf32, #tpu.memory_space<vmem_shared>>
      %dma_start3A_41 = arith.constant 0 : i32
      %dma_start3A_42 = tpu.memref_slice %arg6[%add3A_20, %dma_start3A_41] : memref<10240x128xf32, #tpu.memory_space<vmem_shared>> -> memref<128x128xf32, #tpu.memory_space<vmem_shared>>
      tpu.enqueue_dma source(%arg5 : memref<128x128xf32, #tpu.memory_space<vmem>>) target(%dma_start3A_42 : memref<128x128xf32, #tpu.memory_space<vmem_shared>>) target_semaphore(%run_scoped3A : memref<!tpu.dma_semaphore, #tpu.memory_space<semaphore_mem>>)
      %dma_wait3A = arith.constant 0 : i32
      %dma_wait3A_43 = tpu.memref_slice %arg6[%add3A_20, %dma_wait3A] : memref<10240x128xf32, #tpu.memory_space<vmem_shared>> -> memref<128x128xf32, #tpu.memory_space<vmem_shared>>
      %dma_wait3A_44 = arith.constant 0 : i32
      %dma_wait3A_45 = tpu.memref_slice %arg6[%add3A_20, %dma_wait3A_44] : memref<10240x128xf32, #tpu.memory_space<vmem_shared>> -> memref<128x128xf32, #tpu.memory_space<vmem_shared>>
      tpu.wait_dma2 semaphore(%run_scoped3A : memref<!tpu.dma_semaphore, #tpu.memory_space<semaphore_mem>>) src(%arg5 : memref<128x128xf32, #tpu.memory_space<vmem>>) dst(%dma_wait3A_45 : memref<128x128xf32, #tpu.memory_space<vmem_shared>>)
      tpu.yield
    }) : () -> ()
    %mul3A_21 = arith.constant 640 : i32
    %mul3A_22 = arith.muli %arg1, %mul3A_21 : i32
    %add3A_23 = arith.constant 512 : i32
    %add3A_24 = arith.addi %mul3A_22, %add3A_23 : i32
    "tpu.region"() ({
      %run_scoped3A = tpu.sem_alloc : memref<!tpu.dma_semaphore, #tpu.memory_space<semaphore_mem>>
      %dma_start3A = arith.constant 0 : i32
      %dma_start3A_40 = tpu.memref_slice %arg6[%add3A_24, %dma_start3A] : memref<10240x128xf32, #tpu.memory_space<vmem_shared>> -> memref<128x128xf32, #tpu.memory_space<vmem_shared>>
      %dma_start3A_41 = arith.constant 0 : i32
      %dma_start3A_42 = tpu.memref_slice %arg6[%add3A_24, %dma_start3A_41] : memref<10240x128xf32, #tpu.memory_space<vmem_shared>> -> memref<128x128xf32, #tpu.memory_space<vmem_shared>>
      tpu.enqueue_dma source(%arg5 : memref<128x128xf32, #tpu.memory_space<vmem>>) target(%dma_start3A_42 : memref<128x128xf32, #tpu.memory_space<vmem_shared>>) target_semaphore(%run_scoped3A : memref<!tpu.dma_semaphore, #tpu.memory_space<semaphore_mem>>)
      %dma_wait3A = arith.constant 0 : i32
      %dma_wait3A_43 = tpu.memref_slice %arg6[%add3A_24, %dma_wait3A] : memref<10240x128xf32, #tpu.memory_space<vmem_shared>> -> memref<128x128xf32, #tpu.memory_space<vmem_shared>>
      %dma_wait3A_44 = arith.constant 0 : i32
      %dma_wait3A_45 = tpu.memref_slice %arg6[%add3A_24, %dma_wait3A_44] : memref<10240x128xf32, #tpu.memory_space<vmem_shared>> -> memref<128x128xf32, #tpu.memory_space<vmem_shared>>
      tpu.wait_dma2 semaphore(%run_scoped3A : memref<!tpu.dma_semaphore, #tpu.memory_space<semaphore_mem>>) src(%arg5 : memref<128x128xf32, #tpu.memory_space<vmem>>) dst(%dma_wait3A_45 : memref<128x128xf32, #tpu.memory_space<vmem_shared>>)
      tpu.yield
    }) : () -> ()
    %scan3A_25 = arith.constant 0 : i32
    %scan3A_26 = arith.constant 1024 : i32
    %scan3A_27 = arith.addi %scan3A_25, %scan3A_26 : i32
    %scan3A_28 = arith.constant 1 : i32
    scf.for %scan3A_40 = %scan3A_25 to %scan3A_27 step %scan3A_28  : i32 {
      %jit3A = arith.constant 8 : i32
      %div3A = arith.divsi %scan3A_40, %jit3A : i32
      %sign3A = arith.constant 0 : i32
      %sign3A_41 = arith.cmpi sgt, %scan3A_40, %sign3A : i32
      %sign3A_42 = arith.extui %sign3A_41 : i1 to i32
      %sign3A_43 = arith.constant 0 : i32
      %sign3A_44 = arith.cmpi slt, %scan3A_40, %sign3A_43 : i32
      %sign3A_45 = arith.extui %sign3A_44 : i1 to i32
      %sign3A_46 = arith.subi %sign3A_42, %sign3A_45 : i32
      %sign3A_47 = arith.constant 0 : i32
      %sign3A_48 = arith.cmpi sgt, %jit3A, %sign3A_47 : i32
      %sign3A_49 = arith.extui %sign3A_48 : i1 to i32
      %sign3A_50 = arith.constant 0 : i32
      %sign3A_51 = arith.cmpi slt, %jit3A, %sign3A_50 : i32
      %sign3A_52 = arith.extui %sign3A_51 : i1 to i32
      %sign3A_53 = arith.subi %sign3A_49, %sign3A_52 : i32
      %ne3A = arith.cmpi ne, %sign3A_46, %sign3A_53 : i32
      %rem3A = arith.remsi %scan3A_40, %jit3A : i32
      %ne3A_54 = arith.constant 0 : i32
      %ne3A_55 = arith.cmpi ne, %rem3A, %ne3A_54 : i32
      %and3A = arith.andi %ne3A, %ne3A_55 : i1
      %sub3A = arith.constant 1 : i32
      %sub3A_56 = arith.subi %div3A, %sub3A : i32
      %select_n3A = arith.select %and3A, %sub3A_56, %div3A : i32
      %jit3A_57 = arith.constant 8 : i32
      %eq3A = arith.constant 0 : i32
      %eq3A_58 = arith.cmpi eq, %jit3A_57, %eq3A : i32
      %jit3A_59 = arith.constant 1 : i32
      %select_n3A_60 = arith.select %eq3A_58, %jit3A_59, %jit3A_57 : i32
      %rem3A_61 = arith.remsi %scan3A_40, %select_n3A_60 : i32
      %ne3A_62 = arith.constant 0 : i32
      %ne3A_63 = arith.cmpi ne, %rem3A_61, %ne3A_62 : i32
      %lt3A = arith.constant 0 : i32
      %lt3A_64 = arith.cmpi slt, %rem3A_61, %lt3A : i32
      %lt3A_65 = arith.constant 0 : i32
      %lt3A_66 = arith.cmpi slt, %select_n3A_60, %lt3A_65 : i32
      %ne3A_67 = arith.xori %lt3A_64, %lt3A_66 : i1
      %and3A_68 = arith.andi %ne3A_67, %ne3A_63 : i1
      %add3A_69 = arith.addi %rem3A_61, %select_n3A_60 : i32
      %select_n3A_70 = arith.select %and3A_68, %add3A_69, %rem3A_61 : i32
      %mul3A_71 = arith.constant 16 : i32
      %mul3A_72 = arith.muli %select_n3A_70, %mul3A_71 : i32
      %broadcast_in_dim3A = arith.constant 1.000000e+00 : f32
      %broadcast_in_dim3A_73 = vector.broadcast %broadcast_in_dim3A : f32 to vector<16xf32>
      %swap3A = arith.index_cast %select_n3A : i32 to index
      %swap3A_74 = arith.index_cast %mul3A_72 : i32 to index
      %swap3A_75 = tpu.vector_load %arg5[%swap3A, %swap3A_74] {strides = array<i32>} : memref<128x128xf32, #tpu.memory_space<vmem>>, vector<1x16xf32>,
      %swap3A_76 = vector.shape_cast %swap3A_75 : vector<1x16xf32> to vector<16xf32>
      %swap3A_77 = vector.shape_cast %broadcast_in_dim3A_73 : vector<16xf32> to vector<1x16xf32>
      tpu.vector_store %arg5[%swap3A, %swap3A_74], %swap3A_77 {strides = array<i32>} : memref<128x128xf32, #tpu.memory_space<vmem>>, vector<1x16xf32>,
    }
    %scan3A_29 = arith.constant 1024 : i32
    "tpu.region"() ({
      %run_scoped3A = tpu.sem_alloc : memref<!tpu.dma_semaphore, #tpu.memory_space<semaphore_mem>>
      %dma_start3A = arith.constant 0 : i32
      %dma_start3A_40 = arith.constant 0 : i32
      %dma_start3A_41 = tpu.memref_slice %arg2[%add3A, %dma_start3A, %dma_start3A_40] : memref<32x80x128xi32, #tpu.memory_space<hbm>> -> memref<1x80x128xi32, #tpu.memory_space<hbm>>
      %dma_start3A_42 = tpu.memref_squeeze %dma_start3A_41 : memref<1x80x128xi32, #tpu.memory_space<hbm>> -> memref<80x128xi32, #tpu.memory_space<hbm>>
      %dma_start3A_43 = arith.constant 0 : i32
      %dma_start3A_44 = arith.constant 0 : i32
      %dma_start3A_45 = tpu.memref_slice %arg2[%add3A, %dma_start3A_43, %dma_start3A_44] : memref<32x80x128xi32, #tpu.memory_space<hbm>> -> memref<1x80x128xi32, #tpu.memory_space<hbm>>
      %dma_start3A_46 = tpu.memref_squeeze %dma_start3A_45 : memref<1x80x128xi32, #tpu.memory_space<hbm>> -> memref<80x128xi32, #tpu.memory_space<hbm>>
      tpu.enqueue_dma source(%dma_start3A_46 : memref<80x128xi32, #tpu.memory_space<hbm>>) target(%arg4 : memref<80x128xi32, #tpu.memory_space<vmem>>) target_semaphore(%run_scoped3A : memref<!tpu.dma_semaphore, #tpu.memory_space<semaphore_mem>>)
      %dma_wait3A = arith.constant 0 : i32
      %dma_wait3A_47 = arith.constant 0 : i32
      %dma_wait3A_48 = tpu.memref_slice %arg2[%add3A, %dma_wait3A, %dma_wait3A_47] : memref<32x80x128xi32, #tpu.memory_space<hbm>> -> memref<1x80x128xi32, #tpu.memory_space<hbm>>
      %dma_wait3A_49 = tpu.memref_squeeze %dma_wait3A_48 : memref<1x80x128xi32, #tpu.memory_space<hbm>> -> memref<80x128xi32, #tpu.memory_space<hbm>>
      %dma_wait3A_50 = arith.constant 0 : i32
      %dma_wait3A_51 = arith.constant 0 : i32
      %dma_wait3A_52 = tpu.memref_slice %arg2[%add3A, %dma_wait3A_50, %dma_wait3A_51] : memref<32x80x128xi32, #tpu.memory_space<hbm>> -> memref<1x80x128xi32, #tpu.memory_space<hbm>>
      %dma_wait3A_53 = tpu.memref_squeeze %dma_wait3A_52 : memref<1x80x128xi32, #tpu.memory_space<hbm>> -> memref<80x128xi32, #tpu.memory_space<hbm>>
      tpu.wait_dma2 semaphore(%run_scoped3A : memref<!tpu.dma_semaphore, #tpu.memory_space<semaphore_mem>>) src(%dma_wait3A_53 : memref<80x128xi32, #tpu.memory_space<hbm>>) dst(%arg4 : memref<80x128xi32, #tpu.memory_space<vmem>>)
      tpu.yield
    }) : () -> ()
    %barrier3A = arith.constant 0 : index
    tpu.barrier barrier_id(%barrier3A)
    %scan3A_30 = arith.constant 0 : i32
    %scan3A_31 = arith.constant 80 : i32
    %scan3A_32 = arith.addi %scan3A_30, %scan3A_31 : i32
    %scan3A_33 = arith.constant 1 : i32
    scf.for %scan3A_40 = %scan3A_30 to %scan3A_32 step %scan3A_33  : i32 {
      "tpu.region"() ({
        %run_scoped3A = tpu.sem_alloc : memref<!tpu.dma_semaphore, #tpu.memory_space<semaphore_mem>>
        %dma_start3A = arith.constant 0 : i32
        %dma_start3A_41 = tpu.memref_slice %arg4[%scan3A_40, %dma_start3A] : memref<80x128xi32, #tpu.memory_space<vmem>> -> memref<1x128xi32, #tpu.memory_space<vmem>>
        %dma_start3A_42 = tpu.memref_squeeze %dma_start3A_41 : memref<1x128xi32, #tpu.memory_space<vmem>> -> memref<128xi32, #tpu.memory_space<vmem>>
        %dma_start3A_43 = arith.constant 0 : i32
        %dma_start3A_44 = arith.constant 0 : i32
        %dma_start3A_45 = tpu.memref_slice %arg6[%dma_start3A_43, %dma_start3A_44] : memref<10240x128xf32, #tpu.memory_space<vmem_shared>> -> memref<10240x128xf32, #tpu.memory_space<vmem_shared>>
        tpu.enqueue_indirect_dma source(%arg5 : memref<128x128xf32, #tpu.memory_space<vmem>>) target(%dma_start3A_45 : memref<10240x128xf32, #tpu.memory_space<vmem_shared>>) offsets(%dma_start3A_42 : memref<128xi32, #tpu.memory_space<vmem>>) semaphore(%run_scoped3A : memref<!tpu.dma_semaphore, #tpu.memory_space<semaphore_mem>>) {add = true}
        %dma_wait3A = arith.constant 0 : i32
        %dma_wait3A_46 = tpu.memref_slice %arg4[%scan3A_40, %dma_wait3A] : memref<80x128xi32, #tpu.memory_space<vmem>> -> memref<1x128xi32, #tpu.memory_space<vmem>>
        %dma_wait3A_47 = tpu.memref_squeeze %dma_wait3A_46 : memref<1x128xi32, #tpu.memory_space<vmem>> -> memref<128xi32, #tpu.memory_space<vmem>>
        %dma_wait3A_48 = arith.constant 0 : i32
        %dma_wait3A_49 = arith.constant 0 : i32
        %dma_wait3A_50 = tpu.memref_slice %arg6[%dma_wait3A_48, %dma_wait3A_49] : memref<10240x128xf32, #tpu.memory_space<vmem_shared>> -> memref<10240x128xf32, #tpu.memory_space<vmem_shared>>
        tpu.wait_indirect_dma semaphore(%run_scoped3A : memref<!tpu.dma_semaphore, #tpu.memory_space<semaphore_mem>>) src(%arg5 : memref<128x128xf32, #tpu.memory_space<vmem>>) dst(%dma_wait3A_50 : memref<10240x128xf32, #tpu.memory_space<vmem_shared>>)
        tpu.yield
      }) : () -> ()
    }
    %scan3A_34 = arith.constant 80 : i32
    %barrier3A_35 = arith.constant 0 : index
    tpu.barrier barrier_id(%barrier3A_35)
    %mul3A_36 = arith.constant 640 : i32
    %mul3A_37 = arith.muli %arg1, %mul3A_36 : i32
    %mul3A_38 = arith.constant 640 : i32
    %mul3A_39 = arith.muli %arg1, %mul3A_38 : i32
    "tpu.region"() ({
      %run_scoped3A = tpu.sem_alloc : memref<!tpu.dma_semaphore, #tpu.memory_space<semaphore_mem>>
      %dma_start3A = arith.constant 0 : i32
      %dma_start3A_40 = tpu.memref_slice %arg3[%arg0, %mul3A_39, %dma_start3A] : memref<2x10240x128xf32, #tpu.memory_space<hbm>> -> memref<1x640x128xf32, #tpu.memory_space<hbm>>
      %dma_start3A_41 = tpu.memref_squeeze %dma_start3A_40 : memref<1x640x128xf32, #tpu.memory_space<hbm>> -> memref<640x128xf32, #tpu.memory_space<hbm>>
      %dma_start3A_42 = arith.constant 0 : i32
      %dma_start3A_43 = tpu.memref_slice %arg6[%mul3A_37, %dma_start3A_42] : memref<10240x128xf32, #tpu.memory_space<vmem_shared>> -> memref<640x128xf32, #tpu.memory_space<vmem_shared>>
      tpu.enqueue_dma source(%dma_start3A_43 : memref<640x128xf32, #tpu.memory_space<vmem_shared>>) target(%dma_start3A_41 : memref<640x128xf32, #tpu.memory_space<hbm>>) target_semaphore(%run_scoped3A : memref<!tpu.dma_semaphore, #tpu.memory_space<semaphore_mem>>)
      %dma_wait3A = arith.constant 0 : i32
      %dma_wait3A_44 = tpu.memref_slice %arg3[%arg0, %mul3A_39, %dma_wait3A] : memref<2x10240x128xf32, #tpu.memory_space<hbm>> -> memref<1x640x128xf32, #tpu.memory_space<hbm>>
      %dma_wait3A_45 = tpu.memref_squeeze %dma_wait3A_44 : memref<1x640x128xf32, #tpu.memory_space<hbm>> -> memref<640x128xf32, #tpu.memory_space<hbm>>
      %dma_wait3A_46 = arith.constant 0 : i32
      %dma_wait3A_47 = tpu.memref_slice %arg6[%mul3A_37, %dma_wait3A_46] : memref<10240x128xf32, #tpu.memory_space<vmem_shared>> -> memref<640x128xf32, #tpu.memory_space<vmem_shared>>
      tpu.wait_dma2 semaphore(%run_scoped3A : memref<!tpu.dma_semaphore, #tpu.memory_space<semaphore_mem>>) src(%dma_wait3A_47 : memref<640x128xf32, #tpu.memory_space<vmem_shared>>) dst(%dma_wait3A_45 : memref<640x128xf32, #tpu.memory_space<hbm>>)
      tpu.yield
    }) : () -> ()
    return
  }
}

#map = affine_map<(d0, d1) -> (0, 0)>
#map1 = affine_map<(d0, d1) -> (0, 0, 0)>
module attributes {stable_mosaic.version = 14 : i64} {
  func.func @_sc_agg_body(%arg0: i32, %arg1: i32, %arg2: memref<10000x128xf32, #tpu.memory_space<hbm>>, %arg3: memref<32x80x128xi32, #tpu.memory_space<hbm>>, %arg4: memref<32x80x128xi32, #tpu.memory_space<hbm>>, %arg5: memref<2x10240x128xf32, #tpu.memory_space<hbm>>, %arg6: memref<2x128xi32, #tpu.memory_space<vmem>>, %arg7: memref<2x128xi32, #tpu.memory_space<vmem>>, %arg8: memref<2x128x128xf32, #tpu.memory_space<vmem>>, %arg9: memref<10240x128xf32, #tpu.memory_space<vmem_shared>>, %arg10: memref<!tpu.dma_semaphore, #tpu.memory_space<semaphore_mem>>, %arg11: memref<!tpu.dma_semaphore, #tpu.memory_space<semaphore_mem>>, %arg12: memref<!tpu.dma_semaphore, #tpu.memory_space<semaphore_mem>>, %arg13: memref<!tpu.dma_semaphore, #tpu.memory_space<semaphore_mem>>, %arg14: memref<!tpu.dma_semaphore, #tpu.memory_space<semaphore_mem>>, %arg15: memref<!tpu.dma_semaphore, #tpu.memory_space<semaphore_mem>>) attributes {dimension_semantics = [#tpu.dimension_semantics<core_parallel>, #tpu.dimension_semantics<subcore_parallel>], iteration_bounds = array<i64: 2, 16>, scalar_prefetch = 0 : i64, scratch_operands = 10 : i64, tpu.core_type = #tpu.core_type<sc_vector_subcore>, window_params = [{transform_indices = #map}, {transform_indices = #map1}, {transform_indices = #map1}, {transform_indices = #map1}]} {
    %mul3A = arith.constant 16 : i32
    %mul3A_0 = arith.muli %arg0, %mul3A : i32
    %add3A = arith.addi %mul3A_0, %arg1 : i32
    %scan3A = arith.constant 0 : i32
    %scan3A_1 = arith.constant 1024 : i32
    %scan3A_2 = arith.addi %scan3A, %scan3A_1 : i32
    %scan3A_3 = arith.constant 1 : i32
    scf.for %scan3A_201 = %scan3A to %scan3A_2 step %scan3A_3  : i32 {
      %jit3A = arith.constant 8 : i32
      %div3A = arith.divsi %scan3A_201, %jit3A : i32
      %sign3A = arith.constant 0 : i32
      %sign3A_202 = arith.cmpi sgt, %scan3A_201, %sign3A : i32
      %sign3A_203 = arith.extui %sign3A_202 : i1 to i32
      %sign3A_204 = arith.constant 0 : i32
      %sign3A_205 = arith.cmpi slt, %scan3A_201, %sign3A_204 : i32
      %sign3A_206 = arith.extui %sign3A_205 : i1 to i32
      %sign3A_207 = arith.subi %sign3A_203, %sign3A_206 : i32
      %sign3A_208 = arith.constant 0 : i32
      %sign3A_209 = arith.cmpi sgt, %jit3A, %sign3A_208 : i32
      %sign3A_210 = arith.extui %sign3A_209 : i1 to i32
      %sign3A_211 = arith.constant 0 : i32
      %sign3A_212 = arith.cmpi slt, %jit3A, %sign3A_211 : i32
      %sign3A_213 = arith.extui %sign3A_212 : i1 to i32
      %sign3A_214 = arith.subi %sign3A_210, %sign3A_213 : i32
      %ne3A = arith.cmpi ne, %sign3A_207, %sign3A_214 : i32
      %rem3A = arith.remsi %scan3A_201, %jit3A : i32
      %ne3A_215 = arith.constant 0 : i32
      %ne3A_216 = arith.cmpi ne, %rem3A, %ne3A_215 : i32
      %and3A = arith.andi %ne3A, %ne3A_216 : i1
      %sub3A = arith.constant 1 : i32
      %sub3A_217 = arith.subi %div3A, %sub3A : i32
      %select_n3A = arith.select %and3A, %sub3A_217, %div3A : i32
      %jit3A_218 = arith.constant 8 : i32
      %eq3A = arith.constant 0 : i32
      %eq3A_219 = arith.cmpi eq, %jit3A_218, %eq3A : i32
      %jit3A_220 = arith.constant 1 : i32
      %select_n3A_221 = arith.select %eq3A_219, %jit3A_220, %jit3A_218 : i32
      %rem3A_222 = arith.remsi %scan3A_201, %select_n3A_221 : i32
      %ne3A_223 = arith.constant 0 : i32
      %ne3A_224 = arith.cmpi ne, %rem3A_222, %ne3A_223 : i32
      %lt3A = arith.constant 0 : i32
      %lt3A_225 = arith.cmpi slt, %rem3A_222, %lt3A : i32
      %lt3A_226 = arith.constant 0 : i32
      %lt3A_227 = arith.cmpi slt, %select_n3A_221, %lt3A_226 : i32
      %ne3A_228 = arith.xori %lt3A_225, %lt3A_227 : i1
      %and3A_229 = arith.andi %ne3A_228, %ne3A_224 : i1
      %add3A_230 = arith.addi %rem3A_222, %select_n3A_221 : i32
      %select_n3A_231 = arith.select %and3A_229, %add3A_230, %rem3A_222 : i32
      %mul3A_232 = arith.constant 16 : i32
      %mul3A_233 = arith.muli %select_n3A_231, %mul3A_232 : i32
      %broadcast_in_dim3A = arith.constant 0.000000e+00 : f32
      %broadcast_in_dim3A_234 = vector.broadcast %broadcast_in_dim3A : f32 to vector<16xf32>
      %swap3A = arith.constant 0 : i32
      %swap3A_235 = arith.index_cast %swap3A : i32 to index
      %swap3A_236 = arith.index_cast %select_n3A : i32 to index
      %swap3A_237 = arith.index_cast %mul3A_233 : i32 to index
      %swap3A_238 = tpu.vector_load %arg8[%swap3A_235, %swap3A_236, %swap3A_237] {strides = array<i32>} : memref<2x128x128xf32, #tpu.memory_space<vmem>>, vector<1x1x16xf32>,
      %swap3A_239 = vector.shape_cast %swap3A_238 : vector<1x1x16xf32> to vector<16xf32>
      %swap3A_240 = vector.shape_cast %broadcast_in_dim3A_234 : vector<16xf32> to vector<1x1x16xf32>
      tpu.vector_store %arg8[%swap3A_235, %swap3A_236, %swap3A_237], %swap3A_240 {strides = array<i32>} : memref<2x128x128xf32, #tpu.memory_space<vmem>>, vector<1x1x16xf32>,
    }
    %scan3A_4 = arith.constant 1024 : i32
    %mul3A_5 = arith.constant 640 : i32
    %mul3A_6 = arith.muli %arg1, %mul3A_5 : i32
    %add3A_7 = arith.constant 0 : i32
    %add3A_8 = arith.addi %mul3A_6, %add3A_7 : i32
    %run_scoped3A = arith.constant 0 : i32
    "tpu.region"() ({
      %run_scoped3A_201 = tpu.sem_alloc : memref<!tpu.dma_semaphore, #tpu.memory_space<semaphore_mem>>
      %dma_start3A_202 = arith.constant 0 : i32
      %dma_start3A_203 = arith.constant 0 : i32
      %dma_start3A_204 = tpu.memref_slice %arg8[%run_scoped3A, %dma_start3A_202, %dma_start3A_203] : memref<2x128x128xf32, #tpu.memory_space<vmem>> -> memref<1x128x128xf32, #tpu.memory_space<vmem>>
      %dma_start3A_205 = tpu.memref_squeeze %dma_start3A_204 : memref<1x128x128xf32, #tpu.memory_space<vmem>> -> memref<128x128xf32, #tpu.memory_space<vmem>>
      %dma_start3A_206 = arith.constant 0 : i32
      %dma_start3A_207 = tpu.memref_slice %arg9[%add3A_8, %dma_start3A_206] : memref<10240x128xf32, #tpu.memory_space<vmem_shared>> -> memref<128x128xf32, #tpu.memory_space<vmem_shared>>
      %dma_start3A_208 = arith.constant 0 : i32
      %dma_start3A_209 = tpu.memref_slice %arg9[%add3A_8, %dma_start3A_208] : memref<10240x128xf32, #tpu.memory_space<vmem_shared>> -> memref<128x128xf32, #tpu.memory_space<vmem_shared>>
      %dma_start3A_210 = arith.constant 0 : i32
      %dma_start3A_211 = arith.constant 0 : i32
      %dma_start3A_212 = tpu.memref_slice %arg8[%run_scoped3A, %dma_start3A_210, %dma_start3A_211] : memref<2x128x128xf32, #tpu.memory_space<vmem>> -> memref<1x128x128xf32, #tpu.memory_space<vmem>>
      %dma_start3A_213 = tpu.memref_squeeze %dma_start3A_212 : memref<1x128x128xf32, #tpu.memory_space<vmem>> -> memref<128x128xf32, #tpu.memory_space<vmem>>
      tpu.enqueue_dma source(%dma_start3A_213 : memref<128x128xf32, #tpu.memory_space<vmem>>) target(%dma_start3A_209 : memref<128x128xf32, #tpu.memory_space<vmem_shared>>) target_semaphore(%run_scoped3A_201 : memref<!tpu.dma_semaphore, #tpu.memory_space<semaphore_mem>>)
      %dma_wait3A_214 = arith.constant 0 : i32
      %dma_wait3A_215 = arith.constant 0 : i32
      %dma_wait3A_216 = tpu.memref_slice %arg8[%run_scoped3A, %dma_wait3A_214, %dma_wait3A_215] : memref<2x128x128xf32, #tpu.memory_space<vmem>> -> memref<1x128x128xf32, #tpu.memory_space<vmem>>
      %dma_wait3A_217 = tpu.memref_squeeze %dma_wait3A_216 : memref<1x128x128xf32, #tpu.memory_space<vmem>> -> memref<128x128xf32, #tpu.memory_space<vmem>>
      %dma_wait3A_218 = arith.constant 0 : i32
      %dma_wait3A_219 = tpu.memref_slice %arg9[%add3A_8, %dma_wait3A_218] : memref<10240x128xf32, #tpu.memory_space<vmem_shared>> -> memref<128x128xf32, #tpu.memory_space<vmem_shared>>
      %dma_wait3A_220 = arith.constant 0 : i32
      %dma_wait3A_221 = tpu.memref_slice %arg9[%add3A_8, %dma_wait3A_220] : memref<10240x128xf32, #tpu.memory_space<vmem_shared>> -> memref<128x128xf32, #tpu.memory_space<vmem_shared>>
      %dma_wait3A_222 = arith.constant 0 : i32
      %dma_wait3A_223 = arith.constant 0 : i32
      %dma_wait3A_224 = tpu.memref_slice %arg8[%run_scoped3A, %dma_wait3A_222, %dma_wait3A_223] : memref<2x128x128xf32, #tpu.memory_space<vmem>> -> memref<1x128x128xf32, #tpu.memory_space<vmem>>
      %dma_wait3A_225 = tpu.memref_squeeze %dma_wait3A_224 : memref<1x128x128xf32, #tpu.memory_space<vmem>> -> memref<128x128xf32, #tpu.memory_space<vmem>>
      tpu.wait_dma2 semaphore(%run_scoped3A_201 : memref<!tpu.dma_semaphore, #tpu.memory_space<semaphore_mem>>) src(%dma_wait3A_225 : memref<128x128xf32, #tpu.memory_space<vmem>>) dst(%dma_wait3A_221 : memref<128x128xf32, #tpu.memory_space<vmem_shared>>)
      tpu.yield
    }) : () -> ()
    %mul3A_9 = arith.constant 640 : i32
    %mul3A_10 = arith.muli %arg1, %mul3A_9 : i32
    %add3A_11 = arith.constant 128 : i32
    %add3A_12 = arith.addi %mul3A_10, %add3A_11 : i32
    %run_scoped3A_13 = arith.constant 0 : i32
    "tpu.region"() ({
      %run_scoped3A_201 = tpu.sem_alloc : memref<!tpu.dma_semaphore, #tpu.memory_space<semaphore_mem>>
      %dma_start3A_202 = arith.constant 0 : i32
      %dma_start3A_203 = arith.constant 0 : i32
      %dma_start3A_204 = tpu.memref_slice %arg8[%run_scoped3A_13, %dma_start3A_202, %dma_start3A_203] : memref<2x128x128xf32, #tpu.memory_space<vmem>> -> memref<1x128x128xf32, #tpu.memory_space<vmem>>
      %dma_start3A_205 = tpu.memref_squeeze %dma_start3A_204 : memref<1x128x128xf32, #tpu.memory_space<vmem>> -> memref<128x128xf32, #tpu.memory_space<vmem>>
      %dma_start3A_206 = arith.constant 0 : i32
      %dma_start3A_207 = tpu.memref_slice %arg9[%add3A_12, %dma_start3A_206] : memref<10240x128xf32, #tpu.memory_space<vmem_shared>> -> memref<128x128xf32, #tpu.memory_space<vmem_shared>>
      %dma_start3A_208 = arith.constant 0 : i32
      %dma_start3A_209 = tpu.memref_slice %arg9[%add3A_12, %dma_start3A_208] : memref<10240x128xf32, #tpu.memory_space<vmem_shared>> -> memref<128x128xf32, #tpu.memory_space<vmem_shared>>
      %dma_start3A_210 = arith.constant 0 : i32
      %dma_start3A_211 = arith.constant 0 : i32
      %dma_start3A_212 = tpu.memref_slice %arg8[%run_scoped3A_13, %dma_start3A_210, %dma_start3A_211] : memref<2x128x128xf32, #tpu.memory_space<vmem>> -> memref<1x128x128xf32, #tpu.memory_space<vmem>>
      %dma_start3A_213 = tpu.memref_squeeze %dma_start3A_212 : memref<1x128x128xf32, #tpu.memory_space<vmem>> -> memref<128x128xf32, #tpu.memory_space<vmem>>
      tpu.enqueue_dma source(%dma_start3A_213 : memref<128x128xf32, #tpu.memory_space<vmem>>) target(%dma_start3A_209 : memref<128x128xf32, #tpu.memory_space<vmem_shared>>) target_semaphore(%run_scoped3A_201 : memref<!tpu.dma_semaphore, #tpu.memory_space<semaphore_mem>>)
      %dma_wait3A_214 = arith.constant 0 : i32
      %dma_wait3A_215 = arith.constant 0 : i32
      %dma_wait3A_216 = tpu.memref_slice %arg8[%run_scoped3A_13, %dma_wait3A_214, %dma_wait3A_215] : memref<2x128x128xf32, #tpu.memory_space<vmem>> -> memref<1x128x128xf32, #tpu.memory_space<vmem>>
      %dma_wait3A_217 = tpu.memref_squeeze %dma_wait3A_216 : memref<1x128x128xf32, #tpu.memory_space<vmem>> -> memref<128x128xf32, #tpu.memory_space<vmem>>
      %dma_wait3A_218 = arith.constant 0 : i32
      %dma_wait3A_219 = tpu.memref_slice %arg9[%add3A_12, %dma_wait3A_218] : memref<10240x128xf32, #tpu.memory_space<vmem_shared>> -> memref<128x128xf32, #tpu.memory_space<vmem_shared>>
      %dma_wait3A_220 = arith.constant 0 : i32
      %dma_wait3A_221 = tpu.memref_slice %arg9[%add3A_12, %dma_wait3A_220] : memref<10240x128xf32, #tpu.memory_space<vmem_shared>> -> memref<128x128xf32, #tpu.memory_space<vmem_shared>>
      %dma_wait3A_222 = arith.constant 0 : i32
      %dma_wait3A_223 = arith.constant 0 : i32
      %dma_wait3A_224 = tpu.memref_slice %arg8[%run_scoped3A_13, %dma_wait3A_222, %dma_wait3A_223] : memref<2x128x128xf32, #tpu.memory_space<vmem>> -> memref<1x128x128xf32, #tpu.memory_space<vmem>>
      %dma_wait3A_225 = tpu.memref_squeeze %dma_wait3A_224 : memref<1x128x128xf32, #tpu.memory_space<vmem>> -> memref<128x128xf32, #tpu.memory_space<vmem>>
      tpu.wait_dma2 semaphore(%run_scoped3A_201 : memref<!tpu.dma_semaphore, #tpu.memory_space<semaphore_mem>>) src(%dma_wait3A_225 : memref<128x128xf32, #tpu.memory_space<vmem>>) dst(%dma_wait3A_221 : memref<128x128xf32, #tpu.memory_space<vmem_shared>>)
      tpu.yield
    }) : () -> ()
    %mul3A_14 = arith.constant 640 : i32
    %mul3A_15 = arith.muli %arg1, %mul3A_14 : i32
    %add3A_16 = arith.constant 256 : i32
    %add3A_17 = arith.addi %mul3A_15, %add3A_16 : i32
    %run_scoped3A_18 = arith.constant 0 : i32
    "tpu.region"() ({
      %run_scoped3A_201 = tpu.sem_alloc : memref<!tpu.dma_semaphore, #tpu.memory_space<semaphore_mem>>
      %dma_start3A_202 = arith.constant 0 : i32
      %dma_start3A_203 = arith.constant 0 : i32
      %dma_start3A_204 = tpu.memref_slice %arg8[%run_scoped3A_18, %dma_start3A_202, %dma_start3A_203] : memref<2x128x128xf32, #tpu.memory_space<vmem>> -> memref<1x128x128xf32, #tpu.memory_space<vmem>>
      %dma_start3A_205 = tpu.memref_squeeze %dma_start3A_204 : memref<1x128x128xf32, #tpu.memory_space<vmem>> -> memref<128x128xf32, #tpu.memory_space<vmem>>
      %dma_start3A_206 = arith.constant 0 : i32
      %dma_start3A_207 = tpu.memref_slice %arg9[%add3A_17, %dma_start3A_206] : memref<10240x128xf32, #tpu.memory_space<vmem_shared>> -> memref<128x128xf32, #tpu.memory_space<vmem_shared>>
      %dma_start3A_208 = arith.constant 0 : i32
      %dma_start3A_209 = tpu.memref_slice %arg9[%add3A_17, %dma_start3A_208] : memref<10240x128xf32, #tpu.memory_space<vmem_shared>> -> memref<128x128xf32, #tpu.memory_space<vmem_shared>>
      %dma_start3A_210 = arith.constant 0 : i32
      %dma_start3A_211 = arith.constant 0 : i32
      %dma_start3A_212 = tpu.memref_slice %arg8[%run_scoped3A_18, %dma_start3A_210, %dma_start3A_211] : memref<2x128x128xf32, #tpu.memory_space<vmem>> -> memref<1x128x128xf32, #tpu.memory_space<vmem>>
      %dma_start3A_213 = tpu.memref_squeeze %dma_start3A_212 : memref<1x128x128xf32, #tpu.memory_space<vmem>> -> memref<128x128xf32, #tpu.memory_space<vmem>>
      tpu.enqueue_dma source(%dma_start3A_213 : memref<128x128xf32, #tpu.memory_space<vmem>>) target(%dma_start3A_209 : memref<128x128xf32, #tpu.memory_space<vmem_shared>>) target_semaphore(%run_scoped3A_201 : memref<!tpu.dma_semaphore, #tpu.memory_space<semaphore_mem>>)
      %dma_wait3A_214 = arith.constant 0 : i32
      %dma_wait3A_215 = arith.constant 0 : i32
      %dma_wait3A_216 = tpu.memref_slice %arg8[%run_scoped3A_18, %dma_wait3A_214, %dma_wait3A_215] : memref<2x128x128xf32, #tpu.memory_space<vmem>> -> memref<1x128x128xf32, #tpu.memory_space<vmem>>
      %dma_wait3A_217 = tpu.memref_squeeze %dma_wait3A_216 : memref<1x128x128xf32, #tpu.memory_space<vmem>> -> memref<128x128xf32, #tpu.memory_space<vmem>>
      %dma_wait3A_218 = arith.constant 0 : i32
      %dma_wait3A_219 = tpu.memref_slice %arg9[%add3A_17, %dma_wait3A_218] : memref<10240x128xf32, #tpu.memory_space<vmem_shared>> -> memref<128x128xf32, #tpu.memory_space<vmem_shared>>
      %dma_wait3A_220 = arith.constant 0 : i32
      %dma_wait3A_221 = tpu.memref_slice %arg9[%add3A_17, %dma_wait3A_220] : memref<10240x128xf32, #tpu.memory_space<vmem_shared>> -> memref<128x128xf32, #tpu.memory_space<vmem_shared>>
      %dma_wait3A_222 = arith.constant 0 : i32
      %dma_wait3A_223 = arith.constant 0 : i32
      %dma_wait3A_224 = tpu.memref_slice %arg8[%run_scoped3A_18, %dma_wait3A_222, %dma_wait3A_223] : memref<2x128x128xf32, #tpu.memory_space<vmem>> -> memref<1x128x128xf32, #tpu.memory_space<vmem>>
      %dma_wait3A_225 = tpu.memref_squeeze %dma_wait3A_224 : memref<1x128x128xf32, #tpu.memory_space<vmem>> -> memref<128x128xf32, #tpu.memory_space<vmem>>
      tpu.wait_dma2 semaphore(%run_scoped3A_201 : memref<!tpu.dma_semaphore, #tpu.memory_space<semaphore_mem>>) src(%dma_wait3A_225 : memref<128x128xf32, #tpu.memory_space<vmem>>) dst(%dma_wait3A_221 : memref<128x128xf32, #tpu.memory_space<vmem_shared>>)
      tpu.yield
    }) : () -> ()
    %mul3A_19 = arith.constant 640 : i32
    %mul3A_20 = arith.muli %arg1, %mul3A_19 : i32
    %add3A_21 = arith.constant 384 : i32
    %add3A_22 = arith.addi %mul3A_20, %add3A_21 : i32
    %run_scoped3A_23 = arith.constant 0 : i32
    "tpu.region"() ({
      %run_scoped3A_201 = tpu.sem_alloc : memref<!tpu.dma_semaphore, #tpu.memory_space<semaphore_mem>>
      %dma_start3A_202 = arith.constant 0 : i32
      %dma_start3A_203 = arith.constant 0 : i32
      %dma_start3A_204 = tpu.memref_slice %arg8[%run_scoped3A_23, %dma_start3A_202, %dma_start3A_203] : memref<2x128x128xf32, #tpu.memory_space<vmem>> -> memref<1x128x128xf32, #tpu.memory_space<vmem>>
      %dma_start3A_205 = tpu.memref_squeeze %dma_start3A_204 : memref<1x128x128xf32, #tpu.memory_space<vmem>> -> memref<128x128xf32, #tpu.memory_space<vmem>>
      %dma_start3A_206 = arith.constant 0 : i32
      %dma_start3A_207 = tpu.memref_slice %arg9[%add3A_22, %dma_start3A_206] : memref<10240x128xf32, #tpu.memory_space<vmem_shared>> -> memref<128x128xf32, #tpu.memory_space<vmem_shared>>
      %dma_start3A_208 = arith.constant 0 : i32
      %dma_start3A_209 = tpu.memref_slice %arg9[%add3A_22, %dma_start3A_208] : memref<10240x128xf32, #tpu.memory_space<vmem_shared>> -> memref<128x128xf32, #tpu.memory_space<vmem_shared>>
      %dma_start3A_210 = arith.constant 0 : i32
      %dma_start3A_211 = arith.constant 0 : i32
      %dma_start3A_212 = tpu.memref_slice %arg8[%run_scoped3A_23, %dma_start3A_210, %dma_start3A_211] : memref<2x128x128xf32, #tpu.memory_space<vmem>> -> memref<1x128x128xf32, #tpu.memory_space<vmem>>
      %dma_start3A_213 = tpu.memref_squeeze %dma_start3A_212 : memref<1x128x128xf32, #tpu.memory_space<vmem>> -> memref<128x128xf32, #tpu.memory_space<vmem>>
      tpu.enqueue_dma source(%dma_start3A_213 : memref<128x128xf32, #tpu.memory_space<vmem>>) target(%dma_start3A_209 : memref<128x128xf32, #tpu.memory_space<vmem_shared>>) target_semaphore(%run_scoped3A_201 : memref<!tpu.dma_semaphore, #tpu.memory_space<semaphore_mem>>)
      %dma_wait3A_214 = arith.constant 0 : i32
      %dma_wait3A_215 = arith.constant 0 : i32
      %dma_wait3A_216 = tpu.memref_slice %arg8[%run_scoped3A_23, %dma_wait3A_214, %dma_wait3A_215] : memref<2x128x128xf32, #tpu.memory_space<vmem>> -> memref<1x128x128xf32, #tpu.memory_space<vmem>>
      %dma_wait3A_217 = tpu.memref_squeeze %dma_wait3A_216 : memref<1x128x128xf32, #tpu.memory_space<vmem>> -> memref<128x128xf32, #tpu.memory_space<vmem>>
      %dma_wait3A_218 = arith.constant 0 : i32
      %dma_wait3A_219 = tpu.memref_slice %arg9[%add3A_22, %dma_wait3A_218] : memref<10240x128xf32, #tpu.memory_space<vmem_shared>> -> memref<128x128xf32, #tpu.memory_space<vmem_shared>>
      %dma_wait3A_220 = arith.constant 0 : i32
      %dma_wait3A_221 = tpu.memref_slice %arg9[%add3A_22, %dma_wait3A_220] : memref<10240x128xf32, #tpu.memory_space<vmem_shared>> -> memref<128x128xf32, #tpu.memory_space<vmem_shared>>
      %dma_wait3A_222 = arith.constant 0 : i32
      %dma_wait3A_223 = arith.constant 0 : i32
      %dma_wait3A_224 = tpu.memref_slice %arg8[%run_scoped3A_23, %dma_wait3A_222, %dma_wait3A_223] : memref<2x128x128xf32, #tpu.memory_space<vmem>> -> memref<1x128x128xf32, #tpu.memory_space<vmem>>
      %dma_wait3A_225 = tpu.memref_squeeze %dma_wait3A_224 : memref<1x128x128xf32, #tpu.memory_space<vmem>> -> memref<128x128xf32, #tpu.memory_space<vmem>>
      tpu.wait_dma2 semaphore(%run_scoped3A_201 : memref<!tpu.dma_semaphore, #tpu.memory_space<semaphore_mem>>) src(%dma_wait3A_225 : memref<128x128xf32, #tpu.memory_space<vmem>>) dst(%dma_wait3A_221 : memref<128x128xf32, #tpu.memory_space<vmem_shared>>)
      tpu.yield
    }) : () -> ()
    %mul3A_24 = arith.constant 640 : i32
    %mul3A_25 = arith.muli %arg1, %mul3A_24 : i32
    %add3A_26 = arith.constant 512 : i32
    %add3A_27 = arith.addi %mul3A_25, %add3A_26 : i32
    %run_scoped3A_28 = arith.constant 0 : i32
    "tpu.region"() ({
      %run_scoped3A_201 = tpu.sem_alloc : memref<!tpu.dma_semaphore, #tpu.memory_space<semaphore_mem>>
      %dma_start3A_202 = arith.constant 0 : i32
      %dma_start3A_203 = arith.constant 0 : i32
      %dma_start3A_204 = tpu.memref_slice %arg8[%run_scoped3A_28, %dma_start3A_202, %dma_start3A_203] : memref<2x128x128xf32, #tpu.memory_space<vmem>> -> memref<1x128x128xf32, #tpu.memory_space<vmem>>
      %dma_start3A_205 = tpu.memref_squeeze %dma_start3A_204 : memref<1x128x128xf32, #tpu.memory_space<vmem>> -> memref<128x128xf32, #tpu.memory_space<vmem>>
      %dma_start3A_206 = arith.constant 0 : i32
      %dma_start3A_207 = tpu.memref_slice %arg9[%add3A_27, %dma_start3A_206] : memref<10240x128xf32, #tpu.memory_space<vmem_shared>> -> memref<128x128xf32, #tpu.memory_space<vmem_shared>>
      %dma_start3A_208 = arith.constant 0 : i32
      %dma_start3A_209 = tpu.memref_slice %arg9[%add3A_27, %dma_start3A_208] : memref<10240x128xf32, #tpu.memory_space<vmem_shared>> -> memref<128x128xf32, #tpu.memory_space<vmem_shared>>
      %dma_start3A_210 = arith.constant 0 : i32
      %dma_start3A_211 = arith.constant 0 : i32
      %dma_start3A_212 = tpu.memref_slice %arg8[%run_scoped3A_28, %dma_start3A_210, %dma_start3A_211] : memref<2x128x128xf32, #tpu.memory_space<vmem>> -> memref<1x128x128xf32, #tpu.memory_space<vmem>>
      %dma_start3A_213 = tpu.memref_squeeze %dma_start3A_212 : memref<1x128x128xf32, #tpu.memory_space<vmem>> -> memref<128x128xf32, #tpu.memory_space<vmem>>
      tpu.enqueue_dma source(%dma_start3A_213 : memref<128x128xf32, #tpu.memory_space<vmem>>) target(%dma_start3A_209 : memref<128x128xf32, #tpu.memory_space<vmem_shared>>) target_semaphore(%run_scoped3A_201 : memref<!tpu.dma_semaphore, #tpu.memory_space<semaphore_mem>>)
      %dma_wait3A_214 = arith.constant 0 : i32
      %dma_wait3A_215 = arith.constant 0 : i32
      %dma_wait3A_216 = tpu.memref_slice %arg8[%run_scoped3A_28, %dma_wait3A_214, %dma_wait3A_215] : memref<2x128x128xf32, #tpu.memory_space<vmem>> -> memref<1x128x128xf32, #tpu.memory_space<vmem>>
      %dma_wait3A_217 = tpu.memref_squeeze %dma_wait3A_216 : memref<1x128x128xf32, #tpu.memory_space<vmem>> -> memref<128x128xf32, #tpu.memory_space<vmem>>
      %dma_wait3A_218 = arith.constant 0 : i32
      %dma_wait3A_219 = tpu.memref_slice %arg9[%add3A_27, %dma_wait3A_218] : memref<10240x128xf32, #tpu.memory_space<vmem_shared>> -> memref<128x128xf32, #tpu.memory_space<vmem_shared>>
      %dma_wait3A_220 = arith.constant 0 : i32
      %dma_wait3A_221 = tpu.memref_slice %arg9[%add3A_27, %dma_wait3A_220] : memref<10240x128xf32, #tpu.memory_space<vmem_shared>> -> memref<128x128xf32, #tpu.memory_space<vmem_shared>>
      %dma_wait3A_222 = arith.constant 0 : i32
      %dma_wait3A_223 = arith.constant 0 : i32
      %dma_wait3A_224 = tpu.memref_slice %arg8[%run_scoped3A_28, %dma_wait3A_222, %dma_wait3A_223] : memref<2x128x128xf32, #tpu.memory_space<vmem>> -> memref<1x128x128xf32, #tpu.memory_space<vmem>>
      %dma_wait3A_225 = tpu.memref_squeeze %dma_wait3A_224 : memref<1x128x128xf32, #tpu.memory_space<vmem>> -> memref<128x128xf32, #tpu.memory_space<vmem>>
      tpu.wait_dma2 semaphore(%run_scoped3A_201 : memref<!tpu.dma_semaphore, #tpu.memory_space<semaphore_mem>>) src(%dma_wait3A_225 : memref<128x128xf32, #tpu.memory_space<vmem>>) dst(%dma_wait3A_221 : memref<128x128xf32, #tpu.memory_space<vmem_shared>>)
      tpu.yield
    }) : () -> ()
    %barrier3A = arith.constant 0 : index
    tpu.barrier barrier_id(%barrier3A)
    %dma_start3A = arith.constant 0 : i32
    %dma_start3A_29 = arith.constant 0 : i32
    %dma_start3A_30 = arith.constant 0 : i32
    %dma_start3A_31 = tpu.memref_slice %arg6[%dma_start3A_29, %dma_start3A_30] : memref<2x128xi32, #tpu.memory_space<vmem>> -> memref<1x128xi32, #tpu.memory_space<vmem>>
    %dma_start3A_32 = tpu.memref_squeeze %dma_start3A_31 : memref<1x128xi32, #tpu.memory_space<vmem>> -> memref<128xi32, #tpu.memory_space<vmem>>
    %dma_start3A_33 = arith.constant 0 : i32
    %dma_start3A_34 = tpu.memref_slice %arg3[%add3A, %dma_start3A, %dma_start3A_33] : memref<32x80x128xi32, #tpu.memory_space<hbm>> -> memref<1x1x128xi32, #tpu.memory_space<hbm>>
    %dma_start3A_35 = tpu.memref_squeeze %dma_start3A_34 : memref<1x1x128xi32, #tpu.memory_space<hbm>> -> memref<128xi32, #tpu.memory_space<hbm>>
    %dma_start3A_36 = arith.constant 0 : i32
    %dma_start3A_37 = tpu.memref_slice %arg6[%dma_start3A_29, %dma_start3A_36] : memref<2x128xi32, #tpu.memory_space<vmem>> -> memref<1x128xi32, #tpu.memory_space<vmem>>
    %dma_start3A_38 = tpu.memref_squeeze %dma_start3A_37 : memref<1x128xi32, #tpu.memory_space<vmem>> -> memref<128xi32, #tpu.memory_space<vmem>>
    %dma_start3A_39 = arith.constant 0 : i32
    %dma_start3A_40 = tpu.memref_slice %arg3[%add3A, %dma_start3A, %dma_start3A_39] : memref<32x80x128xi32, #tpu.memory_space<hbm>> -> memref<1x1x128xi32, #tpu.memory_space<hbm>>
    %dma_start3A_41 = tpu.memref_squeeze %dma_start3A_40 : memref<1x1x128xi32, #tpu.memory_space<hbm>> -> memref<128xi32, #tpu.memory_space<hbm>>
    tpu.enqueue_dma source(%dma_start3A_41 : memref<128xi32, #tpu.memory_space<hbm>>) target(%dma_start3A_38 : memref<128xi32, #tpu.memory_space<vmem>>) target_semaphore(%arg12 : memref<!tpu.dma_semaphore, #tpu.memory_space<semaphore_mem>>)
    %dma_start3A_42 = arith.constant 0 : i32
    %dma_start3A_43 = arith.constant 0 : i32
    %dma_start3A_44 = arith.constant 0 : i32
    %dma_start3A_45 = tpu.memref_slice %arg7[%dma_start3A_43, %dma_start3A_44] : memref<2x128xi32, #tpu.memory_space<vmem>> -> memref<1x128xi32, #tpu.memory_space<vmem>>
    %dma_start3A_46 = tpu.memref_squeeze %dma_start3A_45 : memref<1x128xi32, #tpu.memory_space<vmem>> -> memref<128xi32, #tpu.memory_space<vmem>>
    %dma_start3A_47 = arith.constant 0 : i32
    %dma_start3A_48 = tpu.memref_slice %arg4[%add3A, %dma_start3A_42, %dma_start3A_47] : memref<32x80x128xi32, #tpu.memory_space<hbm>> -> memref<1x1x128xi32, #tpu.memory_space<hbm>>
    %dma_start3A_49 = tpu.memref_squeeze %dma_start3A_48 : memref<1x1x128xi32, #tpu.memory_space<hbm>> -> memref<128xi32, #tpu.memory_space<hbm>>
    %dma_start3A_50 = arith.constant 0 : i32
    %dma_start3A_51 = tpu.memref_slice %arg7[%dma_start3A_43, %dma_start3A_50] : memref<2x128xi32, #tpu.memory_space<vmem>> -> memref<1x128xi32, #tpu.memory_space<vmem>>
    %dma_start3A_52 = tpu.memref_squeeze %dma_start3A_51 : memref<1x128xi32, #tpu.memory_space<vmem>> -> memref<128xi32, #tpu.memory_space<vmem>>
    %dma_start3A_53 = arith.constant 0 : i32
    %dma_start3A_54 = tpu.memref_slice %arg4[%add3A, %dma_start3A_42, %dma_start3A_53] : memref<32x80x128xi32, #tpu.memory_space<hbm>> -> memref<1x1x128xi32, #tpu.memory_space<hbm>>
    %dma_start3A_55 = tpu.memref_squeeze %dma_start3A_54 : memref<1x1x128xi32, #tpu.memory_space<hbm>> -> memref<128xi32, #tpu.memory_space<hbm>>
    tpu.enqueue_dma source(%dma_start3A_55 : memref<128xi32, #tpu.memory_space<hbm>>) target(%dma_start3A_52 : memref<128xi32, #tpu.memory_space<vmem>>) target_semaphore(%arg14 : memref<!tpu.dma_semaphore, #tpu.memory_space<semaphore_mem>>)
    %dma_start3A_56 = arith.constant 1 : i32
    %dma_start3A_57 = arith.constant 1 : i32
    %dma_start3A_58 = arith.constant 0 : i32
    %dma_start3A_59 = tpu.memref_slice %arg6[%dma_start3A_57, %dma_start3A_58] : memref<2x128xi32, #tpu.memory_space<vmem>> -> memref<1x128xi32, #tpu.memory_space<vmem>>
    %dma_start3A_60 = tpu.memref_squeeze %dma_start3A_59 : memref<1x128xi32, #tpu.memory_space<vmem>> -> memref<128xi32, #tpu.memory_space<vmem>>
    %dma_start3A_61 = arith.constant 0 : i32
    %dma_start3A_62 = tpu.memref_slice %arg3[%add3A, %dma_start3A_56, %dma_start3A_61] : memref<32x80x128xi32, #tpu.memory_space<hbm>> -> memref<1x1x128xi32, #tpu.memory_space<hbm>>
    %dma_start3A_63 = tpu.memref_squeeze %dma_start3A_62 : memref<1x1x128xi32, #tpu.memory_space<hbm>> -> memref<128xi32, #tpu.memory_space<hbm>>
    %dma_start3A_64 = arith.constant 0 : i32
    %dma_start3A_65 = tpu.memref_slice %arg6[%dma_start3A_57, %dma_start3A_64] : memref<2x128xi32, #tpu.memory_space<vmem>> -> memref<1x128xi32, #tpu.memory_space<vmem>>
    %dma_start3A_66 = tpu.memref_squeeze %dma_start3A_65 : memref<1x128xi32, #tpu.memory_space<vmem>> -> memref<128xi32, #tpu.memory_space<vmem>>
    %dma_start3A_67 = arith.constant 0 : i32
    %dma_start3A_68 = tpu.memref_slice %arg3[%add3A, %dma_start3A_56, %dma_start3A_67] : memref<32x80x128xi32, #tpu.memory_space<hbm>> -> memref<1x1x128xi32, #tpu.memory_space<hbm>>
    %dma_start3A_69 = tpu.memref_squeeze %dma_start3A_68 : memref<1x1x128xi32, #tpu.memory_space<hbm>> -> memref<128xi32, #tpu.memory_space<hbm>>
    tpu.enqueue_dma source(%dma_start3A_69 : memref<128xi32, #tpu.memory_space<hbm>>) target(%dma_start3A_66 : memref<128xi32, #tpu.memory_space<vmem>>) target_semaphore(%arg13 : memref<!tpu.dma_semaphore, #tpu.memory_space<semaphore_mem>>)
    %dma_start3A_70 = arith.constant 1 : i32
    %dma_start3A_71 = arith.constant 1 : i32
    %dma_start3A_72 = arith.constant 0 : i32
    %dma_start3A_73 = tpu.memref_slice %arg7[%dma_start3A_71, %dma_start3A_72] : memref<2x128xi32, #tpu.memory_space<vmem>> -> memref<1x128xi32, #tpu.memory_space<vmem>>
    %dma_start3A_74 = tpu.memref_squeeze %dma_start3A_73 : memref<1x128xi32, #tpu.memory_space<vmem>> -> memref<128xi32, #tpu.memory_space<vmem>>
    %dma_start3A_75 = arith.constant 0 : i32
    %dma_start3A_76 = tpu.memref_slice %arg4[%add3A, %dma_start3A_70, %dma_start3A_75] : memref<32x80x128xi32, #tpu.memory_space<hbm>> -> memref<1x1x128xi32, #tpu.memory_space<hbm>>
    %dma_start3A_77 = tpu.memref_squeeze %dma_start3A_76 : memref<1x1x128xi32, #tpu.memory_space<hbm>> -> memref<128xi32, #tpu.memory_space<hbm>>
    %dma_start3A_78 = arith.constant 0 : i32
    %dma_start3A_79 = tpu.memref_slice %arg7[%dma_start3A_71, %dma_start3A_78] : memref<2x128xi32, #tpu.memory_space<vmem>> -> memref<1x128xi32, #tpu.memory_space<vmem>>
    %dma_start3A_80 = tpu.memref_squeeze %dma_start3A_79 : memref<1x128xi32, #tpu.memory_space<vmem>> -> memref<128xi32, #tpu.memory_space<vmem>>
    %dma_start3A_81 = arith.constant 0 : i32
    %dma_start3A_82 = tpu.memref_slice %arg4[%add3A, %dma_start3A_70, %dma_start3A_81] : memref<32x80x128xi32, #tpu.memory_space<hbm>> -> memref<1x1x128xi32, #tpu.memory_space<hbm>>
    %dma_start3A_83 = tpu.memref_squeeze %dma_start3A_82 : memref<1x1x128xi32, #tpu.memory_space<hbm>> -> memref<128xi32, #tpu.memory_space<hbm>>
    tpu.enqueue_dma source(%dma_start3A_83 : memref<128xi32, #tpu.memory_space<hbm>>) target(%dma_start3A_80 : memref<128xi32, #tpu.memory_space<vmem>>) target_semaphore(%arg15 : memref<!tpu.dma_semaphore, #tpu.memory_space<semaphore_mem>>)
    %dma_wait3A = arith.constant 0 : i32
    %dma_wait3A_84 = arith.constant 0 : i32
    %dma_wait3A_85 = arith.constant 0 : i32
    %dma_wait3A_86 = tpu.memref_slice %arg6[%dma_wait3A_84, %dma_wait3A_85] : memref<2x128xi32, #tpu.memory_space<vmem>> -> memref<1x128xi32, #tpu.memory_space<vmem>>
    %dma_wait3A_87 = tpu.memref_squeeze %dma_wait3A_86 : memref<1x128xi32, #tpu.memory_space<vmem>> -> memref<128xi32, #tpu.memory_space<vmem>>
    %dma_wait3A_88 = arith.constant 0 : i32
    %dma_wait3A_89 = tpu.memref_slice %arg3[%add3A, %dma_wait3A, %dma_wait3A_88] : memref<32x80x128xi32, #tpu.memory_space<hbm>> -> memref<1x1x128xi32, #tpu.memory_space<hbm>>
    %dma_wait3A_90 = tpu.memref_squeeze %dma_wait3A_89 : memref<1x1x128xi32, #tpu.memory_space<hbm>> -> memref<128xi32, #tpu.memory_space<hbm>>
    %dma_wait3A_91 = arith.constant 0 : i32
    %dma_wait3A_92 = tpu.memref_slice %arg6[%dma_wait3A_84, %dma_wait3A_91] : memref<2x128xi32, #tpu.memory_space<vmem>> -> memref<1x128xi32, #tpu.memory_space<vmem>>
    %dma_wait3A_93 = tpu.memref_squeeze %dma_wait3A_92 : memref<1x128xi32, #tpu.memory_space<vmem>> -> memref<128xi32, #tpu.memory_space<vmem>>
    %dma_wait3A_94 = arith.constant 0 : i32
    %dma_wait3A_95 = tpu.memref_slice %arg3[%add3A, %dma_wait3A, %dma_wait3A_94] : memref<32x80x128xi32, #tpu.memory_space<hbm>> -> memref<1x1x128xi32, #tpu.memory_space<hbm>>
    %dma_wait3A_96 = tpu.memref_squeeze %dma_wait3A_95 : memref<1x1x128xi32, #tpu.memory_space<hbm>> -> memref<128xi32, #tpu.memory_space<hbm>>
    tpu.wait_dma2 semaphore(%arg12 : memref<!tpu.dma_semaphore, #tpu.memory_space<semaphore_mem>>) src(%dma_wait3A_96 : memref<128xi32, #tpu.memory_space<hbm>>) dst(%dma_wait3A_93 : memref<128xi32, #tpu.memory_space<vmem>>)
    %dma_wait3A_97 = arith.constant 0 : i32
    %dma_wait3A_98 = arith.constant 0 : i32
    %dma_wait3A_99 = arith.constant 0 : i32
    %dma_wait3A_100 = tpu.memref_slice %arg7[%dma_wait3A_98, %dma_wait3A_99] : memref<2x128xi32, #tpu.memory_space<vmem>> -> memref<1x128xi32, #tpu.memory_space<vmem>>
    %dma_wait3A_101 = tpu.memref_squeeze %dma_wait3A_100 : memref<1x128xi32, #tpu.memory_space<vmem>> -> memref<128xi32, #tpu.memory_space<vmem>>
    %dma_wait3A_102 = arith.constant 0 : i32
    %dma_wait3A_103 = tpu.memref_slice %arg4[%add3A, %dma_wait3A_97, %dma_wait3A_102] : memref<32x80x128xi32, #tpu.memory_space<hbm>> -> memref<1x1x128xi32, #tpu.memory_space<hbm>>
    %dma_wait3A_104 = tpu.memref_squeeze %dma_wait3A_103 : memref<1x1x128xi32, #tpu.memory_space<hbm>> -> memref<128xi32, #tpu.memory_space<hbm>>
    %dma_wait3A_105 = arith.constant 0 : i32
    %dma_wait3A_106 = tpu.memref_slice %arg7[%dma_wait3A_98, %dma_wait3A_105] : memref<2x128xi32, #tpu.memory_space<vmem>> -> memref<1x128xi32, #tpu.memory_space<vmem>>
    %dma_wait3A_107 = tpu.memref_squeeze %dma_wait3A_106 : memref<1x128xi32, #tpu.memory_space<vmem>> -> memref<128xi32, #tpu.memory_space<vmem>>
    %dma_wait3A_108 = arith.constant 0 : i32
    %dma_wait3A_109 = tpu.memref_slice %arg4[%add3A, %dma_wait3A_97, %dma_wait3A_108] : memref<32x80x128xi32, #tpu.memory_space<hbm>> -> memref<1x1x128xi32, #tpu.memory_space<hbm>>
    %dma_wait3A_110 = tpu.memref_squeeze %dma_wait3A_109 : memref<1x1x128xi32, #tpu.memory_space<hbm>> -> memref<128xi32, #tpu.memory_space<hbm>>
    tpu.wait_dma2 semaphore(%arg14 : memref<!tpu.dma_semaphore, #tpu.memory_space<semaphore_mem>>) src(%dma_wait3A_110 : memref<128xi32, #tpu.memory_space<hbm>>) dst(%dma_wait3A_107 : memref<128xi32, #tpu.memory_space<vmem>>)
    %dma_start3A_111 = arith.constant 0 : i32
    %dma_start3A_112 = arith.constant 0 : i32
    %dma_start3A_113 = arith.constant 0 : i32
    %dma_start3A_114 = arith.constant 0 : i32
    %dma_start3A_115 = tpu.memref_slice %arg8[%dma_start3A_112, %dma_start3A_113, %dma_start3A_114] : memref<2x128x128xf32, #tpu.memory_space<vmem>> -> memref<1x128x128xf32, #tpu.memory_space<vmem>>
    %dma_start3A_116 = tpu.memref_squeeze %dma_start3A_115 : memref<1x128x128xf32, #tpu.memory_space<vmem>> -> memref<128x128xf32, #tpu.memory_space<vmem>>
    %dma_start3A_117 = arith.constant 0 : i32
    %dma_start3A_118 = tpu.memref_slice %arg6[%dma_start3A_111, %dma_start3A_117] : memref<2x128xi32, #tpu.memory_space<vmem>> -> memref<1x128xi32, #tpu.memory_space<vmem>>
    %dma_start3A_119 = tpu.memref_squeeze %dma_start3A_118 : memref<1x128xi32, #tpu.memory_space<vmem>> -> memref<128xi32, #tpu.memory_space<vmem>>
    %dma_start3A_120 = arith.constant 0 : i32
    %dma_start3A_121 = arith.constant 0 : i32
    %dma_start3A_122 = tpu.memref_slice %arg2[%dma_start3A_120, %dma_start3A_121] : memref<10000x128xf32, #tpu.memory_space<hbm>> -> memref<10000x128xf32, #tpu.memory_space<hbm>>
    tpu.enqueue_indirect_dma source(%dma_start3A_122 : memref<10000x128xf32, #tpu.memory_space<hbm>>) target(%dma_start3A_116 : memref<128x128xf32, #tpu.memory_space<vmem>>) offsets(%dma_start3A_119 : memref<128xi32, #tpu.memory_space<vmem>>) semaphore(%arg10 : memref<!tpu.dma_semaphore, #tpu.memory_space<semaphore_mem>>)
    %scan3A_123 = arith.constant 0 : i32
    %scan3A_124 = arith.constant 39 : i32
    %scan3A_125 = arith.addi %scan3A_123, %scan3A_124 : i32
    %scan3A_126 = arith.constant 1 : i32
    scf.for %scan3A_201 = %scan3A_123 to %scan3A_125 step %scan3A_126  : i32 {
      %mul3A_202 = arith.constant 2 : i32
      %mul3A_203 = arith.muli %mul3A_202, %scan3A_201 : i32
      %add3A_204 = arith.constant 0 : i32
      %add3A_205 = arith.addi %mul3A_203, %add3A_204 : i32
      %dma_wait3A_206 = arith.constant 0 : i32
      %dma_wait3A_207 = arith.constant 0 : i32
      %dma_wait3A_208 = arith.constant 0 : i32
      %dma_wait3A_209 = arith.constant 0 : i32
      %dma_wait3A_210 = tpu.memref_slice %arg8[%dma_wait3A_207, %dma_wait3A_208, %dma_wait3A_209] : memref<2x128x128xf32, #tpu.memory_space<vmem>> -> memref<1x128x128xf32, #tpu.memory_space<vmem>>
      %dma_wait3A_211 = tpu.memref_squeeze %dma_wait3A_210 : memref<1x128x128xf32, #tpu.memory_space<vmem>> -> memref<128x128xf32, #tpu.memory_space<vmem>>
      %dma_wait3A_212 = arith.constant 0 : i32
      %dma_wait3A_213 = tpu.memref_slice %arg6[%dma_wait3A_206, %dma_wait3A_212] : memref<2x128xi32, #tpu.memory_space<vmem>> -> memref<1x128xi32, #tpu.memory_space<vmem>>
      %dma_wait3A_214 = tpu.memref_squeeze %dma_wait3A_213 : memref<1x128xi32, #tpu.memory_space<vmem>> -> memref<128xi32, #tpu.memory_space<vmem>>
      %dma_wait3A_215 = arith.constant 0 : i32
      %dma_wait3A_216 = arith.constant 0 : i32
      %dma_wait3A_217 = tpu.memref_slice %arg2[%dma_wait3A_215, %dma_wait3A_216] : memref<10000x128xf32, #tpu.memory_space<hbm>> -> memref<10000x128xf32, #tpu.memory_space<hbm>>
      tpu.wait_indirect_dma semaphore(%arg10 : memref<!tpu.dma_semaphore, #tpu.memory_space<semaphore_mem>>) src(%dma_wait3A_217 : memref<10000x128xf32, #tpu.memory_space<hbm>>) dst(%dma_wait3A_211 : memref<128x128xf32, #tpu.memory_space<vmem>>)
      %run_scoped3A_218 = arith.constant 0 : i32
      %run_scoped3A_219 = arith.constant 0 : i32
      "tpu.region"() ({
        %run_scoped3A_378 = tpu.sem_alloc : memref<!tpu.dma_semaphore, #tpu.memory_space<semaphore_mem>>
        %dma_start3A_379 = arith.constant 0 : i32
        %dma_start3A_380 = arith.constant 0 : i32
        %dma_start3A_381 = tpu.memref_slice %arg8[%run_scoped3A_218, %dma_start3A_379, %dma_start3A_380] : memref<2x128x128xf32, #tpu.memory_space<vmem>> -> memref<1x128x128xf32, #tpu.memory_space<vmem>>
        %dma_start3A_382 = tpu.memref_squeeze %dma_start3A_381 : memref<1x128x128xf32, #tpu.memory_space<vmem>> -> memref<128x128xf32, #tpu.memory_space<vmem>>
        %dma_start3A_383 = arith.constant 0 : i32
        %dma_start3A_384 = tpu.memref_slice %arg7[%run_scoped3A_219, %dma_start3A_383] : memref<2x128xi32, #tpu.memory_space<vmem>> -> memref<1x128xi32, #tpu.memory_space<vmem>>
        %dma_start3A_385 = tpu.memref_squeeze %dma_start3A_384 : memref<1x128xi32, #tpu.memory_space<vmem>> -> memref<128xi32, #tpu.memory_space<vmem>>
        %dma_start3A_386 = arith.constant 0 : i32
        %dma_start3A_387 = arith.constant 0 : i32
        %dma_start3A_388 = tpu.memref_slice %arg9[%dma_start3A_386, %dma_start3A_387] : memref<10240x128xf32, #tpu.memory_space<vmem_shared>> -> memref<10240x128xf32, #tpu.memory_space<vmem_shared>>
        tpu.enqueue_indirect_dma source(%dma_start3A_382 : memref<128x128xf32, #tpu.memory_space<vmem>>) target(%dma_start3A_388 : memref<10240x128xf32, #tpu.memory_space<vmem_shared>>) offsets(%dma_start3A_385 : memref<128xi32, #tpu.memory_space<vmem>>) semaphore(%run_scoped3A_378 : memref<!tpu.dma_semaphore, #tpu.memory_space<semaphore_mem>>) {add = true}
        %dma_wait3A_389 = arith.constant 0 : i32
        %dma_wait3A_390 = arith.constant 0 : i32
        %dma_wait3A_391 = tpu.memref_slice %arg8[%run_scoped3A_218, %dma_wait3A_389, %dma_wait3A_390] : memref<2x128x128xf32, #tpu.memory_space<vmem>> -> memref<1x128x128xf32, #tpu.memory_space<vmem>>
        %dma_wait3A_392 = tpu.memref_squeeze %dma_wait3A_391 : memref<1x128x128xf32, #tpu.memory_space<vmem>> -> memref<128x128xf32, #tpu.memory_space<vmem>>
        %dma_wait3A_393 = arith.constant 0 : i32
        %dma_wait3A_394 = tpu.memref_slice %arg7[%run_scoped3A_219, %dma_wait3A_393] : memref<2x128xi32, #tpu.memory_space<vmem>> -> memref<1x128xi32, #tpu.memory_space<vmem>>
        %dma_wait3A_395 = tpu.memref_squeeze %dma_wait3A_394 : memref<1x128xi32, #tpu.memory_space<vmem>> -> memref<128xi32, #tpu.memory_space<vmem>>
        %dma_wait3A_396 = arith.constant 0 : i32
        %dma_wait3A_397 = arith.constant 0 : i32
        %dma_wait3A_398 = tpu.memref_slice %arg9[%dma_wait3A_396, %dma_wait3A_397] : memref<10240x128xf32, #tpu.memory_space<vmem_shared>> -> memref<10240x128xf32, #tpu.memory_space<vmem_shared>>
        tpu.wait_indirect_dma semaphore(%run_scoped3A_378 : memref<!tpu.dma_semaphore, #tpu.memory_space<semaphore_mem>>) src(%dma_wait3A_392 : memref<128x128xf32, #tpu.memory_space<vmem>>) dst(%dma_wait3A_398 : memref<10240x128xf32, #tpu.memory_space<vmem_shared>>)
        tpu.yield
      }) : () -> ()
      %add3A_220 = arith.constant 2 : i32
      %add3A_221 = arith.addi %add3A_205, %add3A_220 : i32
      %dma_start3A_222 = arith.constant 0 : i32
      %dma_start3A_223 = arith.constant 0 : i32
      %dma_start3A_224 = tpu.memref_slice %arg6[%dma_start3A_222, %dma_start3A_223] : memref<2x128xi32, #tpu.memory_space<vmem>> -> memref<1x128xi32, #tpu.memory_space<vmem>>
      %dma_start3A_225 = tpu.memref_squeeze %dma_start3A_224 : memref<1x128xi32, #tpu.memory_space<vmem>> -> memref<128xi32, #tpu.memory_space<vmem>>
      %dma_start3A_226 = arith.constant 0 : i32
      %dma_start3A_227 = tpu.memref_slice %arg3[%add3A, %add3A_221, %dma_start3A_226] : memref<32x80x128xi32, #tpu.memory_space<hbm>> -> memref<1x1x128xi32, #tpu.memory_space<hbm>>
      %dma_start3A_228 = tpu.memref_squeeze %dma_start3A_227 : memref<1x1x128xi32, #tpu.memory_space<hbm>> -> memref<128xi32, #tpu.memory_space<hbm>>
      %dma_start3A_229 = arith.constant 0 : i32
      %dma_start3A_230 = tpu.memref_slice %arg6[%dma_start3A_222, %dma_start3A_229] : memref<2x128xi32, #tpu.memory_space<vmem>> -> memref<1x128xi32, #tpu.memory_space<vmem>>
      %dma_start3A_231 = tpu.memref_squeeze %dma_start3A_230 : memref<1x128xi32, #tpu.memory_space<vmem>> -> memref<128xi32, #tpu.memory_space<vmem>>
      %dma_start3A_232 = arith.constant 0 : i32
      %dma_start3A_233 = tpu.memref_slice %arg3[%add3A, %add3A_221, %dma_start3A_232] : memref<32x80x128xi32, #tpu.memory_space<hbm>> -> memref<1x1x128xi32, #tpu.memory_space<hbm>>
      %dma_start3A_234 = tpu.memref_squeeze %dma_start3A_233 : memref<1x1x128xi32, #tpu.memory_space<hbm>> -> memref<128xi32, #tpu.memory_space<hbm>>
      tpu.enqueue_dma source(%dma_start3A_234 : memref<128xi32, #tpu.memory_space<hbm>>) target(%dma_start3A_231 : memref<128xi32, #tpu.memory_space<vmem>>) target_semaphore(%arg12 : memref<!tpu.dma_semaphore, #tpu.memory_space<semaphore_mem>>)
      %dma_start3A_235 = arith.constant 0 : i32
      %dma_start3A_236 = arith.constant 0 : i32
      %dma_start3A_237 = tpu.memref_slice %arg7[%dma_start3A_235, %dma_start3A_236] : memref<2x128xi32, #tpu.memory_space<vmem>> -> memref<1x128xi32, #tpu.memory_space<vmem>>
      %dma_start3A_238 = tpu.memref_squeeze %dma_start3A_237 : memref<1x128xi32, #tpu.memory_space<vmem>> -> memref<128xi32, #tpu.memory_space<vmem>>
      %dma_start3A_239 = arith.constant 0 : i32
      %dma_start3A_240 = tpu.memref_slice %arg4[%add3A, %add3A_221, %dma_start3A_239] : memref<32x80x128xi32, #tpu.memory_space<hbm>> -> memref<1x1x128xi32, #tpu.memory_space<hbm>>
      %dma_start3A_241 = tpu.memref_squeeze %dma_start3A_240 : memref<1x1x128xi32, #tpu.memory_space<hbm>> -> memref<128xi32, #tpu.memory_space<hbm>>
      %dma_start3A_242 = arith.constant 0 : i32
      %dma_start3A_243 = tpu.memref_slice %arg7[%dma_start3A_235, %dma_start3A_242] : memref<2x128xi32, #tpu.memory_space<vmem>> -> memref<1x128xi32, #tpu.memory_space<vmem>>
      %dma_start3A_244 = tpu.memref_squeeze %dma_start3A_243 : memref<1x128xi32, #tpu.memory_space<vmem>> -> memref<128xi32, #tpu.memory_space<vmem>>
      %dma_start3A_245 = arith.constant 0 : i32
      %dma_start3A_246 = tpu.memref_slice %arg4[%add3A, %add3A_221, %dma_start3A_245] : memref<32x80x128xi32, #tpu.memory_space<hbm>> -> memref<1x1x128xi32, #tpu.memory_space<hbm>>
      %dma_start3A_247 = tpu.memref_squeeze %dma_start3A_246 : memref<1x1x128xi32, #tpu.memory_space<hbm>> -> memref<128xi32, #tpu.memory_space<hbm>>
      tpu.enqueue_dma source(%dma_start3A_247 : memref<128xi32, #tpu.memory_space<hbm>>) target(%dma_start3A_244 : memref<128xi32, #tpu.memory_space<vmem>>) target_semaphore(%arg14 : memref<!tpu.dma_semaphore, #tpu.memory_space<semaphore_mem>>)
      %add3A_248 = arith.constant 1 : i32
      %add3A_249 = arith.addi %add3A_205, %add3A_248 : i32
      %dma_wait3A_250 = arith.constant 1 : i32
      %dma_wait3A_251 = arith.constant 0 : i32
      %dma_wait3A_252 = tpu.memref_slice %arg6[%dma_wait3A_250, %dma_wait3A_251] : memref<2x128xi32, #tpu.memory_space<vmem>> -> memref<1x128xi32, #tpu.memory_space<vmem>>
      %dma_wait3A_253 = tpu.memref_squeeze %dma_wait3A_252 : memref<1x128xi32, #tpu.memory_space<vmem>> -> memref<128xi32, #tpu.memory_space<vmem>>
      %dma_wait3A_254 = arith.constant 0 : i32
      %dma_wait3A_255 = tpu.memref_slice %arg3[%add3A, %add3A_249, %dma_wait3A_254] : memref<32x80x128xi32, #tpu.memory_space<hbm>> -> memref<1x1x128xi32, #tpu.memory_space<hbm>>
      %dma_wait3A_256 = tpu.memref_squeeze %dma_wait3A_255 : memref<1x1x128xi32, #tpu.memory_space<hbm>> -> memref<128xi32, #tpu.memory_space<hbm>>
      %dma_wait3A_257 = arith.constant 0 : i32
      %dma_wait3A_258 = tpu.memref_slice %arg6[%dma_wait3A_250, %dma_wait3A_257] : memref<2x128xi32, #tpu.memory_space<vmem>> -> memref<1x128xi32, #tpu.memory_space<vmem>>
      %dma_wait3A_259 = tpu.memref_squeeze %dma_wait3A_258 : memref<1x128xi32, #tpu.memory_space<vmem>> -> memref<128xi32, #tpu.memory_space<vmem>>
      %dma_wait3A_260 = arith.constant 0 : i32
      %dma_wait3A_261 = tpu.memref_slice %arg3[%add3A, %add3A_249, %dma_wait3A_260] : memref<32x80x128xi32, #tpu.memory_space<hbm>> -> memref<1x1x128xi32, #tpu.memory_space<hbm>>
      %dma_wait3A_262 = tpu.memref_squeeze %dma_wait3A_261 : memref<1x1x128xi32, #tpu.memory_space<hbm>> -> memref<128xi32, #tpu.memory_space<hbm>>
      tpu.wait_dma2 semaphore(%arg13 : memref<!tpu.dma_semaphore, #tpu.memory_space<semaphore_mem>>) src(%dma_wait3A_262 : memref<128xi32, #tpu.memory_space<hbm>>) dst(%dma_wait3A_259 : memref<128xi32, #tpu.memory_space<vmem>>)
      %dma_wait3A_263 = arith.constant 1 : i32
      %dma_wait3A_264 = arith.constant 0 : i32
      %dma_wait3A_265 = tpu.memref_slice %arg7[%dma_wait3A_263, %dma_wait3A_264] : memref<2x128xi32, #tpu.memory_space<vmem>> -> memref<1x128xi32, #tpu.memory_space<vmem>>
      %dma_wait3A_266 = tpu.memref_squeeze %dma_wait3A_265 : memref<1x128xi32, #tpu.memory_space<vmem>> -> memref<128xi32, #tpu.memory_space<vmem>>
      %dma_wait3A_267 = arith.constant 0 : i32
      %dma_wait3A_268 = tpu.memref_slice %arg4[%add3A, %add3A_249, %dma_wait3A_267] : memref<32x80x128xi32, #tpu.memory_space<hbm>> -> memref<1x1x128xi32, #tpu.memory_space<hbm>>
      %dma_wait3A_269 = tpu.memref_squeeze %dma_wait3A_268 : memref<1x1x128xi32, #tpu.memory_space<hbm>> -> memref<128xi32, #tpu.memory_space<hbm>>
      %dma_wait3A_270 = arith.constant 0 : i32
      %dma_wait3A_271 = tpu.memref_slice %arg7[%dma_wait3A_263, %dma_wait3A_270] : memref<2x128xi32, #tpu.memory_space<vmem>> -> memref<1x128xi32, #tpu.memory_space<vmem>>
      %dma_wait3A_272 = tpu.memref_squeeze %dma_wait3A_271 : memref<1x128xi32, #tpu.memory_space<vmem>> -> memref<128xi32, #tpu.memory_space<vmem>>
      %dma_wait3A_273 = arith.constant 0 : i32
      %dma_wait3A_274 = tpu.memref_slice %arg4[%add3A, %add3A_249, %dma_wait3A_273] : memref<32x80x128xi32, #tpu.memory_space<hbm>> -> memref<1x1x128xi32, #tpu.memory_space<hbm>>
      %dma_wait3A_275 = tpu.memref_squeeze %dma_wait3A_274 : memref<1x1x128xi32, #tpu.memory_space<hbm>> -> memref<128xi32, #tpu.memory_space<hbm>>
      tpu.wait_dma2 semaphore(%arg15 : memref<!tpu.dma_semaphore, #tpu.memory_space<semaphore_mem>>) src(%dma_wait3A_275 : memref<128xi32, #tpu.memory_space<hbm>>) dst(%dma_wait3A_272 : memref<128xi32, #tpu.memory_space<vmem>>)
      %add3A_276 = arith.constant 1 : i32
      %add3A_277 = arith.addi %add3A_205, %add3A_276 : i32
      %dma_start3A_278 = arith.constant 1 : i32
      %dma_start3A_279 = arith.constant 1 : i32
      %dma_start3A_280 = arith.constant 0 : i32
      %dma_start3A_281 = arith.constant 0 : i32
      %dma_start3A_282 = tpu.memref_slice %arg8[%dma_start3A_279, %dma_start3A_280, %dma_start3A_281] : memref<2x128x128xf32, #tpu.memory_space<vmem>> -> memref<1x128x128xf32, #tpu.memory_space<vmem>>
      %dma_start3A_283 = tpu.memref_squeeze %dma_start3A_282 : memref<1x128x128xf32, #tpu.memory_space<vmem>> -> memref<128x128xf32, #tpu.memory_space<vmem>>
      %dma_start3A_284 = arith.constant 0 : i32
      %dma_start3A_285 = tpu.memref_slice %arg6[%dma_start3A_278, %dma_start3A_284] : memref<2x128xi32, #tpu.memory_space<vmem>> -> memref<1x128xi32, #tpu.memory_space<vmem>>
      %dma_start3A_286 = tpu.memref_squeeze %dma_start3A_285 : memref<1x128xi32, #tpu.memory_space<vmem>> -> memref<128xi32, #tpu.memory_space<vmem>>
      %dma_start3A_287 = arith.constant 0 : i32
      %dma_start3A_288 = arith.constant 0 : i32
      %dma_start3A_289 = tpu.memref_slice %arg2[%dma_start3A_287, %dma_start3A_288] : memref<10000x128xf32, #tpu.memory_space<hbm>> -> memref<10000x128xf32, #tpu.memory_space<hbm>>
      tpu.enqueue_indirect_dma source(%dma_start3A_289 : memref<10000x128xf32, #tpu.memory_space<hbm>>) target(%dma_start3A_283 : memref<128x128xf32, #tpu.memory_space<vmem>>) offsets(%dma_start3A_286 : memref<128xi32, #tpu.memory_space<vmem>>) semaphore(%arg11 : memref<!tpu.dma_semaphore, #tpu.memory_space<semaphore_mem>>)
      %mul3A_290 = arith.constant 2 : i32
      %mul3A_291 = arith.muli %mul3A_290, %scan3A_201 : i32
      %add3A_292 = arith.constant 1 : i32
      %add3A_293 = arith.addi %mul3A_291, %add3A_292 : i32
      %dma_wait3A_294 = arith.constant 1 : i32
      %dma_wait3A_295 = arith.constant 1 : i32
      %dma_wait3A_296 = arith.constant 0 : i32
      %dma_wait3A_297 = arith.constant 0 : i32
      %dma_wait3A_298 = tpu.memref_slice %arg8[%dma_wait3A_295, %dma_wait3A_296, %dma_wait3A_297] : memref<2x128x128xf32, #tpu.memory_space<vmem>> -> memref<1x128x128xf32, #tpu.memory_space<vmem>>
      %dma_wait3A_299 = tpu.memref_squeeze %dma_wait3A_298 : memref<1x128x128xf32, #tpu.memory_space<vmem>> -> memref<128x128xf32, #tpu.memory_space<vmem>>
      %dma_wait3A_300 = arith.constant 0 : i32
      %dma_wait3A_301 = tpu.memref_slice %arg6[%dma_wait3A_294, %dma_wait3A_300] : memref<2x128xi32, #tpu.memory_space<vmem>> -> memref<1x128xi32, #tpu.memory_space<vmem>>
      %dma_wait3A_302 = tpu.memref_squeeze %dma_wait3A_301 : memref<1x128xi32, #tpu.memory_space<vmem>> -> memref<128xi32, #tpu.memory_space<vmem>>
      %dma_wait3A_303 = arith.constant 0 : i32
      %dma_wait3A_304 = arith.constant 0 : i32
      %dma_wait3A_305 = tpu.memref_slice %arg2[%dma_wait3A_303, %dma_wait3A_304] : memref<10000x128xf32, #tpu.memory_space<hbm>> -> memref<10000x128xf32, #tpu.memory_space<hbm>>
      tpu.wait_indirect_dma semaphore(%arg11 : memref<!tpu.dma_semaphore, #tpu.memory_space<semaphore_mem>>) src(%dma_wait3A_305 : memref<10000x128xf32, #tpu.memory_space<hbm>>) dst(%dma_wait3A_299 : memref<128x128xf32, #tpu.memory_space<vmem>>)
      %run_scoped3A_306 = arith.constant 1 : i32
      %run_scoped3A_307 = arith.constant 1 : i32
      "tpu.region"() ({
        %run_scoped3A_378 = tpu.sem_alloc : memref<!tpu.dma_semaphore, #tpu.memory_space<semaphore_mem>>
        %dma_start3A_379 = arith.constant 0 : i32
        %dma_start3A_380 = arith.constant 0 : i32
        %dma_start3A_381 = tpu.memref_slice %arg8[%run_scoped3A_306, %dma_start3A_379, %dma_start3A_380] : memref<2x128x128xf32, #tpu.memory_space<vmem>> -> memref<1x128x128xf32, #tpu.memory_space<vmem>>
        %dma_start3A_382 = tpu.memref_squeeze %dma_start3A_381 : memref<1x128x128xf32, #tpu.memory_space<vmem>> -> memref<128x128xf32, #tpu.memory_space<vmem>>
        %dma_start3A_383 = arith.constant 0 : i32
        %dma_start3A_384 = tpu.memref_slice %arg7[%run_scoped3A_307, %dma_start3A_383] : memref<2x128xi32, #tpu.memory_space<vmem>> -> memref<1x128xi32, #tpu.memory_space<vmem>>
        %dma_start3A_385 = tpu.memref_squeeze %dma_start3A_384 : memref<1x128xi32, #tpu.memory_space<vmem>> -> memref<128xi32, #tpu.memory_space<vmem>>
        %dma_start3A_386 = arith.constant 0 : i32
        %dma_start3A_387 = arith.constant 0 : i32
        %dma_start3A_388 = tpu.memref_slice %arg9[%dma_start3A_386, %dma_start3A_387] : memref<10240x128xf32, #tpu.memory_space<vmem_shared>> -> memref<10240x128xf32, #tpu.memory_space<vmem_shared>>
        tpu.enqueue_indirect_dma source(%dma_start3A_382 : memref<128x128xf32, #tpu.memory_space<vmem>>) target(%dma_start3A_388 : memref<10240x128xf32, #tpu.memory_space<vmem_shared>>) offsets(%dma_start3A_385 : memref<128xi32, #tpu.memory_space<vmem>>) semaphore(%run_scoped3A_378 : memref<!tpu.dma_semaphore, #tpu.memory_space<semaphore_mem>>) {add = true}
        %dma_wait3A_389 = arith.constant 0 : i32
        %dma_wait3A_390 = arith.constant 0 : i32
        %dma_wait3A_391 = tpu.memref_slice %arg8[%run_scoped3A_306, %dma_wait3A_389, %dma_wait3A_390] : memref<2x128x128xf32, #tpu.memory_space<vmem>> -> memref<1x128x128xf32, #tpu.memory_space<vmem>>
        %dma_wait3A_392 = tpu.memref_squeeze %dma_wait3A_391 : memref<1x128x128xf32, #tpu.memory_space<vmem>> -> memref<128x128xf32, #tpu.memory_space<vmem>>
        %dma_wait3A_393 = arith.constant 0 : i32
        %dma_wait3A_394 = tpu.memref_slice %arg7[%run_scoped3A_307, %dma_wait3A_393] : memref<2x128xi32, #tpu.memory_space<vmem>> -> memref<1x128xi32, #tpu.memory_space<vmem>>
        %dma_wait3A_395 = tpu.memref_squeeze %dma_wait3A_394 : memref<1x128xi32, #tpu.memory_space<vmem>> -> memref<128xi32, #tpu.memory_space<vmem>>
        %dma_wait3A_396 = arith.constant 0 : i32
        %dma_wait3A_397 = arith.constant 0 : i32
        %dma_wait3A_398 = tpu.memref_slice %arg9[%dma_wait3A_396, %dma_wait3A_397] : memref<10240x128xf32, #tpu.memory_space<vmem_shared>> -> memref<10240x128xf32, #tpu.memory_space<vmem_shared>>
        tpu.wait_indirect_dma semaphore(%run_scoped3A_378 : memref<!tpu.dma_semaphore, #tpu.memory_space<semaphore_mem>>) src(%dma_wait3A_392 : memref<128x128xf32, #tpu.memory_space<vmem>>) dst(%dma_wait3A_398 : memref<10240x128xf32, #tpu.memory_space<vmem_shared>>)
        tpu.yield
      }) : () -> ()
      %add3A_308 = arith.constant 2 : i32
      %add3A_309 = arith.addi %add3A_293, %add3A_308 : i32
      %dma_start3A_310 = arith.constant 1 : i32
      %dma_start3A_311 = arith.constant 0 : i32
      %dma_start3A_312 = tpu.memref_slice %arg6[%dma_start3A_310, %dma_start3A_311] : memref<2x128xi32, #tpu.memory_space<vmem>> -> memref<1x128xi32, #tpu.memory_space<vmem>>
      %dma_start3A_313 = tpu.memref_squeeze %dma_start3A_312 : memref<1x128xi32, #tpu.memory_space<vmem>> -> memref<128xi32, #tpu.memory_space<vmem>>
      %dma_start3A_314 = arith.constant 0 : i32
      %dma_start3A_315 = tpu.memref_slice %arg3[%add3A, %add3A_309, %dma_start3A_314] : memref<32x80x128xi32, #tpu.memory_space<hbm>> -> memref<1x1x128xi32, #tpu.memory_space<hbm>>
      %dma_start3A_316 = tpu.memref_squeeze %dma_start3A_315 : memref<1x1x128xi32, #tpu.memory_space<hbm>> -> memref<128xi32, #tpu.memory_space<hbm>>
      %dma_start3A_317 = arith.constant 0 : i32
      %dma_start3A_318 = tpu.memref_slice %arg6[%dma_start3A_310, %dma_start3A_317] : memref<2x128xi32, #tpu.memory_space<vmem>> -> memref<1x128xi32, #tpu.memory_space<vmem>>
      %dma_start3A_319 = tpu.memref_squeeze %dma_start3A_318 : memref<1x128xi32, #tpu.memory_space<vmem>> -> memref<128xi32, #tpu.memory_space<vmem>>
      %dma_start3A_320 = arith.constant 0 : i32
      %dma_start3A_321 = tpu.memref_slice %arg3[%add3A, %add3A_309, %dma_start3A_320] : memref<32x80x128xi32, #tpu.memory_space<hbm>> -> memref<1x1x128xi32, #tpu.memory_space<hbm>>
      %dma_start3A_322 = tpu.memref_squeeze %dma_start3A_321 : memref<1x1x128xi32, #tpu.memory_space<hbm>> -> memref<128xi32, #tpu.memory_space<hbm>>
      tpu.enqueue_dma source(%dma_start3A_322 : memref<128xi32, #tpu.memory_space<hbm>>) target(%dma_start3A_319 : memref<128xi32, #tpu.memory_space<vmem>>) target_semaphore(%arg13 : memref<!tpu.dma_semaphore, #tpu.memory_space<semaphore_mem>>)
      %dma_start3A_323 = arith.constant 1 : i32
      %dma_start3A_324 = arith.constant 0 : i32
      %dma_start3A_325 = tpu.memref_slice %arg7[%dma_start3A_323, %dma_start3A_324] : memref<2x128xi32, #tpu.memory_space<vmem>> -> memref<1x128xi32, #tpu.memory_space<vmem>>
      %dma_start3A_326 = tpu.memref_squeeze %dma_start3A_325 : memref<1x128xi32, #tpu.memory_space<vmem>> -> memref<128xi32, #tpu.memory_space<vmem>>
      %dma_start3A_327 = arith.constant 0 : i32
      %dma_start3A_328 = tpu.memref_slice %arg4[%add3A, %add3A_309, %dma_start3A_327] : memref<32x80x128xi32, #tpu.memory_space<hbm>> -> memref<1x1x128xi32, #tpu.memory_space<hbm>>
      %dma_start3A_329 = tpu.memref_squeeze %dma_start3A_328 : memref<1x1x128xi32, #tpu.memory_space<hbm>> -> memref<128xi32, #tpu.memory_space<hbm>>
      %dma_start3A_330 = arith.constant 0 : i32
      %dma_start3A_331 = tpu.memref_slice %arg7[%dma_start3A_323, %dma_start3A_330] : memref<2x128xi32, #tpu.memory_space<vmem>> -> memref<1x128xi32, #tpu.memory_space<vmem>>
      %dma_start3A_332 = tpu.memref_squeeze %dma_start3A_331 : memref<1x128xi32, #tpu.memory_space<vmem>> -> memref<128xi32, #tpu.memory_space<vmem>>
      %dma_start3A_333 = arith.constant 0 : i32
      %dma_start3A_334 = tpu.memref_slice %arg4[%add3A, %add3A_309, %dma_start3A_333] : memref<32x80x128xi32, #tpu.memory_space<hbm>> -> memref<1x1x128xi32, #tpu.memory_space<hbm>>
      %dma_start3A_335 = tpu.memref_squeeze %dma_start3A_334 : memref<1x1x128xi32, #tpu.memory_space<hbm>> -> memref<128xi32, #tpu.memory_space<hbm>>
      tpu.enqueue_dma source(%dma_start3A_335 : memref<128xi32, #tpu.memory_space<hbm>>) target(%dma_start3A_332 : memref<128xi32, #tpu.memory_space<vmem>>) target_semaphore(%arg15 : memref<!tpu.dma_semaphore, #tpu.memory_space<semaphore_mem>>)
      %add3A_336 = arith.constant 1 : i32
      %add3A_337 = arith.addi %add3A_293, %add3A_336 : i32
      %dma_wait3A_338 = arith.constant 0 : i32
      %dma_wait3A_339 = arith.constant 0 : i32
      %dma_wait3A_340 = tpu.memref_slice %arg6[%dma_wait3A_338, %dma_wait3A_339] : memref<2x128xi32, #tpu.memory_space<vmem>> -> memref<1x128xi32, #tpu.memory_space<vmem>>
      %dma_wait3A_341 = tpu.memref_squeeze %dma_wait3A_340 : memref<1x128xi32, #tpu.memory_space<vmem>> -> memref<128xi32, #tpu.memory_space<vmem>>
      %dma_wait3A_342 = arith.constant 0 : i32
      %dma_wait3A_343 = tpu.memref_slice %arg3[%add3A, %add3A_337, %dma_wait3A_342] : memref<32x80x128xi32, #tpu.memory_space<hbm>> -> memref<1x1x128xi32, #tpu.memory_space<hbm>>
      %dma_wait3A_344 = tpu.memref_squeeze %dma_wait3A_343 : memref<1x1x128xi32, #tpu.memory_space<hbm>> -> memref<128xi32, #tpu.memory_space<hbm>>
      %dma_wait3A_345 = arith.constant 0 : i32
      %dma_wait3A_346 = tpu.memref_slice %arg6[%dma_wait3A_338, %dma_wait3A_345] : memref<2x128xi32, #tpu.memory_space<vmem>> -> memref<1x128xi32, #tpu.memory_space<vmem>>
      %dma_wait3A_347 = tpu.memref_squeeze %dma_wait3A_346 : memref<1x128xi32, #tpu.memory_space<vmem>> -> memref<128xi32, #tpu.memory_space<vmem>>
      %dma_wait3A_348 = arith.constant 0 : i32
      %dma_wait3A_349 = tpu.memref_slice %arg3[%add3A, %add3A_337, %dma_wait3A_348] : memref<32x80x128xi32, #tpu.memory_space<hbm>> -> memref<1x1x128xi32, #tpu.memory_space<hbm>>
      %dma_wait3A_350 = tpu.memref_squeeze %dma_wait3A_349 : memref<1x1x128xi32, #tpu.memory_space<hbm>> -> memref<128xi32, #tpu.memory_space<hbm>>
      tpu.wait_dma2 semaphore(%arg12 : memref<!tpu.dma_semaphore, #tpu.memory_space<semaphore_mem>>) src(%dma_wait3A_350 : memref<128xi32, #tpu.memory_space<hbm>>) dst(%dma_wait3A_347 : memref<128xi32, #tpu.memory_space<vmem>>)
      %dma_wait3A_351 = arith.constant 0 : i32
      %dma_wait3A_352 = arith.constant 0 : i32
      %dma_wait3A_353 = tpu.memref_slice %arg7[%dma_wait3A_351, %dma_wait3A_352] : memref<2x128xi32, #tpu.memory_space<vmem>> -> memref<1x128xi32, #tpu.memory_space<vmem>>
      %dma_wait3A_354 = tpu.memref_squeeze %dma_wait3A_353 : memref<1x128xi32, #tpu.memory_space<vmem>> -> memref<128xi32, #tpu.memory_space<vmem>>
      %dma_wait3A_355 = arith.constant 0 : i32
      %dma_wait3A_356 = tpu.memref_slice %arg4[%add3A, %add3A_337, %dma_wait3A_355] : memref<32x80x128xi32, #tpu.memory_space<hbm>> -> memref<1x1x128xi32, #tpu.memory_space<hbm>>
      %dma_wait3A_357 = tpu.memref_squeeze %dma_wait3A_356 : memref<1x1x128xi32, #tpu.memory_space<hbm>> -> memref<128xi32, #tpu.memory_space<hbm>>
      %dma_wait3A_358 = arith.constant 0 : i32
      %dma_wait3A_359 = tpu.memref_slice %arg7[%dma_wait3A_351, %dma_wait3A_358] : memref<2x128xi32, #tpu.memory_space<vmem>> -> memref<1x128xi32, #tpu.memory_space<vmem>>
      %dma_wait3A_360 = tpu.memref_squeeze %dma_wait3A_359 : memref<1x128xi32, #tpu.memory_space<vmem>> -> memref<128xi32, #tpu.memory_space<vmem>>
      %dma_wait3A_361 = arith.constant 0 : i32
      %dma_wait3A_362 = tpu.memref_slice %arg4[%add3A, %add3A_337, %dma_wait3A_361] : memref<32x80x128xi32, #tpu.memory_space<hbm>> -> memref<1x1x128xi32, #tpu.memory_space<hbm>>
      %dma_wait3A_363 = tpu.memref_squeeze %dma_wait3A_362 : memref<1x1x128xi32, #tpu.memory_space<hbm>> -> memref<128xi32, #tpu.memory_space<hbm>>
      tpu.wait_dma2 semaphore(%arg14 : memref<!tpu.dma_semaphore, #tpu.memory_space<semaphore_mem>>) src(%dma_wait3A_363 : memref<128xi32, #tpu.memory_space<hbm>>) dst(%dma_wait3A_360 : memref<128xi32, #tpu.memory_space<vmem>>)
      %add3A_364 = arith.constant 1 : i32
      %add3A_365 = arith.addi %add3A_293, %add3A_364 : i32
      %dma_start3A_366 = arith.constant 0 : i32
      %dma_start3A_367 = arith.constant 0 : i32
      %dma_start3A_368 = arith.constant 0 : i32
      %dma_start3A_369 = arith.constant 0 : i32
      %dma_start3A_370 = tpu.memref_slice %arg8[%dma_start3A_367, %dma_start3A_368, %dma_start3A_369] : memref<2x128x128xf32, #tpu.memory_space<vmem>> -> memref<1x128x128xf32, #tpu.memory_space<vmem>>
      %dma_start3A_371 = tpu.memref_squeeze %dma_start3A_370 : memref<1x128x128xf32, #tpu.memory_space<vmem>> -> memref<128x128xf32, #tpu.memory_space<vmem>>
      %dma_start3A_372 = arith.constant 0 : i32
      %dma_start3A_373 = tpu.memref_slice %arg6[%dma_start3A_366, %dma_start3A_372] : memref<2x128xi32, #tpu.memory_space<vmem>> -> memref<1x128xi32, #tpu.memory_space<vmem>>
      %dma_start3A_374 = tpu.memref_squeeze %dma_start3A_373 : memref<1x128xi32, #tpu.memory_space<vmem>> -> memref<128xi32, #tpu.memory_space<vmem>>
      %dma_start3A_375 = arith.constant 0 : i32
      %dma_start3A_376 = arith.constant 0 : i32
      %dma_start3A_377 = tpu.memref_slice %arg2[%dma_start3A_375, %dma_start3A_376] : memref<10000x128xf32, #tpu.memory_space<hbm>> -> memref<10000x128xf32, #tpu.memory_space<hbm>>
      tpu.enqueue_indirect_dma source(%dma_start3A_377 : memref<10000x128xf32, #tpu.memory_space<hbm>>) target(%dma_start3A_371 : memref<128x128xf32, #tpu.memory_space<vmem>>) offsets(%dma_start3A_374 : memref<128xi32, #tpu.memory_space<vmem>>) semaphore(%arg10 : memref<!tpu.dma_semaphore, #tpu.memory_space<semaphore_mem>>)
    }
    %scan3A_127 = arith.constant 39 : i32
    %dma_wait3A_128 = arith.constant 0 : i32
    %dma_wait3A_129 = arith.constant 0 : i32
    %dma_wait3A_130 = arith.constant 0 : i32
    %dma_wait3A_131 = arith.constant 0 : i32
    %dma_wait3A_132 = tpu.memref_slice %arg8[%dma_wait3A_129, %dma_wait3A_130, %dma_wait3A_131] : memref<2x128x128xf32, #tpu.memory_space<vmem>> -> memref<1x128x128xf32, #tpu.memory_space<vmem>>
    %dma_wait3A_133 = tpu.memref_squeeze %dma_wait3A_132 : memref<1x128x128xf32, #tpu.memory_space<vmem>> -> memref<128x128xf32, #tpu.memory_space<vmem>>
    %dma_wait3A_134 = arith.constant 0 : i32
    %dma_wait3A_135 = tpu.memref_slice %arg6[%dma_wait3A_128, %dma_wait3A_134] : memref<2x128xi32, #tpu.memory_space<vmem>> -> memref<1x128xi32, #tpu.memory_space<vmem>>
    %dma_wait3A_136 = tpu.memref_squeeze %dma_wait3A_135 : memref<1x128xi32, #tpu.memory_space<vmem>> -> memref<128xi32, #tpu.memory_space<vmem>>
    %dma_wait3A_137 = arith.constant 0 : i32
    %dma_wait3A_138 = arith.constant 0 : i32
    %dma_wait3A_139 = tpu.memref_slice %arg2[%dma_wait3A_137, %dma_wait3A_138] : memref<10000x128xf32, #tpu.memory_space<hbm>> -> memref<10000x128xf32, #tpu.memory_space<hbm>>
    tpu.wait_indirect_dma semaphore(%arg10 : memref<!tpu.dma_semaphore, #tpu.memory_space<semaphore_mem>>) src(%dma_wait3A_139 : memref<10000x128xf32, #tpu.memory_space<hbm>>) dst(%dma_wait3A_133 : memref<128x128xf32, #tpu.memory_space<vmem>>)
    %run_scoped3A_140 = arith.constant 0 : i32
    %run_scoped3A_141 = arith.constant 0 : i32
    "tpu.region"() ({
      %run_scoped3A_201 = tpu.sem_alloc : memref<!tpu.dma_semaphore, #tpu.memory_space<semaphore_mem>>
      %dma_start3A_202 = arith.constant 0 : i32
      %dma_start3A_203 = arith.constant 0 : i32
      %dma_start3A_204 = tpu.memref_slice %arg8[%run_scoped3A_140, %dma_start3A_202, %dma_start3A_203] : memref<2x128x128xf32, #tpu.memory_space<vmem>> -> memref<1x128x128xf32, #tpu.memory_space<vmem>>
      %dma_start3A_205 = tpu.memref_squeeze %dma_start3A_204 : memref<1x128x128xf32, #tpu.memory_space<vmem>> -> memref<128x128xf32, #tpu.memory_space<vmem>>
      %dma_start3A_206 = arith.constant 0 : i32
      %dma_start3A_207 = tpu.memref_slice %arg7[%run_scoped3A_141, %dma_start3A_206] : memref<2x128xi32, #tpu.memory_space<vmem>> -> memref<1x128xi32, #tpu.memory_space<vmem>>
      %dma_start3A_208 = tpu.memref_squeeze %dma_start3A_207 : memref<1x128xi32, #tpu.memory_space<vmem>> -> memref<128xi32, #tpu.memory_space<vmem>>
      %dma_start3A_209 = arith.constant 0 : i32
      %dma_start3A_210 = arith.constant 0 : i32
      %dma_start3A_211 = tpu.memref_slice %arg9[%dma_start3A_209, %dma_start3A_210] : memref<10240x128xf32, #tpu.memory_space<vmem_shared>> -> memref<10240x128xf32, #tpu.memory_space<vmem_shared>>
      tpu.enqueue_indirect_dma source(%dma_start3A_205 : memref<128x128xf32, #tpu.memory_space<vmem>>) target(%dma_start3A_211 : memref<10240x128xf32, #tpu.memory_space<vmem_shared>>) offsets(%dma_start3A_208 : memref<128xi32, #tpu.memory_space<vmem>>) semaphore(%run_scoped3A_201 : memref<!tpu.dma_semaphore, #tpu.memory_space<semaphore_mem>>) {add = true}
      %dma_wait3A_212 = arith.constant 0 : i32
      %dma_wait3A_213 = arith.constant 0 : i32
      %dma_wait3A_214 = tpu.memref_slice %arg8[%run_scoped3A_140, %dma_wait3A_212, %dma_wait3A_213] : memref<2x128x128xf32, #tpu.memory_space<vmem>> -> memref<1x128x128xf32, #tpu.memory_space<vmem>>
      %dma_wait3A_215 = tpu.memref_squeeze %dma_wait3A_214 : memref<1x128x128xf32, #tpu.memory_space<vmem>> -> memref<128x128xf32, #tpu.memory_space<vmem>>
      %dma_wait3A_216 = arith.constant 0 : i32
      %dma_wait3A_217 = tpu.memref_slice %arg7[%run_scoped3A_141, %dma_wait3A_216] : memref<2x128xi32, #tpu.memory_space<vmem>> -> memref<1x128xi32, #tpu.memory_space<vmem>>
      %dma_wait3A_218 = tpu.memref_squeeze %dma_wait3A_217 : memref<1x128xi32, #tpu.memory_space<vmem>> -> memref<128xi32, #tpu.memory_space<vmem>>
      %dma_wait3A_219 = arith.constant 0 : i32
      %dma_wait3A_220 = arith.constant 0 : i32
      %dma_wait3A_221 = tpu.memref_slice %arg9[%dma_wait3A_219, %dma_wait3A_220] : memref<10240x128xf32, #tpu.memory_space<vmem_shared>> -> memref<10240x128xf32, #tpu.memory_space<vmem_shared>>
      tpu.wait_indirect_dma semaphore(%run_scoped3A_201 : memref<!tpu.dma_semaphore, #tpu.memory_space<semaphore_mem>>) src(%dma_wait3A_215 : memref<128x128xf32, #tpu.memory_space<vmem>>) dst(%dma_wait3A_221 : memref<10240x128xf32, #tpu.memory_space<vmem_shared>>)
      tpu.yield
    }) : () -> ()
    %dma_wait3A_142 = arith.constant 79 : i32
    %dma_wait3A_143 = arith.constant 1 : i32
    %dma_wait3A_144 = arith.constant 0 : i32
    %dma_wait3A_145 = tpu.memref_slice %arg6[%dma_wait3A_143, %dma_wait3A_144] : memref<2x128xi32, #tpu.memory_space<vmem>> -> memref<1x128xi32, #tpu.memory_space<vmem>>
    %dma_wait3A_146 = tpu.memref_squeeze %dma_wait3A_145 : memref<1x128xi32, #tpu.memory_space<vmem>> -> memref<128xi32, #tpu.memory_space<vmem>>
    %dma_wait3A_147 = arith.constant 0 : i32
    %dma_wait3A_148 = tpu.memref_slice %arg3[%add3A, %dma_wait3A_142, %dma_wait3A_147] : memref<32x80x128xi32, #tpu.memory_space<hbm>> -> memref<1x1x128xi32, #tpu.memory_space<hbm>>
    %dma_wait3A_149 = tpu.memref_squeeze %dma_wait3A_148 : memref<1x1x128xi32, #tpu.memory_space<hbm>> -> memref<128xi32, #tpu.memory_space<hbm>>
    %dma_wait3A_150 = arith.constant 0 : i32
    %dma_wait3A_151 = tpu.memref_slice %arg6[%dma_wait3A_143, %dma_wait3A_150] : memref<2x128xi32, #tpu.memory_space<vmem>> -> memref<1x128xi32, #tpu.memory_space<vmem>>
    %dma_wait3A_152 = tpu.memref_squeeze %dma_wait3A_151 : memref<1x128xi32, #tpu.memory_space<vmem>> -> memref<128xi32, #tpu.memory_space<vmem>>
    %dma_wait3A_153 = arith.constant 0 : i32
    %dma_wait3A_154 = tpu.memref_slice %arg3[%add3A, %dma_wait3A_142, %dma_wait3A_153] : memref<32x80x128xi32, #tpu.memory_space<hbm>> -> memref<1x1x128xi32, #tpu.memory_space<hbm>>
    %dma_wait3A_155 = tpu.memref_squeeze %dma_wait3A_154 : memref<1x1x128xi32, #tpu.memory_space<hbm>> -> memref<128xi32, #tpu.memory_space<hbm>>
    tpu.wait_dma2 semaphore(%arg13 : memref<!tpu.dma_semaphore, #tpu.memory_space<semaphore_mem>>) src(%dma_wait3A_155 : memref<128xi32, #tpu.memory_space<hbm>>) dst(%dma_wait3A_152 : memref<128xi32, #tpu.memory_space<vmem>>)
    %dma_wait3A_156 = arith.constant 79 : i32
    %dma_wait3A_157 = arith.constant 1 : i32
    %dma_wait3A_158 = arith.constant 0 : i32
    %dma_wait3A_159 = tpu.memref_slice %arg7[%dma_wait3A_157, %dma_wait3A_158] : memref<2x128xi32, #tpu.memory_space<vmem>> -> memref<1x128xi32, #tpu.memory_space<vmem>>
    %dma_wait3A_160 = tpu.memref_squeeze %dma_wait3A_159 : memref<1x128xi32, #tpu.memory_space<vmem>> -> memref<128xi32, #tpu.memory_space<vmem>>
    %dma_wait3A_161 = arith.constant 0 : i32
    %dma_wait3A_162 = tpu.memref_slice %arg4[%add3A, %dma_wait3A_156, %dma_wait3A_161] : memref<32x80x128xi32, #tpu.memory_space<hbm>> -> memref<1x1x128xi32, #tpu.memory_space<hbm>>
    %dma_wait3A_163 = tpu.memref_squeeze %dma_wait3A_162 : memref<1x1x128xi32, #tpu.memory_space<hbm>> -> memref<128xi32, #tpu.memory_space<hbm>>
    %dma_wait3A_164 = arith.constant 0 : i32
    %dma_wait3A_165 = tpu.memref_slice %arg7[%dma_wait3A_157, %dma_wait3A_164] : memref<2x128xi32, #tpu.memory_space<vmem>> -> memref<1x128xi32, #tpu.memory_space<vmem>>
    %dma_wait3A_166 = tpu.memref_squeeze %dma_wait3A_165 : memref<1x128xi32, #tpu.memory_space<vmem>> -> memref<128xi32, #tpu.memory_space<vmem>>
    %dma_wait3A_167 = arith.constant 0 : i32
    %dma_wait3A_168 = tpu.memref_slice %arg4[%add3A, %dma_wait3A_156, %dma_wait3A_167] : memref<32x80x128xi32, #tpu.memory_space<hbm>> -> memref<1x1x128xi32, #tpu.memory_space<hbm>>
    %dma_wait3A_169 = tpu.memref_squeeze %dma_wait3A_168 : memref<1x1x128xi32, #tpu.memory_space<hbm>> -> memref<128xi32, #tpu.memory_space<hbm>>
    tpu.wait_dma2 semaphore(%arg15 : memref<!tpu.dma_semaphore, #tpu.memory_space<semaphore_mem>>) src(%dma_wait3A_169 : memref<128xi32, #tpu.memory_space<hbm>>) dst(%dma_wait3A_166 : memref<128xi32, #tpu.memory_space<vmem>>)
    %dma_start3A_170 = arith.constant 1 : i32
    %dma_start3A_171 = arith.constant 1 : i32
    %dma_start3A_172 = arith.constant 0 : i32
    %dma_start3A_173 = arith.constant 0 : i32
    %dma_start3A_174 = tpu.memref_slice %arg8[%dma_start3A_171, %dma_start3A_172, %dma_start3A_173] : memref<2x128x128xf32, #tpu.memory_space<vmem>> -> memref<1x128x128xf32, #tpu.memory_space<vmem>>
    %dma_start3A_175 = tpu.memref_squeeze %dma_start3A_174 : memref<1x128x128xf32, #tpu.memory_space<vmem>> -> memref<128x128xf32, #tpu.memory_space<vmem>>
    %dma_start3A_176 = arith.constant 0 : i32
    %dma_start3A_177 = tpu.memref_slice %arg6[%dma_start3A_170, %dma_start3A_176] : memref<2x128xi32, #tpu.memory_space<vmem>> -> memref<1x128xi32, #tpu.memory_space<vmem>>
    %dma_start3A_178 = tpu.memref_squeeze %dma_start3A_177 : memref<1x128xi32, #tpu.memory_space<vmem>> -> memref<128xi32, #tpu.memory_space<vmem>>
    %dma_start3A_179 = arith.constant 0 : i32
    %dma_start3A_180 = arith.constant 0 : i32
    %dma_start3A_181 = tpu.memref_slice %arg2[%dma_start3A_179, %dma_start3A_180] : memref<10000x128xf32, #tpu.memory_space<hbm>> -> memref<10000x128xf32, #tpu.memory_space<hbm>>
    tpu.enqueue_indirect_dma source(%dma_start3A_181 : memref<10000x128xf32, #tpu.memory_space<hbm>>) target(%dma_start3A_175 : memref<128x128xf32, #tpu.memory_space<vmem>>) offsets(%dma_start3A_178 : memref<128xi32, #tpu.memory_space<vmem>>) semaphore(%arg11 : memref<!tpu.dma_semaphore, #tpu.memory_space<semaphore_mem>>)
    %dma_wait3A_182 = arith.constant 1 : i32
    %dma_wait3A_183 = arith.constant 1 : i32
    %dma_wait3A_184 = arith.constant 0 : i32
    %dma_wait3A_185 = arith.constant 0 : i32
    %dma_wait3A_186 = tpu.memref_slice %arg8[%dma_wait3A_183, %dma_wait3A_184, %dma_wait3A_185] : memref<2x128x128xf32, #tpu.memory_space<vmem>> -> memref<1x128x128xf32, #tpu.memory_space<vmem>>
    %dma_wait3A_187 = tpu.memref_squeeze %dma_wait3A_186 : memref<1x128x128xf32, #tpu.memory_space<vmem>> -> memref<128x128xf32, #tpu.memory_space<vmem>>
    %dma_wait3A_188 = arith.constant 0 : i32
    %dma_wait3A_189 = tpu.memref_slice %arg6[%dma_wait3A_182, %dma_wait3A_188] : memref<2x128xi32, #tpu.memory_space<vmem>> -> memref<1x128xi32, #tpu.memory_space<vmem>>
    %dma_wait3A_190 = tpu.memref_squeeze %dma_wait3A_189 : memref<1x128xi32, #tpu.memory_space<vmem>> -> memref<128xi32, #tpu.memory_space<vmem>>
    %dma_wait3A_191 = arith.constant 0 : i32
    %dma_wait3A_192 = arith.constant 0 : i32
    %dma_wait3A_193 = tpu.memref_slice %arg2[%dma_wait3A_191, %dma_wait3A_192] : memref<10000x128xf32, #tpu.memory_space<hbm>> -> memref<10000x128xf32, #tpu.memory_space<hbm>>
    tpu.wait_indirect_dma semaphore(%arg11 : memref<!tpu.dma_semaphore, #tpu.memory_space<semaphore_mem>>) src(%dma_wait3A_193 : memref<10000x128xf32, #tpu.memory_space<hbm>>) dst(%dma_wait3A_187 : memref<128x128xf32, #tpu.memory_space<vmem>>)
    %run_scoped3A_194 = arith.constant 1 : i32
    %run_scoped3A_195 = arith.constant 1 : i32
    "tpu.region"() ({
      %run_scoped3A_201 = tpu.sem_alloc : memref<!tpu.dma_semaphore, #tpu.memory_space<semaphore_mem>>
      %dma_start3A_202 = arith.constant 0 : i32
      %dma_start3A_203 = arith.constant 0 : i32
      %dma_start3A_204 = tpu.memref_slice %arg8[%run_scoped3A_194, %dma_start3A_202, %dma_start3A_203] : memref<2x128x128xf32, #tpu.memory_space<vmem>> -> memref<1x128x128xf32, #tpu.memory_space<vmem>>
      %dma_start3A_205 = tpu.memref_squeeze %dma_start3A_204 : memref<1x128x128xf32, #tpu.memory_space<vmem>> -> memref<128x128xf32, #tpu.memory_space<vmem>>
      %dma_start3A_206 = arith.constant 0 : i32
      %dma_start3A_207 = tpu.memref_slice %arg7[%run_scoped3A_195, %dma_start3A_206] : memref<2x128xi32, #tpu.memory_space<vmem>> -> memref<1x128xi32, #tpu.memory_space<vmem>>
      %dma_start3A_208 = tpu.memref_squeeze %dma_start3A_207 : memref<1x128xi32, #tpu.memory_space<vmem>> -> memref<128xi32, #tpu.memory_space<vmem>>
      %dma_start3A_209 = arith.constant 0 : i32
      %dma_start3A_210 = arith.constant 0 : i32
      %dma_start3A_211 = tpu.memref_slice %arg9[%dma_start3A_209, %dma_start3A_210] : memref<10240x128xf32, #tpu.memory_space<vmem_shared>> -> memref<10240x128xf32, #tpu.memory_space<vmem_shared>>
      tpu.enqueue_indirect_dma source(%dma_start3A_205 : memref<128x128xf32, #tpu.memory_space<vmem>>) target(%dma_start3A_211 : memref<10240x128xf32, #tpu.memory_space<vmem_shared>>) offsets(%dma_start3A_208 : memref<128xi32, #tpu.memory_space<vmem>>) semaphore(%run_scoped3A_201 : memref<!tpu.dma_semaphore, #tpu.memory_space<semaphore_mem>>) {add = true}
      %dma_wait3A_212 = arith.constant 0 : i32
      %dma_wait3A_213 = arith.constant 0 : i32
      %dma_wait3A_214 = tpu.memref_slice %arg8[%run_scoped3A_194, %dma_wait3A_212, %dma_wait3A_213] : memref<2x128x128xf32, #tpu.memory_space<vmem>> -> memref<1x128x128xf32, #tpu.memory_space<vmem>>
      %dma_wait3A_215 = tpu.memref_squeeze %dma_wait3A_214 : memref<1x128x128xf32, #tpu.memory_space<vmem>> -> memref<128x128xf32, #tpu.memory_space<vmem>>
      %dma_wait3A_216 = arith.constant 0 : i32
      %dma_wait3A_217 = tpu.memref_slice %arg7[%run_scoped3A_195, %dma_wait3A_216] : memref<2x128xi32, #tpu.memory_space<vmem>> -> memref<1x128xi32, #tpu.memory_space<vmem>>
      %dma_wait3A_218 = tpu.memref_squeeze %dma_wait3A_217 : memref<1x128xi32, #tpu.memory_space<vmem>> -> memref<128xi32, #tpu.memory_space<vmem>>
      %dma_wait3A_219 = arith.constant 0 : i32
      %dma_wait3A_220 = arith.constant 0 : i32
      %dma_wait3A_221 = tpu.memref_slice %arg9[%dma_wait3A_219, %dma_wait3A_220] : memref<10240x128xf32, #tpu.memory_space<vmem_shared>> -> memref<10240x128xf32, #tpu.memory_space<vmem_shared>>
      tpu.wait_indirect_dma semaphore(%run_scoped3A_201 : memref<!tpu.dma_semaphore, #tpu.memory_space<semaphore_mem>>) src(%dma_wait3A_215 : memref<128x128xf32, #tpu.memory_space<vmem>>) dst(%dma_wait3A_221 : memref<10240x128xf32, #tpu.memory_space<vmem_shared>>)
      tpu.yield
    }) : () -> ()
    %barrier3A_196 = arith.constant 0 : index
    tpu.barrier barrier_id(%barrier3A_196)
    %mul3A_197 = arith.constant 640 : i32
    %mul3A_198 = arith.muli %arg1, %mul3A_197 : i32
    %mul3A_199 = arith.constant 640 : i32
    %mul3A_200 = arith.muli %arg1, %mul3A_199 : i32
    "tpu.region"() ({
      %run_scoped3A_201 = tpu.sem_alloc : memref<!tpu.dma_semaphore, #tpu.memory_space<semaphore_mem>>
      %dma_start3A_202 = arith.constant 0 : i32
      %dma_start3A_203 = tpu.memref_slice %arg5[%arg0, %mul3A_200, %dma_start3A_202] : memref<2x10240x128xf32, #tpu.memory_space<hbm>> -> memref<1x640x128xf32, #tpu.memory_space<hbm>>
      %dma_start3A_204 = tpu.memref_squeeze %dma_start3A_203 : memref<1x640x128xf32, #tpu.memory_space<hbm>> -> memref<640x128xf32, #tpu.memory_space<hbm>>
      %dma_start3A_205 = arith.constant 0 : i32
      %dma_start3A_206 = tpu.memref_slice %arg9[%mul3A_198, %dma_start3A_205] : memref<10240x128xf32, #tpu.memory_space<vmem_shared>> -> memref<640x128xf32, #tpu.memory_space<vmem_shared>>
      tpu.enqueue_dma source(%dma_start3A_206 : memref<640x128xf32, #tpu.memory_space<vmem_shared>>) target(%dma_start3A_204 : memref<640x128xf32, #tpu.memory_space<hbm>>) target_semaphore(%run_scoped3A_201 : memref<!tpu.dma_semaphore, #tpu.memory_space<semaphore_mem>>)
      %dma_wait3A_207 = arith.constant 0 : i32
      %dma_wait3A_208 = tpu.memref_slice %arg5[%arg0, %mul3A_200, %dma_wait3A_207] : memref<2x10240x128xf32, #tpu.memory_space<hbm>> -> memref<1x640x128xf32, #tpu.memory_space<hbm>>
      %dma_wait3A_209 = tpu.memref_squeeze %dma_wait3A_208 : memref<1x640x128xf32, #tpu.memory_space<hbm>> -> memref<640x128xf32, #tpu.memory_space<hbm>>
      %dma_wait3A_210 = arith.constant 0 : i32
      %dma_wait3A_211 = tpu.memref_slice %arg9[%mul3A_198, %dma_wait3A_210] : memref<10240x128xf32, #tpu.memory_space<vmem_shared>> -> memref<640x128xf32, #tpu.memory_space<vmem_shared>>
      tpu.wait_dma2 semaphore(%run_scoped3A_201 : memref<!tpu.dma_semaphore, #tpu.memory_space<semaphore_mem>>) src(%dma_wait3A_211 : memref<640x128xf32, #tpu.memory_space<vmem_shared>>) dst(%dma_wait3A_209 : memref<640x128xf32, #tpu.memory_space<hbm>>)
      tpu.yield
    }) : () -> ()
    return
  }
}

module attributes {stable_mosaic.version = 14 : i64} {
  func.func @_tc_layer1_body(%arg0: i32, %arg1: memref<2x1000x128xf32, #tpu.memory_space<vmem>>, %arg2: memref<2x1000x128xf32, #tpu.memory_space<vmem>>, %arg3: memref<1000x128xf32, #tpu.memory_space<vmem>>, %arg4: memref<128x128xf32, #tpu.memory_space<vmem>>, %arg5: memref<1x128xf32, #tpu.memory_space<vmem>>, %arg6: memref<128x128xf32, #tpu.memory_space<vmem>>, %arg7: memref<1000x128xf32, #tpu.memory_space<vmem>>) attributes {dimension_semantics = [#tpu.dimension_semantics<arbitrary>], iteration_bounds = array<i64: 10>, scalar_prefetch = 0 : i64, scratch_operands = 0 : i64, tpu.core_type = #tpu.core_type<tc>, window_params = [{transform_indices = @transform_0, window_bounds = array<i64: 2, 1000, 128>}, {transform_indices = @transform_1, window_bounds = array<i64: 2, 1000, 128>}, {transform_indices = @transform_2, window_bounds = array<i64: 1000, 128>}, {pipeline_mode = #tpu.pipeline_mode<synchronous>, transform_indices = @transform_3, window_bounds = array<i64: 128, 128>}, {pipeline_mode = #tpu.pipeline_mode<synchronous>, transform_indices = @transform_4, window_bounds = array<i64: 1, 128>}, {pipeline_mode = #tpu.pipeline_mode<synchronous>, transform_indices = @transform_5, window_bounds = array<i64: 128, 128>}, {transform_indices = @transform_6, window_bounds = array<i64: 1000, 128>}]} {
    %get3A = arith.constant 0 : index
    %get3A_0 = arith.constant 0 : index
    %get3A_1 = arith.constant 0 : index
    %get3A_2 = vector.load %arg1[%get3A, %get3A_0, %get3A_1] : memref<2x1000x128xf32, #tpu.memory_space<vmem>>, vector<1x1000x128xf32>
    %get3A_3 = vector.shape_cast %get3A_2 : vector<1x1000x128xf32> to vector<1000x128xf32>
    %get3A_4 = arith.constant 1 : index
    %get3A_5 = arith.constant 0 : index
    %get3A_6 = arith.constant 0 : index
    %get3A_7 = vector.load %arg1[%get3A_4, %get3A_5, %get3A_6] : memref<2x1000x128xf32, #tpu.memory_space<vmem>>, vector<1x1000x128xf32>
    %get3A_8 = vector.shape_cast %get3A_7 : vector<1x1000x128xf32> to vector<1000x128xf32>
    %add3A = arith.addf %get3A_3, %get3A_8 : vector<1000x128xf32>
    %get3A_9 = arith.constant 0 : index
    %get3A_10 = arith.constant 0 : index
    %get3A_11 = arith.constant 0 : index
    %get3A_12 = vector.load %arg2[%get3A_9, %get3A_10, %get3A_11] : memref<2x1000x128xf32, #tpu.memory_space<vmem>>, vector<1x1000x128xf32>
    %get3A_13 = vector.shape_cast %get3A_12 : vector<1x1000x128xf32> to vector<1000x128xf32>
    %get3A_14 = arith.constant 1 : index
    %get3A_15 = arith.constant 0 : index
    %get3A_16 = arith.constant 0 : index
    %get3A_17 = vector.load %arg2[%get3A_14, %get3A_15, %get3A_16] : memref<2x1000x128xf32, #tpu.memory_space<vmem>>, vector<1x1000x128xf32>
    %get3A_18 = vector.shape_cast %get3A_17 : vector<1x1000x128xf32> to vector<1000x128xf32>
    %add3A_19 = arith.addf %get3A_13, %get3A_18 : vector<1000x128xf32>
    %max3A = arith.constant 1.000000e+00 : f32
    %max3A_20 = vector.broadcast %max3A : f32 to vector<1000x128xf32>
    %max3A_21 = arith.maximumf %add3A_19, %max3A_20 : vector<1000x128xf32>
    %div3A = arith.divf %add3A, %max3A_21 : vector<1000x128xf32>
    %get3A_22 = arith.constant 0 : index
    %get3A_23 = arith.constant 0 : index
    %get3A_24 = vector.load %arg4[%get3A_22, %get3A_23] : memref<128x128xf32, #tpu.memory_space<vmem>>, vector<128x128xf32>
    %dot_general3A = arith.constant dense<0.000000e+00> : vector<1000x128xf32>
    %dot_general3A_25 = tpu.matmul %div3A, %get3A_24, %dot_general3A {dimension_numbers = #tpu.dot_dimension_numbers<[1], [0], [0], [1], [0, 0, 1, 1], [], []>, precision = #tpu.contract_precision<fp32>, transpose_lhs_hint = false} : vector<1000x128xf32>, vector<128x128xf32>, vector<1000x128xf32> -> vector<1000x128xf32>
    %get3A_26 = arith.constant 0 : index
    %get3A_27 = arith.constant 0 : index
    %get3A_28 = vector.load %arg3[%get3A_26, %get3A_27] : memref<1000x128xf32, #tpu.memory_space<vmem>>, vector<1000x128xf32>
    %get3A_29 = arith.constant 0 : index
    %get3A_30 = arith.constant 0 : index
    %get3A_31 = vector.load %arg6[%get3A_29, %get3A_30] : memref<128x128xf32, #tpu.memory_space<vmem>>, vector<128x128xf32>
    %dot_general3A_32 = arith.constant dense<0.000000e+00> : vector<1000x128xf32>
    %dot_general3A_33 = tpu.matmul %get3A_28, %get3A_31, %dot_general3A_32 {dimension_numbers = #tpu.dot_dimension_numbers<[1], [0], [0], [1], [0, 0, 1, 1], [], []>, precision = #tpu.contract_precision<fp32>, transpose_lhs_hint = false} : vector<1000x128xf32>, vector<128x128xf32>, vector<1000x128xf32> -> vector<1000x128xf32>
    %add3A_34 = arith.addf %dot_general3A_25, %dot_general3A_33 : vector<1000x128xf32>
    %get3A_35 = arith.constant 0 : index
    %get3A_36 = arith.constant 0 : index
    %get3A_37 = vector.load %arg5[%get3A_35, %get3A_36] : memref<1x128xf32, #tpu.memory_space<vmem>>, vector<1x128xf32>
    %add3A_38 = vector.broadcast %get3A_37 : vector<1x128xf32> to vector<1000x128xf32>
    %add3A_39 = arith.addf %add3A_34, %add3A_38 : vector<1000x128xf32>
    %max3A_40 = arith.constant 0.000000e+00 : f32
    %max3A_41 = vector.broadcast %max3A_40 : f32 to vector<1000x128xf32>
    %max3A_42 = arith.maximumf %add3A_39, %max3A_41 : vector<1000x128xf32>
    %swap3A = arith.constant 0 : index
    %swap3A_43 = arith.constant 0 : index
    %swap3A_44 = vector.load %arg7[%swap3A, %swap3A_43] : memref<1000x128xf32, #tpu.memory_space<vmem>>, vector<1000x128xf32>
    tpu.vector_store %arg7[%swap3A, %swap3A_43], %max3A_42 {strides = array<i32>} : memref<1000x128xf32, #tpu.memory_space<vmem>>, vector<1000x128xf32>,
    return
  }
  func.func @transform_0(%arg0: i32) -> (i32, i32, i32) {
    %c0_i32 = arith.constant 0 : i32
    %c0_i32_0 = arith.constant 0 : i32
    %c0_i32_1 = arith.constant 0 : i32
    return %c0_i32, %arg0, %c0_i32_0 : i32, i32, i32
  }
  func.func @transform_1(%arg0: i32) -> (i32, i32, i32) {
    %c0_i32 = arith.constant 0 : i32
    %c0_i32_0 = arith.constant 0 : i32
    %c0_i32_1 = arith.constant 0 : i32
    return %c0_i32, %arg0, %c0_i32_0 : i32, i32, i32
  }
  func.func @transform_2(%arg0: i32) -> (i32, i32) {
    %c0_i32 = arith.constant 0 : i32
    %c0_i32_0 = arith.constant 0 : i32
    return %arg0, %c0_i32 : i32, i32
  }
  func.func @transform_3(%arg0: i32) -> (i32, i32) {
    %c0_i32 = arith.constant 0 : i32
    %c0_i32_0 = arith.constant 0 : i32
    %c0_i32_1 = arith.constant 0 : i32
    return %c0_i32, %c0_i32_0 : i32, i32
  }
  func.func @transform_4(%arg0: i32) -> (i32, i32) {
    %c0_i32 = arith.constant 0 : i32
    %c0_i32_0 = arith.constant 0 : i32
    %c0_i32_1 = arith.constant 0 : i32
    return %c0_i32, %c0_i32_0 : i32, i32
  }
  func.func @transform_5(%arg0: i32) -> (i32, i32) {
    %c0_i32 = arith.constant 0 : i32
    %c0_i32_0 = arith.constant 0 : i32
    %c0_i32_1 = arith.constant 0 : i32
    return %c0_i32, %c0_i32_0 : i32, i32
  }
  func.func @transform_6(%arg0: i32) -> (i32, i32) {
    %c0_i32 = arith.constant 0 : i32
    %c0_i32_0 = arith.constant 0 : i32
    return %arg0, %c0_i32 : i32, i32
  }
}

module attributes {stable_mosaic.version = 14 : i64} {
  func.func @_tc_layer2_body(%arg0: i32, %arg1: memref<2x1000x128xf32, #tpu.memory_space<vmem>>, %arg2: memref<2x1000x128xf32, #tpu.memory_space<vmem>>, %arg3: memref<1000x128xf32, #tpu.memory_space<vmem>>, %arg4: memref<128x128xf32, #tpu.memory_space<vmem>>, %arg5: memref<1x128xf32, #tpu.memory_space<vmem>>, %arg6: memref<128x128xf32, #tpu.memory_space<vmem>>, %arg7: memref<128x64xf32, #tpu.memory_space<vmem>>, %arg8: memref<1x64xf32, #tpu.memory_space<vmem>>, %arg9: memref<1000x64xf32, #tpu.memory_space<vmem>>) attributes {dimension_semantics = [#tpu.dimension_semantics<arbitrary>], iteration_bounds = array<i64: 10>, scalar_prefetch = 0 : i64, scratch_operands = 0 : i64, tpu.core_type = #tpu.core_type<tc>, window_params = [{transform_indices = @transform_0, window_bounds = array<i64: 2, 1000, 128>}, {transform_indices = @transform_1, window_bounds = array<i64: 2, 1000, 128>}, {transform_indices = @transform_2, window_bounds = array<i64: 1000, 128>}, {pipeline_mode = #tpu.pipeline_mode<synchronous>, transform_indices = @transform_3, window_bounds = array<i64: 128, 128>}, {pipeline_mode = #tpu.pipeline_mode<synchronous>, transform_indices = @transform_4, window_bounds = array<i64: 1, 128>}, {pipeline_mode = #tpu.pipeline_mode<synchronous>, transform_indices = @transform_5, window_bounds = array<i64: 128, 128>}, {pipeline_mode = #tpu.pipeline_mode<synchronous>, transform_indices = @transform_6, window_bounds = array<i64: 128, 64>}, {pipeline_mode = #tpu.pipeline_mode<synchronous>, transform_indices = @transform_7, window_bounds = array<i64: 1, 64>}, {transform_indices = @transform_8, window_bounds = array<i64: 1000, 64>}]} {
    %get3A = arith.constant 0 : index
    %get3A_0 = arith.constant 0 : index
    %get3A_1 = arith.constant 0 : index
    %get3A_2 = vector.load %arg1[%get3A, %get3A_0, %get3A_1] : memref<2x1000x128xf32, #tpu.memory_space<vmem>>, vector<1x1000x128xf32>
    %get3A_3 = vector.shape_cast %get3A_2 : vector<1x1000x128xf32> to vector<1000x128xf32>
    %get3A_4 = arith.constant 1 : index
    %get3A_5 = arith.constant 0 : index
    %get3A_6 = arith.constant 0 : index
    %get3A_7 = vector.load %arg1[%get3A_4, %get3A_5, %get3A_6] : memref<2x1000x128xf32, #tpu.memory_space<vmem>>, vector<1x1000x128xf32>
    %get3A_8 = vector.shape_cast %get3A_7 : vector<1x1000x128xf32> to vector<1000x128xf32>
    %add3A = arith.addf %get3A_3, %get3A_8 : vector<1000x128xf32>
    %get3A_9 = arith.constant 0 : index
    %get3A_10 = arith.constant 0 : index
    %get3A_11 = arith.constant 0 : index
    %get3A_12 = vector.load %arg2[%get3A_9, %get3A_10, %get3A_11] : memref<2x1000x128xf32, #tpu.memory_space<vmem>>, vector<1x1000x128xf32>
    %get3A_13 = vector.shape_cast %get3A_12 : vector<1x1000x128xf32> to vector<1000x128xf32>
    %get3A_14 = arith.constant 1 : index
    %get3A_15 = arith.constant 0 : index
    %get3A_16 = arith.constant 0 : index
    %get3A_17 = vector.load %arg2[%get3A_14, %get3A_15, %get3A_16] : memref<2x1000x128xf32, #tpu.memory_space<vmem>>, vector<1x1000x128xf32>
    %get3A_18 = vector.shape_cast %get3A_17 : vector<1x1000x128xf32> to vector<1000x128xf32>
    %add3A_19 = arith.addf %get3A_13, %get3A_18 : vector<1000x128xf32>
    %max3A = arith.constant 1.000000e+00 : f32
    %max3A_20 = vector.broadcast %max3A : f32 to vector<1000x128xf32>
    %max3A_21 = arith.maximumf %add3A_19, %max3A_20 : vector<1000x128xf32>
    %div3A = arith.divf %add3A, %max3A_21 : vector<1000x128xf32>
    %get3A_22 = arith.constant 0 : index
    %get3A_23 = arith.constant 0 : index
    %get3A_24 = vector.load %arg4[%get3A_22, %get3A_23] : memref<128x128xf32, #tpu.memory_space<vmem>>, vector<128x128xf32>
    %dot_general3A = arith.constant dense<0.000000e+00> : vector<1000x128xf32>
    %dot_general3A_25 = tpu.matmul %div3A, %get3A_24, %dot_general3A {dimension_numbers = #tpu.dot_dimension_numbers<[1], [0], [0], [1], [0, 0, 1, 1], [], []>, precision = #tpu.contract_precision<fp32>, transpose_lhs_hint = false} : vector<1000x128xf32>, vector<128x128xf32>, vector<1000x128xf32> -> vector<1000x128xf32>
    %get3A_26 = arith.constant 0 : index
    %get3A_27 = arith.constant 0 : index
    %get3A_28 = vector.load %arg3[%get3A_26, %get3A_27] : memref<1000x128xf32, #tpu.memory_space<vmem>>, vector<1000x128xf32>
    %get3A_29 = arith.constant 0 : index
    %get3A_30 = arith.constant 0 : index
    %get3A_31 = vector.load %arg6[%get3A_29, %get3A_30] : memref<128x128xf32, #tpu.memory_space<vmem>>, vector<128x128xf32>
    %dot_general3A_32 = arith.constant dense<0.000000e+00> : vector<1000x128xf32>
    %dot_general3A_33 = tpu.matmul %get3A_28, %get3A_31, %dot_general3A_32 {dimension_numbers = #tpu.dot_dimension_numbers<[1], [0], [0], [1], [0, 0, 1, 1], [], []>, precision = #tpu.contract_precision<fp32>, transpose_lhs_hint = false} : vector<1000x128xf32>, vector<128x128xf32>, vector<1000x128xf32> -> vector<1000x128xf32>
    %add3A_34 = arith.addf %dot_general3A_25, %dot_general3A_33 : vector<1000x128xf32>
    %get3A_35 = arith.constant 0 : index
    %get3A_36 = arith.constant 0 : index
    %get3A_37 = vector.load %arg5[%get3A_35, %get3A_36] : memref<1x128xf32, #tpu.memory_space<vmem>>, vector<1x128xf32>
    %add3A_38 = vector.broadcast %get3A_37 : vector<1x128xf32> to vector<1000x128xf32>
    %add3A_39 = arith.addf %add3A_34, %add3A_38 : vector<1000x128xf32>
    %max3A_40 = arith.constant 0.000000e+00 : f32
    %max3A_41 = vector.broadcast %max3A_40 : f32 to vector<1000x128xf32>
    %max3A_42 = arith.maximumf %add3A_39, %max3A_41 : vector<1000x128xf32>
    %get3A_43 = arith.constant 0 : index
    %get3A_44 = arith.constant 0 : index
    %get3A_45 = vector.load %arg7[%get3A_43, %get3A_44] : memref<128x64xf32, #tpu.memory_space<vmem>>, vector<128x64xf32>
    %dot_general3A_46 = arith.constant dense<0.000000e+00> : vector<1000x64xf32>
    %dot_general3A_47 = tpu.matmul %max3A_42, %get3A_45, %dot_general3A_46 {dimension_numbers = #tpu.dot_dimension_numbers<[1], [0], [0], [1], [0, 0, 1, 1], [], []>, precision = #tpu.contract_precision<fp32>, transpose_lhs_hint = false} : vector<1000x128xf32>, vector<128x64xf32>, vector<1000x64xf32> -> vector<1000x64xf32>
    %get3A_48 = arith.constant 0 : index
    %get3A_49 = arith.constant 0 : index
    %get3A_50 = vector.load %arg8[%get3A_48, %get3A_49] : memref<1x64xf32, #tpu.memory_space<vmem>>, vector<1x64xf32>
    %add3A_51 = vector.broadcast %get3A_50 : vector<1x64xf32> to vector<1000x64xf32>
    %add3A_52 = arith.addf %dot_general3A_47, %add3A_51 : vector<1000x64xf32>
    %swap3A = arith.constant 0 : index
    %swap3A_53 = arith.constant 0 : index
    %swap3A_54 = vector.load %arg9[%swap3A, %swap3A_53] : memref<1000x64xf32, #tpu.memory_space<vmem>>, vector<1000x64xf32>
    tpu.vector_store %arg9[%swap3A, %swap3A_53], %add3A_52 {strides = array<i32>} : memref<1000x64xf32, #tpu.memory_space<vmem>>, vector<1000x64xf32>,
    return
  }
  func.func @transform_0(%arg0: i32) -> (i32, i32, i32) {
    %c0_i32 = arith.constant 0 : i32
    %c0_i32_0 = arith.constant 0 : i32
    %c0_i32_1 = arith.constant 0 : i32
    return %c0_i32, %arg0, %c0_i32_0 : i32, i32, i32
  }
  func.func @transform_1(%arg0: i32) -> (i32, i32, i32) {
    %c0_i32 = arith.constant 0 : i32
    %c0_i32_0 = arith.constant 0 : i32
    %c0_i32_1 = arith.constant 0 : i32
    return %c0_i32, %arg0, %c0_i32_0 : i32, i32, i32
  }
  func.func @transform_2(%arg0: i32) -> (i32, i32) {
    %c0_i32 = arith.constant 0 : i32
    %c0_i32_0 = arith.constant 0 : i32
    return %arg0, %c0_i32 : i32, i32
  }
  func.func @transform_3(%arg0: i32) -> (i32, i32) {
    %c0_i32 = arith.constant 0 : i32
    %c0_i32_0 = arith.constant 0 : i32
    %c0_i32_1 = arith.constant 0 : i32
    return %c0_i32, %c0_i32_0 : i32, i32
  }
  func.func @transform_4(%arg0: i32) -> (i32, i32) {
    %c0_i32 = arith.constant 0 : i32
    %c0_i32_0 = arith.constant 0 : i32
    %c0_i32_1 = arith.constant 0 : i32
    return %c0_i32, %c0_i32_0 : i32, i32
  }
  func.func @transform_5(%arg0: i32) -> (i32, i32) {
    %c0_i32 = arith.constant 0 : i32
    %c0_i32_0 = arith.constant 0 : i32
    %c0_i32_1 = arith.constant 0 : i32
    return %c0_i32, %c0_i32_0 : i32, i32
  }
  func.func @transform_6(%arg0: i32) -> (i32, i32) {
    %c0_i32 = arith.constant 0 : i32
    %c0_i32_0 = arith.constant 0 : i32
    %c0_i32_1 = arith.constant 0 : i32
    return %c0_i32, %c0_i32_0 : i32, i32
  }
  func.func @transform_7(%arg0: i32) -> (i32, i32) {
    %c0_i32 = arith.constant 0 : i32
    %c0_i32_0 = arith.constant 0 : i32
    %c0_i32_1 = arith.constant 0 : i32
    return %c0_i32, %c0_i32_0 : i32, i32
  }
  func.func @transform_8(%arg0: i32) -> (i32, i32) {
    %c0_i32 = arith.constant 0 : i32
    %c0_i32_0 = arith.constant 0 : i32
    return %arg0, %c0_i32 : i32, i32
  }
}

</mosaic_0001>

<sc_bundles>
// kernel: kernel.10.cloned.1.call-start
scs
__scs_entry_jumppad:
0x0: {  	(pc) =	sbr.rel $0x88, $3  }
0x1: {  	(tag) =	ssettag $0x0;
	lr =	simm.s32 $0x1  }
0x2: {  	[smem:$0x3F97] =	sst lr;
	_ =	strace $0xD0000000  }
0x3: {  	_ = 	snop  }
0x4: {  	_ = 	snop  }
0x5: {  	_ = 	snop  }
0x6: {  	_ = 	snop  }
0x7: {  	_ = 	snop  }
__scs_overlays_trampoline_lowered:
0x8: {  	[smem:$0x3FA6] =	sst s0  }
0x9: {  	[smem:$0x3FA7] =	sst s1  }
0xa: {  	[smem:$0x3FA8] =	sst s2  }
0xb: {  	[smem:$0x3FA9] =	sst s3  }
0xc: {  	[smem:$0x3FAA] =	sst s4  }
0xd: {  	[smem:$0x3FAB] =	sst s5  }
0xe: {  	[smem:$0x3FAC] =	sst s6  }
0xf: {  	[smem:$0x3FAD] =	sst s7  }
0x10: {  	[smem:$0x3FAE] =	sst s8  }
0x11: {  	[smem:$0x3FAF] =	sst s9;
	s0 =	simm.s32 @!p0 $0x0  }
0x12: {  	s1 =	sld [smem:$0x3F95];
	s0 =	simm.s32 @p0 $0x1  }
0x13: {  	[smem:$0x3FB0] =	sst s0;
	s0 =	simm.s32 @!p1 $0x0  }
0x14: {  	s2 =	sld [smem:$0x3F94];
	s0 =	simm.s32 @p1 $0x1  }
0x15: {  	[smem:$0x3FB1] =	sst s0;
	s0 =	simm.s32 @!p2 $0x0  }
0x16: {  	s3 =	sld [smem:$0x3FDB];
	s0 =	simm.s32 @p2 $0x1  }
0x17: {  	s4 =	simm.s32 $0x1BF5;
	[smem:$0x3FB3] =	sst s0  }
0x18: {  	s0 =	sld [smem:$0x3F96];
	_ =	swait.ge [sflag:s4], $0x0  }
0x19: {  	s7 =	sld [smem:$0x3F97]  }
0x1a: {  	s8 =	sadd.s32 $0xFFFFE003, lr  }
0x1b: {  	s9 =	sadd.s32 $0xFFFFFEF7, lr;
	s5 =	simm.s32 $0xFFFFFFFF;
	p2 =	slt.u32 s8, $0xFFFFF086  }
0x1c: {  	p1 =	slt.u32 s9, $0xF7A;
	s5 =	simm.s32 @!p2 $0x0  }
0x1d: {  	s5 =	simm.s32 @p1 $0x1;
	p0 =	seq.s32 s7, s2  }
0x1e: {  	s7 =	smul.u32 @!p0 $0xF7A, s2;
	p2 =	seq.s32 @!p0 s5, $0x0  }
0x1f: {  	s9 =	smul.u32 $0xF7A, s1;
	s8 =	simm.s32 @!p0 $0x1BF5;
	p2 =	por !p2, p0  }
0x20: {  	[sflag:s8] =	ssyncset.s32 @!p0 $0xFFFFF086;
	s6 =	sadd.s32 @!p0 s3, s7;
	s7 =	simm.s32 @!p0 $0x108  }
0x21: {  	s3 =	sadd.s32 s3, s9;
	s6 =	sadd.s32 @!p0 $0x88, s6;
	s7 =	simm.s32 @p2 $0x1082  }
0x22: {  	[simem:s7], [sflag:s8] =	dma.local @!p0 [hbm:s6], $0xF7A  }
0x23: {  	s9 =	sor.u32 $0xD0000000, s2;
	s6 =	simm.s32 $0x108;
	_ =	swait.ge @!p0 [sflag:s8], $0x0  }
0x24: {  	s3 =	sadd.s32 $0x88, s3;
	s6 =	simm.s32 @!p1 $0x1082;
	[sflag:s4] =	ssyncset.s32 $0xFFFFF086  }
0x25: {  	[simem:s6], [sflag:s4] =	dma.local [hbm:s3], $0xF7A  }
0x26: {  	[smem:$0x3F97] =	sst s1;
	(tag) =	ssettag s2;
	_ =	strace s9  }
0x27: {  	s1 =	sld [smem:$0x3FA7]  }
0x28: {  	s2 =	sld [smem:$0x3FA8]  }
0x29: {  	s4 =	sld [smem:$0x3FAA]  }
0x2a: {  	p0 =	seq.s32 s5, $0x0;
	s5 =	sld [smem:$0x3FAB]  }
0x2b: {  	s6 =	sld [smem:$0x3FAC]  }
0x2c: {  	s7 =	sld [smem:$0x3FAD]  }
0x2d: {  	s3 =	simm.s32 $0x108;
	s8 =	sld [smem:$0x3FAE]  }
0x2e: {  	s3 =	simm.s32 @!p0 $0x1082;
	s9 =	sld [smem:$0x3FAF]  }
0x2f: {  	lr =	sadd.s32 s0, s3;
	s0 =	sld [smem:$0x3FA6]  }
0x30: {  	s3 =	sld [smem:$0x3FA9]  }
0x31: {  	[smem:$0x3FB2] =	sst s10  }
0x32: {  	s10 =	sld [smem:$0x3FB0];
	_ =	sdelay $0x3  }
0x33: {  	p0 =	seq.s32 s10, $0x1;
	s10 =	sld [smem:$0x3FB2];
	_ =	sdelay $0x3  }
0x34: {  	[smem:$0x3FB2] =	sst s10  }
0x35: {  	s10 =	sld [smem:$0x3FB1];
	_ =	sdelay $0x3  }
0x36: {  	p1 =	seq.s32 s10, $0x1;
	s10 =	sld [smem:$0x3FB2];
	_ =	sdelay $0x3  }
0x37: {  	[smem:$0x3FB2] =	sst s10  }
0x38: {  	s10 =	sld [smem:$0x3FB3]  }
0x39: {  	_ = 	snop;
	(pc) =	sbr.ind lr, $3  }
0x3a: {  	_ = 	snop  }
0x3b: {  	_ = 	snop  }
0x3c: {  	p2 =	seq.s32 s10, $0x1;
	s10 =	sld [smem:$0x3FB2]  }
0x3d: {  	_ =	shalt  }
0x3e: {  	_ =	shalt  }
0x3f: {  	_ =	shalt  }
0x40: {  	_ =	shalt  }
0x41: {  	_ =	shalt  }
0x42: {  	_ =	shalt  }
0x43: {  	_ =	shalt  }
0x44: {  	_ =	shalt  }
0x45: {  	_ =	shalt  }
0x46: {  	_ =	shalt  }
0x47: {  	_ =	shalt  }
0x48: {  	_ =	shalt  }
0x49: {  	_ =	shalt  }
0x4a: {  	_ =	shalt  }
0x4b: {  	_ =	shalt  }
0x4c: {  	_ =	shalt  }
0x4d: {  	_ =	shalt  }
0x4e: {  	_ =	shalt  }
0x4f: {  	_ =	shalt  }
0x50: {  	_ =	shalt  }
0x51: {  	_ =	shalt  }
0x52: {  	_ =	shalt  }
0x53: {  	_ =	shalt  }
0x54: {  	_ =	shalt  }
0x55: {  	_ =	shalt  }
0x56: {  	_ =	shalt  }
0x57: {  	_ =	shalt  }
0x58: {  	_ =	shalt  }
0x59: {  	_ =	shalt  }
0x5a: {  	_ =	shalt  }
0x5b: {  	_ =	shalt  }
0x5c: {  	_ =	shalt  }
0x5d: {  	_ =	shalt  }
0x5e: {  	_ =	shalt  }
0x5f: {  	_ =	shalt  }
0x60: {  	_ =	shalt  }
0x61: {  	_ =	shalt  }
0x62: {  	_ =	shalt  }
0x63: {  	_ =	shalt  }
0x64: {  	_ =	shalt  }
0x65: {  	_ =	shalt  }
0x66: {  	_ =	shalt  }
0x67: {  	_ =	shalt  }
0x68: {  	_ =	shalt  }
0x69: {  	_ =	shalt  }
0x6a: {  	_ =	shalt  }
0x6b: {  	_ =	shalt  }
0x6c: {  	_ =	shalt  }
0x6d: {  	_ =	shalt  }
0x6e: {  	_ =	shalt  }
0x6f: {  	_ =	shalt  }
0x70: {  	_ =	shalt  }
0x71: {  	_ =	shalt  }
0x72: {  	_ =	shalt  }
0x73: {  	_ =	shalt  }
0x74: {  	_ =	shalt  }
0x75: {  	_ =	shalt  }
0x76: {  	_ =	shalt  }
0x77: {  	_ =	shalt  }
0x78: {  	_ =	shalt  }
0x79: {  	_ =	shalt  }
0x7a: {  	_ =	shalt  }
0x7b: {  	_ =	shalt  }
0x7c: {  	_ =	shalt  }
0x7d: {  	_ =	shalt  }
0x7e: {  	_ =	shalt  }
0x7f: {  	_ =	shalt  }
0x80: {  	_ =	shalt  }
0x81: {  	_ =	shalt  }
0x82: {  	_ =	shalt  }
0x83: {  	_ =	shalt  }
0x84: {  	_ =	shalt  }
0x85: {  	_ =	shalt  }
0x86: {  	_ =	shalt  }
0x87: {  	_ =	shalt  }
.Lfunc_end0:
.L_simem_size_0:
called_computation.1_lowered:
.L_overlay_start_0:
0x88: {  	s2 =	sld [smem:$0x3FD9]  }
0x89: {  	s3 =	sld [smem:$0x3FFE];
	_ =	sdelay $0x1  }
0x8a: {  	s1 =	srdreg.scid  }
0x8b: {  	s0 =	sand.u32 $0x1, s1  }
0x8c: {  	s17 =	sshll.u32 s0, $0xA;
	s2 =	sadd.s32 s3, s2  }
0x8d: {  	s2 =	sadd.s32 s2, s17  }
0x8e: {  	[smem:$0x3FBE] =	sst s2  }
0x8f: {  	_ = 	snop  }
0x90: {  	s2 =	sld [smem:$0x3FC9]  }
0x91: {  	s18 =	sld [smem:$0x3FD0];
	(tm) =	ssettm $0x1  }
0x92: {  	s4 =	sld [smem:$0x3FFB];
	_ =	sdelay $0x3  }
0x93: {  	_ =	strace s4  }
0x94: {  	s4 =	sld [smem:$0x3FFC];
	_ =	sdelay $0x3  }
0x95: {  	_ =	strace s4  }
0x96: {  	s4 =	sld [smem:$0x3FFD];
	_ =	sdelay $0x3  }
0x97: {  	_ =	strace s4  }
0x98: {  	_ =	strace $0x8FFFFFFF  }
0x99: {  	s19 =	sld [smem:$0x3FDB];
	_ =	sdelay $0x1  }
0x9a: {  	s5 =	simm.s32 $_scs_section_size  }
0x9b: {  	s6 =	simm.s32 $_size__tile_overlayer_lowered;
	s7 =	simm.s32 $_tile_overlayer_lowered  }
0x9c: {  	s22 =	simm.s32 $0x1BFF;
	s21 =	sshll.u32 s7, $0x1;
	s4 =	sadd.s32 s5, s19  }
0x9d: {  	s8 =	simm.s32 $0x0;
	s20 =	sshll.u32 s6, $0x1;
	s6 =	sadd.s32 s21, s4  }
0x9e: {  	[timem:s8], [sflag:s22] =	dma.local [hbm:s6], s20  }
0x9f: {  	_ =	swait.ge [sflag:s22], s20  }
0xa0: {  	s5 =	ssub.s32 $0x0, s20;
	[sflag:s22] =	ssyncset.done $0x0  }
0xa1: {  	[sflag:s22] =	ssyncadd.s32 s5;
	_ =	sdelay $0x1  }
0xa2: {  	s23 =	simm.s32 $0x1B8B  }
0xa3: {  	_ =	swait.ge [sflag:s23], $0x1  }
0xa4: {  	[sflag:s23] =	ssyncset.done $0x0  }
0xa5: {  	s25 =	simm.s32 $0x1B8E;
	s24 =	sld [smem:$0x3FFE];
	[sflag:s23] =	ssyncadd.s32 $0xFFFFFFFF  }
0xa6: {  	s26 =	simm.s32 $execute0_lowered;
	[smem:$0x3FD2] =	sst s25  }
0xa7: {  	s6 =	sshll.u32 s26, $0x1;
	_ =	strace $0x80000046;
	[dreg:$0x1] =	wrdreg $0xFFFFFFFF  }
0xa8: {  	s28 =	simm.s32 $_size_execute0_lowered;
	s4 =	sadd.s32 s4, s6;
	[dreg:$0x0] =	wrdreg $0x0  }
0xa9: {  	s6 =	sshll.u32 s28, $0x1;
	[dreg:$0x2] =	wrdreg s4  }
0xaa: {  	[dreg:$0x3] =	wrdreg s6  }
0xab: {  	[dreg:$0x4] =	wrdreg $0xC0  }
0xac: {  	_ =	task [dreg:s8], $0x5FFFF  }
0xad: {  	[dreg:$0x1] =	wrdreg $0xFFFFFFFF  }
0xae: {  	[dreg:$0x0] =	wrdreg $0x60  }
0xaf: {  	[dreg:$0x2] =	wrdreg s2  }
0xb0: {  	[dreg:$0x3] =	wrdreg s18  }
0xb1: {  	[dreg:$0x4] =	wrdreg s24  }
0xb2: {  	[dreg:$0x5] =	wrdreg $0x82000  }
0xb3: {  	[dreg:$0x6] =	wrdreg $0xA  }
0xb4: {  	_ =	task.clear_ibuf [dreg:s8], $0x7FFFF;
	_ =	strace $0x90000046  }
0xb5: {  	s29 =	simm.s32 $0xA;
	_ =	strace $0x80000048  }
0xb6: {  	_ =	swait.ge [sflag:s29], $0x1  }
0xb7: {  	[sflag:s29] =	ssyncadd.s32 $0xFFFFFFFF  }
0xb8: {  	_ =	strace $0x90000048  }
0xb9: {  	_ =	sfence  }
0xba: {  	s30 =	sld [smem:$0x0];
	_ =	sdelay $0x2  }
0xbb: {  	s31 =	sshll.u32 s1, $0xD;
	s1 =	sshrl.u32 s1, $0x2  }
0xbc: {  	s3 =	sand.u32 $0x4000, s31;
	s1 =	sadd.s32 s1, s30  }
0xbd: {  	s0 =	sor.u32 s3, s0;
	s1 =	sshll.u32 s1, $0x11  }
0xbe: {  	s0 =	sor.u32 s1, s0  }
0xbf: {  	s0 =	sadd.s32 $0x8F2B, s0  }
0xc0: {  	[sflag:s0] =	ssyncadd.remote.s32 $0x1  }
0xc1: {  	_ =	sfence.sel $0xFFFF  }
0xc2: {  	[dreg:$0x0] =	wrdreg $0xFFFFFFFF;
	(pc) =	sbr.abs _section_cstart, $3  }
0xc3: {  	[dreg:$0x1] =	wrdreg $0xFFFFFFFF  }
0xc4: {  	_ =	task.clear_ibuf [dreg:s8], $0x2FFFF;
	_ =	strace $0x9FFFFFFF  }
0xc5: {  	(tm) =	ssettm $0x7FFFFFFF  }
tec
execute0_lowered:
.L_overlay_start_1:
0x0: {  	(tag) =	ssettag $0x1  }
0x1: {  	s0 =	rddreg [dreg:$0x0]  }
0x2: {  	s1 =	rddreg [dreg:$0x1]  }
0x3: {  	s2 =	rddreg [dreg:$0x2]  }
0x4: {  	s3 =	srdreg.scid;
	s4 =	rddreg [dreg:$0x3]  }
0x5: {  	s10 =	stileid.u32;
	s5 =	simm.s32 $0x0;
	s19 =	simm.s32 $0x200  }
0x6: {  	s28 =	simm.s32 $0x6;
	s29 =	simm.s32 $0x4200;
	s7 =	smul.u32 $0x14000, s10  }
0x7: {  	s30 =	simm.s32 $0x2;
	s3 =	sand.u32 $0x1, s3;
	s8 =	smul.u32 $0x50000, s10  }
0x8: {  	s31 =	simm.s32 $0x180;
	[smem:$0x7FF] =	sst s5;
	s6 =	smul.u32 $0x140000, s3  }
0x9: {  	_ =	strace $0x80000047;
	s20 =	sshll.u32 s3, $0x4;
	s3 =	ssub.s32 $0x2, s3  }
0xa: {  	s10 =	sor.u32 s10, s20;
	s21 =	sshrl.u32 s8, $0x2;
	s11 =	sshrl.u32 s3, $0x1  }
0xb: {  	s20 =	simm.s32 $0x7;
	s7 =	sadd.s32 s7, s6;
	s6 =	sadd.s32 $0x2400, s2  }
0xc: {  	s3 =	ssub.s32 s3, s11;
	s9 =	sshrl.u32 s7, $0x3;
	s7 =	sadd.s32 s21, s4  }
0xd: {  	s8 =	smul.u32 $0x2800, s10;
	s18 =	smax.u32 s3, $0x1;
	s22 =	sadd.s32 $0x4000, s7  }
0xe: {  	s21 =	simm.s32 $0x100;
	s23 =	sadd.s32 $0x8000, s7;
	[dreg:$0x5] =	wrdreg s22  }
0xf: {  	s2 =	sadd.s32 s9, s2;
	s24 =	sadd.s32 $0xC000, s7;
	[dreg:$0x6] =	wrdreg s23  }
0x10: {  	s25 =	sshrl.u32 s8, $0x3;
	s12 =	sadd.s32 $0x10000, s7;
	[dreg:$0x7] =	wrdreg s24  }
0x11: {  	s13 =	sadd.s32 s1, s25;
	s26 =	sor.u32 $0x10, s25;
	s14 =	sadd.s32 s6, s25  }
0x12: {  	s17 =	sadd.s32 $0xC400, s2;
	s22 =	simm.s32 $0x80;
	s23 =	simm.s32 $0x3  }
0x13: {  	s24 =	simm.s32 $0x5;
	s25 =	simm.s32 $0x1;
	s2 =	simm.s32 $0x0  }
0x14: {  	v0 =	vimm.f32 $0.0e+00;
	s15 =	sadd.s32 s1, s26;
	s16 =	sadd.s32 s6, s26;
	s26 =	simm.s32 $0x4  }
.LBB2_1:
0x15: {  	s3 =	sand.u32 $0xFE00, s5  }
0x16: {  	s9 =	sand.u32 $0x70, s5;
	s10 =	sshrl.u32 s3, $0x2  }
0x17: {  	s3 =	simm.s32 $0x40;
	s10 =	sor.u32 s9, s10;
	s9 =	simm.s32 $0x0  }
.LBB2_2:
0x18: {  	p0 =	sne.s32 s3, $0xFFC0  }
0x19: {  	[tilespmem:s10+$0x200] =	vst v0;
	s9 =	sadd.s32 $0x10, s9;
	s10 =	smov.u32 s3;
	s3 =	sadd.s32 $0x40, s3  }
.Ltmp0:
0x1a: {  	(pc) =	sbr.rel @p0 .LBB2_2-.Ltmp0, $4  }
0x1b: {  	_ = 	snop  }
0x1c: {  	s10 =	sand.u32 $0xFE00, s10  }
0x1d: {  	s11 =	sand.u32 $0x70, s9;
	s10 =	sshrl.u32 s10, $0x2  }
0x1e: {  	s10 =	sor.u32 s11, s10  }
0x1f: {  	[tilespmem:s10+$0x200] =	vst v0  }
0x20: {  	[spmem:s7] =	stream.linear.scatter [tilespmem:s19], [sflag:$0x7], $0x4000, $0x38;
	[tilespmem:$0x1C200] =	vst v63  }
0x21: {  	_ =	swait.ge [sflag:s20], $0x4000  }
0x22: {  	[sflag:s20] =	ssyncset.done $0x0  }
0x23: {  	s3 =	rddreg [dreg:$0x5];
	[sflag:s20] =	ssyncadd.s32 $0xFFFFC000  }
0x24: {  	[spmem:s3] =	stream.linear.scatter [tilespmem:s19], [sflag:$0x7], $0x4000, $0x38;
	[tilespmem:$0x1C200] =	vst v63  }
0x25: {  	_ =	swait.ge [sflag:s20], $0x4000  }
0x26: {  	[sflag:s20] =	ssyncset.done $0x0  }
0x27: {  	s9 =	rddreg [dreg:$0x6];
	[sflag:s20] =	ssyncadd.s32 $0xFFFFC000  }
0x28: {  	[spmem:s9] =	stream.linear.scatter [tilespmem:s19], [sflag:$0x7], $0x4000, $0x38;
	[tilespmem:$0x1C200] =	vst v63  }
0x29: {  	_ =	swait.ge [sflag:s20], $0x4000  }
0x2a: {  	[sflag:s20] =	ssyncset.done $0x0  }
0x2b: {  	s10 =	rddreg [dreg:$0x7];
	[sflag:s20] =	ssyncadd.s32 $0xFFFFC000  }
0x2c: {  	[spmem:s10] =	stream.linear.scatter [tilespmem:s19], [sflag:$0x7], $0x4000, $0x38;
	[tilespmem:$0x1C200] =	vst v63  }
0x2d: {  	_ =	swait.ge [sflag:s20], $0x4000  }
0x2e: {  	[sflag:s20] =	ssyncset.done $0x0  }
0x2f: {  	[sflag:s20] =	ssyncadd.s32 $0xFFFFC000  }
0x30: {  	[spmem:s12] =	stream.linear.scatter [tilespmem:s19], [sflag:$0x7], $0x4000, $0x38;
	[tilespmem:$0x1C200] =	vst v63  }
0x31: {  	_ =	swait.ge [sflag:s20], $0x4000  }
0x32: {  	[sflag:s20] =	ssyncset.done $0x0  }
0x33: {  	[sflag:s20] =	ssyncadd.s32 $0xFFFFC000  }
0x34: {  	[bflag:$0x0] =	sbarrier.arrive $0xFFFF  }
0x35: {  	[tilespmem:s5], [sflag:$0x3] =	stream.linear.gather [hbm4b:s13+s5], $0x80, $0x38;
	[tilespmem:$0x1C200] =	vst v63  }
0x36: {  	_ = 	snop  }
0x37: {  	[tilespmem:s21], [sflag:$0x5] =	stream.linear.gather [hbm4b:s14+s5], $0x80, $0x38;
	[tilespmem:$0x1C200] =	vst v63  }
0x38: {  	_ = 	snop  }
0x39: {  	[tilespmem:s22], [sflag:$0x4] =	stream.linear.gather [hbm4b:s15+s5], $0x80, $0x38;
	[tilespmem:$0x1C200] =	vst v63  }
0x3a: {  	s3 =	simm.s32 $0x180  }
0x3b: {  	[tilespmem:s3], [sflag:$0x6] =	stream.linear.gather [hbm4b:s16+s5], $0x80, $0x38;
	[tilespmem:$0x1C200] =	vst v63  }
0x3c: {  	_ =	swait.ge [sflag:s23], $0x80  }
0x3d: {  	[sflag:s23] =	ssyncset.done $0x0  }
0x3e: {  	[sflag:s23] =	ssyncadd.s32 $0xFFFFFF80  }
0x3f: {  	_ =	swait.ge [sflag:s24], $0x80  }
0x40: {  	[sflag:s24] =	ssyncset.done $0x0  }
0x41: {  	[sflag:s24] =	ssyncadd.s32 $0xFFFFFF80  }
0x42: {  	[tilespmem:s19], [sflag:$0x1] =	stream.indirect.gather [hbm4b:s0+s22], $0x80, s5, s22, $0xb8;
	[tilespmem:$0x1C200] =	vst v63  }
0x43: {  	s9 =	simm.s32 $0x100;
	_ =	swait.ge [sflag:s25], $0x4000  }
0x44: {  	s11 =	sand.u32 $0x7C00, s9;
	[sflag:s25] =	ssyncset.done $0x0  }
0x45: {  	s9 =	sand.u32 $0x300, s9;
	s10 =	sadd.s32 s8, s11;
	[sflag:s25] =	ssyncadd.s32 $0xFFFFC000  }
0x46: {  	[spmem:s4] =	stream.indirect.scatter.add.f32 [tilespmem:s19], [sflag:$0x7], $0x80, s21, s22, $0xb8;
	[tilespmem:$0x1C200] =	vst v63  }
0x47: {  	s9 =	sor.u32 s9, s10;
	_ =	swait.ge [sflag:s20], $0x4000  }
0x48: {  	s9 =	sshrl.u32 s9, $0x3;
	[sflag:s20] =	ssyncset.done $0x0  }
0x49: {  	s11 =	sadd.s32 s1, s9;
	[sflag:s20] =	ssyncadd.s32 $0xFFFFC000  }
0x4a: {  	[tilespmem:s5], [sflag:$0x3] =	stream.linear.gather [hbm4b:s11+s5], $0x80, $0x38;
	[tilespmem:$0x1C200] =	vst v63  }
0x4b: {  	s9 =	sadd.s32 s6, s9  }
0x4c: {  	[tilespmem:s21], [sflag:$0x5] =	stream.linear.gather [hbm4b:s9+s5], $0x80, $0x38;
	[tilespmem:$0x1C200] =	vst v63  }
0x4d: {  	_ =	swait.ge [sflag:s26], $0x80  }
0x4e: {  	[sflag:s26] =	ssyncset.done $0x0  }
0x4f: {  	[sflag:s26] =	ssyncadd.s32 $0xFFFFFF80  }
0x50: {  	_ =	swait.ge [sflag:s28], $0x80  }
0x51: {  	[sflag:s28] =	ssyncset.done $0x0  }
0x52: {  	[sflag:s28] =	ssyncadd.s32 $0xFFFFFF80  }
0x53: {  	[tilespmem:s29], [sflag:$0x2] =	stream.indirect.gather [hbm4b:s0+s22], $0x80, s22, s22, $0xb8;
	[tilespmem:$0x1C200] =	vst v63  }
0x54: {  	_ =	swait.ge [sflag:s30], $0x4000  }
0x55: {  	s10 =	sand.u32 $0x7C00, s3;
	[sflag:s30] =	ssyncset.done $0x0  }
0x56: {  	s3 =	sand.u32 $0x380, s3;
	s9 =	sadd.s32 s8, s10;
	[sflag:s30] =	ssyncadd.s32 $0xFFFFC000  }
0x57: {  	[spmem:s4] =	stream.indirect.scatter.add.f32 [tilespmem:s29], [sflag:$0x7], $0x80, s31, s22, $0xb8;
	[tilespmem:$0x1C200] =	vst v63  }
0x58: {  	s3 =	sor.u32 s3, s9;
	_ =	swait.ge [sflag:s20], $0x4000  }
0x59: {  	s3 =	sshrl.u32 s3, $0x3;
	[sflag:s20] =	ssyncset.done $0x0  }
0x5a: {  	s11 =	sadd.s32 s1, s3;
	[sflag:s20] =	ssyncadd.s32 $0xFFFFC000  }
0x5b: {  	[tilespmem:s22], [sflag:$0x4] =	stream.linear.gather [hbm4b:s11+s5], $0x80, $0x38;
	[tilespmem:$0x1C200] =	vst v63  }
0x5c: {  	s3 =	sadd.s32 s6, s3  }
0x5d: {  	[tilespmem:s31], [sflag:$0x6] =	stream.linear.gather [hbm4b:s3+s5], $0x80, $0x38;
	[tilespmem:$0x1C200] =	vst v63  }
0x5e: {  	_ =	swait.ge [sflag:s23], $0x80  }
0x5f: {  	[sflag:s23] =	ssyncset.done $0x0  }
0x60: {  	[sflag:s23] =	ssyncadd.s32 $0xFFFFFF80  }
0x61: {  	_ =	swait.ge [sflag:s24], $0x80  }
0x62: {  	s3 =	simm.s32 $0x280;
	[sflag:s24] =	ssyncset.done $0x0  }
.LBB2_4:
0x63: {  	p0 =	sne.s32 s3, $0x2780  }
0x64: {  	[sflag:s24] =	ssyncadd.s32 $0xFFFFFF80;
	s9 =	smov.u32 s3;
	s3 =	sadd.s32 $0x100, s3  }
0x65: {  	[tilespmem:s19], [sflag:$0x1] =	stream.indirect.gather [hbm4b:s0+s22], $0x80, s5, s22, $0xb8;
	[tilespmem:$0x1C200] =	vst v63  }
0x66: {  	s10 =	sadd.s32 $0xFFFFFF80, s9;
	_ =	swait.ge [sflag:s25], $0x4000  }
0x67: {  	s11 =	sand.u32 $0x7C00, s10;
	s10 =	sand.u32 $0x300, s10;
	[sflag:s25] =	ssyncset.done $0x0  }
0x68: {  	s11 =	sadd.s32 s8, s11;
	[sflag:s25] =	ssyncadd.s32 $0xFFFFC000  }
0x69: {  	[spmem:s4] =	stream.indirect.scatter.add.f32 [tilespmem:s19], [sflag:$0x7], $0x80, s21, s22, $0xb8;
	[tilespmem:$0x1C200] =	vst v63  }
0x6a: {  	s10 =	sor.u32 s10, s11;
	_ =	swait.ge [sflag:s20], $0x4000  }
0x6b: {  	s10 =	sshrl.u32 s10, $0x3;
	[sflag:s20] =	ssyncset.done $0x0  }
0x6c: {  	s11 =	sadd.s32 s1, s10;
	s10 =	sadd.s32 s6, s10;
	[sflag:s20] =	ssyncadd.s32 $0xFFFFC000  }
0x6d: {  	[tilespmem:s5], [sflag:$0x3] =	stream.linear.gather [hbm4b:s11+s5], $0x80, $0x38;
	[tilespmem:$0x1C200] =	vst v63  }
0x6e: {  	_ = 	snop  }
0x6f: {  	[tilespmem:s21], [sflag:$0x5] =	stream.linear.gather [hbm4b:s10+s5], $0x80, $0x38;
	[tilespmem:$0x1C200] =	vst v63  }
0x70: {  	_ =	swait.ge [sflag:s26], $0x80  }
0x71: {  	[sflag:s26] =	ssyncset.done $0x0  }
0x72: {  	[sflag:s26] =	ssyncadd.s32 $0xFFFFFF80  }
0x73: {  	_ =	swait.ge [sflag:s28], $0x80  }
0x74: {  	[sflag:s28] =	ssyncset.done $0x0  }
0x75: {  	[sflag:s28] =	ssyncadd.s32 $0xFFFFFF80  }
0x76: {  	[tilespmem:s29], [sflag:$0x2] =	stream.indirect.gather [hbm4b:s0+s22], $0x80, s22, s22, $0xb8;
	[tilespmem:$0x1C200] =	vst v63  }
0x77: {  	_ =	swait.ge [sflag:s30], $0x4000  }
0x78: {  	s10 =	sand.u32 $0x7C00, s9;
	[sflag:s30] =	ssyncset.done $0x0  }
0x79: {  	s9 =	sand.u32 $0x380, s9;
	s10 =	sadd.s32 s8, s10;
	[sflag:s30] =	ssyncadd.s32 $0xFFFFC000  }
0x7a: {  	[spmem:s4] =	stream.indirect.scatter.add.f32 [tilespmem:s29], [sflag:$0x7], $0x80, s31, s22, $0xb8;
	[tilespmem:$0x1C200] =	vst v63  }
0x7b: {  	s9 =	sor.u32 s9, s10;
	_ =	swait.ge [sflag:s20], $0x4000  }
0x7c: {  	s9 =	sshrl.u32 s9, $0x3;
	[sflag:s20] =	ssyncset.done $0x0  }
0x7d: {  	s10 =	sadd.s32 s1, s9;
	s9 =	sadd.s32 s6, s9;
	[sflag:s20] =	ssyncadd.s32 $0xFFFFC000  }
0x7e: {  	[tilespmem:s22], [sflag:$0x4] =	stream.linear.gather [hbm4b:s10+s5], $0x80, $0x38;
	[tilespmem:$0x1C200] =	vst v63  }
0x7f: {  	_ = 	snop  }
0x80: {  	[tilespmem:s31], [sflag:$0x6] =	stream.linear.gather [hbm4b:s9+s5], $0x80, $0x38;
	[tilespmem:$0x1C200] =	vst v63  }
.Ltmp1:
0x81: {  	_ =	swait.ge [sflag:s23], $0x80;
	(pc) =	sbr.rel @p0 .LBB2_4-.Ltmp1, $4  }
0x82: {  	[sflag:s23] =	ssyncset.done $0x0  }
0x83: {  	[sflag:s23] =	ssyncadd.s32 $0xFFFFFF80  }
0x84: {  	_ =	swait.ge [sflag:s24], $0x80  }
0x85: {  	[sflag:s24] =	ssyncset.done $0x0  }
0x86: {  	[sflag:s24] =	ssyncadd.s32 $0xFFFFFF80  }
0x87: {  	[tilespmem:s19], [sflag:$0x1] =	stream.indirect.gather [hbm4b:s0+s22], $0x80, s5, s22, $0xb8;
	[tilespmem:$0x1C200] =	vst v63  }
0x88: {  	_ =	swait.ge [sflag:s25], $0x4000  }
0x89: {  	[sflag:s25] =	ssyncset.done $0x0  }
0x8a: {  	[sflag:s25] =	ssyncadd.s32 $0xFFFFC000  }
0x8b: {  	[spmem:s4] =	stream.indirect.scatter.add.f32 [tilespmem:s19], [sflag:$0x7], $0x80, s21, s22, $0xb8;
	[tilespmem:$0x1C200] =	vst v63  }
0x8c: {  	_ =	swait.ge [sflag:s20], $0x4000  }
0x8d: {  	[sflag:s20] =	ssyncset.done $0x0  }
0x8e: {  	[sflag:s20] =	ssyncadd.s32 $0xFFFFC000  }
0x8f: {  	_ =	swait.ge [sflag:s26], $0x80  }
0x90: {  	[sflag:s26] =	ssyncset.done $0x0  }
0x91: {  	[sflag:s26] =	ssyncadd.s32 $0xFFFFFF80  }
0x92: {  	_ =	swait.ge [sflag:s28], $0x80  }
0x93: {  	[sflag:s28] =	ssyncset.done $0x0  }
0x94: {  	[sflag:s28] =	ssyncadd.s32 $0xFFFFFF80  }
0x95: {  	[tilespmem:s29], [sflag:$0x2] =	stream.indirect.gather [hbm4b:s0+s22], $0x80, s22, s22, $0xb8;
	[tilespmem:$0x1C200] =	vst v63  }
0x96: {  	_ =	swait.ge [sflag:s30], $0x4000  }
0x97: {  	[sflag:s30] =	ssyncset.done $0x0  }
0x98: {  	[sflag:s30] =	ssyncadd.s32 $0xFFFFC000  }
0x99: {  	[spmem:s4] =	stream.indirect.scatter.add.f32 [tilespmem:s29], [sflag:$0x7], $0x80, s31, s22, $0xb8;
	[tilespmem:$0x1C200] =	vst v63  }
0x9a: {  	s3 =	stileid.u32;
	_ =	swait.ge [sflag:s20], $0x4000  }
0x9b: {  	s9 =	sshrl.u32 s7, $0x3;
	s2 =	sadd.s32 $0x1, s2;
	[sflag:s20] =	ssyncset.done $0x0  }
0x9c: {  	s3 =	sshll.u32 s3, $0x6;
	p0 =	sne.s32 s2, s18;
	[sflag:s20] =	ssyncadd.s32 $0xFFFFC000  }
.Ltmp2:
0x9d: {  	s3 =	sor.u32 $0x1C07, s3;
	[bflag:$0x0] =	sbarrier.arrive $0xFFFF;
	(pc) =	sbr.rel @p0 .LBB2_1-.Ltmp2, $4  }
0x9e: {  	[hbm:s17], [sflag:s3] =	dma.local [spmem:s9], $0x2800  }
0x9f: {  	_ =	swait.ge [sflag:s20], $0x2800  }
0xa0: {  	[sflag:s20] =	ssyncset.done $0x0  }
0xa1: {  	[sflag:s20] =	ssyncadd.s32 $0xFFFFD800  }
0xa2: {  	_ =	sfence.sel $0x180000  }
0xa3: {  	[bflag:$0x0] =	sbarrier.arrive $0xFFFF  }
0xa4: {  	_ =	strace $0x90000047  }
0xa5: {  	s0 =	stileid.u32;
	[bflag:$0x2] =	sbarrier.arrive $0xFFFF  }
0xa6: {  	p0 =	sne.s32 s0, $0x0;
	s0 =	rddreg [dreg:$0x4]  }
0xa7: {  	s0 =	sadd.s32 @!p0 $0x100000, s0  }
0xa8: {  	[sflag:s0] =	ssyncadd.tile.s32 @!p0 $0x1;
	_ =	shalt  }
.Lfunc_end2:
_tile_overlayer_lowered:
.L_overlay_start_2:
0xa9: {  	(tag) =	ssettag $0x2  }
0xaa: {  	s0 =	rddreg [dreg:$0x0];
	s2 =	stileid.u32  }
0xab: {  	s1 =	rddreg [dreg:$0x1];
	p0 =	sne.s32 s2, $0x0  }
0xac: {  	s3 =	rddreg [dreg:$0x2];
	[bflag:$0x3] =	sbarrier.arrive $0xFFFF;
	s2 =	simm.s32 @!p0 $0x1C07  }
0xad: {  	[timem:s3], [sflag:s2] =	dma.local @!p0 [hbm:s0], s1  }
0xae: {  	s0 =	simm.s32 @!p0 $0x7  }
0xaf: {  	_ =	swait.ge @!p0 [sflag:s0], s1  }
0xb0: {  	s1 =	ssub.s32 @!p0 $0x0, s1;
	[sflag:s0] =	ssyncset.done @!p0 $0x0  }
0xb1: {  	[sflag:s0] =	ssyncadd.s32 @!p0 s1  }
0xb2: {  	[bflag:$0x3] =	sbarrier.arrive $0xFFFF  }
0xb3: {  	_ =	shalt  }

// kernel: kernel.13.cloned.1.call-start
scs
__scs_entry_jumppad:
0x0: {  	(pc) =	sbr.rel $0x88, $3  }
0x1: {  	(tag) =	ssettag $0x0;
	lr =	simm.s32 $0x1  }
0x2: {  	[smem:$0x3F97] =	sst lr;
	_ =	strace $0xD0000000  }
0x3: {  	_ = 	snop  }
0x4: {  	_ = 	snop  }
0x5: {  	_ = 	snop  }
0x6: {  	_ = 	snop  }
0x7: {  	_ = 	snop  }
__scs_overlays_trampoline_lowered:
0x8: {  	[smem:$0x3FA6] =	sst s0  }
0x9: {  	[smem:$0x3FA7] =	sst s1  }
0xa: {  	[smem:$0x3FA8] =	sst s2  }
0xb: {  	[smem:$0x3FA9] =	sst s3  }
0xc: {  	[smem:$0x3FAA] =	sst s4  }
0xd: {  	[smem:$0x3FAB] =	sst s5  }
0xe: {  	[smem:$0x3FAC] =	sst s6  }
0xf: {  	[smem:$0x3FAD] =	sst s7  }
0x10: {  	[smem:$0x3FAE] =	sst s8  }
0x11: {  	[smem:$0x3FAF] =	sst s9;
	s0 =	simm.s32 @!p0 $0x0  }
0x12: {  	s1 =	sld [smem:$0x3F95];
	s0 =	simm.s32 @p0 $0x1  }
0x13: {  	[smem:$0x3FB0] =	sst s0;
	s0 =	simm.s32 @!p1 $0x0  }
0x14: {  	s2 =	sld [smem:$0x3F94];
	s0 =	simm.s32 @p1 $0x1  }
0x15: {  	[smem:$0x3FB1] =	sst s0;
	s0 =	simm.s32 @!p2 $0x0  }
0x16: {  	s3 =	sld [smem:$0x3FDB];
	s0 =	simm.s32 @p2 $0x1  }
0x17: {  	s4 =	simm.s32 $0x1BF5;
	[smem:$0x3FB3] =	sst s0  }
0x18: {  	s0 =	sld [smem:$0x3F96];
	_ =	swait.ge [sflag:s4], $0x0  }
0x19: {  	s7 =	sld [smem:$0x3F97]  }
0x1a: {  	s8 =	sadd.s32 $0xFFFFE003, lr  }
0x1b: {  	s9 =	sadd.s32 $0xFFFFFEF7, lr;
	s5 =	simm.s32 $0xFFFFFFFF;
	p2 =	slt.u32 s8, $0xFFFFF086  }
0x1c: {  	p1 =	slt.u32 s9, $0xF7A;
	s5 =	simm.s32 @!p2 $0x0  }
0x1d: {  	s5 =	simm.s32 @p1 $0x1;
	p0 =	seq.s32 s7, s2  }
0x1e: {  	s7 =	smul.u32 @!p0 $0xF7A, s2;
	p2 =	seq.s32 @!p0 s5, $0x0  }
0x1f: {  	s9 =	smul.u32 $0xF7A, s1;
	s8 =	simm.s32 @!p0 $0x1BF5;
	p2 =	por !p2, p0  }
0x20: {  	[sflag:s8] =	ssyncset.s32 @!p0 $0xFFFFF086;
	s6 =	sadd.s32 @!p0 s3, s7;
	s7 =	simm.s32 @!p0 $0x108  }
0x21: {  	s3 =	sadd.s32 s3, s9;
	s6 =	sadd.s32 @!p0 $0x88, s6;
	s7 =	simm.s32 @p2 $0x1082  }
0x22: {  	[simem:s7], [sflag:s8] =	dma.local @!p0 [hbm:s6], $0xF7A  }
0x23: {  	s9 =	sor.u32 $0xD0000000, s2;
	s6 =	simm.s32 $0x108;
	_ =	swait.ge @!p0 [sflag:s8], $0x0  }
0x24: {  	s3 =	sadd.s32 $0x88, s3;
	s6 =	simm.s32 @!p1 $0x1082;
	[sflag:s4] =	ssyncset.s32 $0xFFFFF086  }
0x25: {  	[simem:s6], [sflag:s4] =	dma.local [hbm:s3], $0xF7A  }
0x26: {  	[smem:$0x3F97] =	sst s1;
	(tag) =	ssettag s2;
	_ =	strace s9  }
0x27: {  	s1 =	sld [smem:$0x3FA7]  }
0x28: {  	s2 =	sld [smem:$0x3FA8]  }
0x29: {  	s4 =	sld [smem:$0x3FAA]  }
0x2a: {  	p0 =	seq.s32 s5, $0x0;
	s5 =	sld [smem:$0x3FAB]  }
0x2b: {  	s6 =	sld [smem:$0x3FAC]  }
0x2c: {  	s7 =	sld [smem:$0x3FAD]  }
0x2d: {  	s3 =	simm.s32 $0x108;
	s8 =	sld [smem:$0x3FAE]  }
0x2e: {  	s3 =	simm.s32 @!p0 $0x1082;
	s9 =	sld [smem:$0x3FAF]  }
0x2f: {  	lr =	sadd.s32 s0, s3;
	s0 =	sld [smem:$0x3FA6]  }
0x30: {  	s3 =	sld [smem:$0x3FA9]  }
0x31: {  	[smem:$0x3FB2] =	sst s10  }
0x32: {  	s10 =	sld [smem:$0x3FB0];
	_ =	sdelay $0x3  }
0x33: {  	p0 =	seq.s32 s10, $0x1;
	s10 =	sld [smem:$0x3FB2];
	_ =	sdelay $0x3  }
0x34: {  	[smem:$0x3FB2] =	sst s10  }
0x35: {  	s10 =	sld [smem:$0x3FB1];
	_ =	sdelay $0x3  }
0x36: {  	p1 =	seq.s32 s10, $0x1;
	s10 =	sld [smem:$0x3FB2];
	_ =	sdelay $0x3  }
0x37: {  	[smem:$0x3FB2] =	sst s10  }
0x38: {  	s10 =	sld [smem:$0x3FB3]  }
0x39: {  	_ = 	snop;
	(pc) =	sbr.ind lr, $3  }
0x3a: {  	_ = 	snop  }
0x3b: {  	_ = 	snop  }
0x3c: {  	p2 =	seq.s32 s10, $0x1;
	s10 =	sld [smem:$0x3FB2]  }
0x3d: {  	_ =	shalt  }
0x3e: {  	_ =	shalt  }
0x3f: {  	_ =	shalt  }
0x40: {  	_ =	shalt  }
0x41: {  	_ =	shalt  }
0x42: {  	_ =	shalt  }
0x43: {  	_ =	shalt  }
0x44: {  	_ =	shalt  }
0x45: {  	_ =	shalt  }
0x46: {  	_ =	shalt  }
0x47: {  	_ =	shalt  }
0x48: {  	_ =	shalt  }
0x49: {  	_ =	shalt  }
0x4a: {  	_ =	shalt  }
0x4b: {  	_ =	shalt  }
0x4c: {  	_ =	shalt  }
0x4d: {  	_ =	shalt  }
0x4e: {  	_ =	shalt  }
0x4f: {  	_ =	shalt  }
0x50: {  	_ =	shalt  }
0x51: {  	_ =	shalt  }
0x52: {  	_ =	shalt  }
0x53: {  	_ =	shalt  }
0x54: {  	_ =	shalt  }
0x55: {  	_ =	shalt  }
0x56: {  	_ =	shalt  }
0x57: {  	_ =	shalt  }
0x58: {  	_ =	shalt  }
0x59: {  	_ =	shalt  }
0x5a: {  	_ =	shalt  }
0x5b: {  	_ =	shalt  }
0x5c: {  	_ =	shalt  }
0x5d: {  	_ =	shalt  }
0x5e: {  	_ =	shalt  }
0x5f: {  	_ =	shalt  }
0x60: {  	_ =	shalt  }
0x61: {  	_ =	shalt  }
0x62: {  	_ =	shalt  }
0x63: {  	_ =	shalt  }
0x64: {  	_ =	shalt  }
0x65: {  	_ =	shalt  }
0x66: {  	_ =	shalt  }
0x67: {  	_ =	shalt  }
0x68: {  	_ =	shalt  }
0x69: {  	_ =	shalt  }
0x6a: {  	_ =	shalt  }
0x6b: {  	_ =	shalt  }
0x6c: {  	_ =	shalt  }
0x6d: {  	_ =	shalt  }
0x6e: {  	_ =	shalt  }
0x6f: {  	_ =	shalt  }
0x70: {  	_ =	shalt  }
0x71: {  	_ =	shalt  }
0x72: {  	_ =	shalt  }
0x73: {  	_ =	shalt  }
0x74: {  	_ =	shalt  }
0x75: {  	_ =	shalt  }
0x76: {  	_ =	shalt  }
0x77: {  	_ =	shalt  }
0x78: {  	_ =	shalt  }
0x79: {  	_ =	shalt  }
0x7a: {  	_ =	shalt  }
0x7b: {  	_ =	shalt  }
0x7c: {  	_ =	shalt  }
0x7d: {  	_ =	shalt  }
0x7e: {  	_ =	shalt  }
0x7f: {  	_ =	shalt  }
0x80: {  	_ =	shalt  }
0x81: {  	_ =	shalt  }
0x82: {  	_ =	shalt  }
0x83: {  	_ =	shalt  }
0x84: {  	_ =	shalt  }
0x85: {  	_ =	shalt  }
0x86: {  	_ =	shalt  }
0x87: {  	_ =	shalt  }
.Lfunc_end0:
.L_simem_size_0:
called_computation.2_lowered:
.L_overlay_start_0:
0x88: {  	s2 =	sld [smem:$0x3FD9]  }
0x89: {  	s3 =	sld [smem:$0x3FFE];
	_ =	sdelay $0x1  }
0x8a: {  	s1 =	srdreg.scid  }
0x8b: {  	s0 =	sand.u32 $0x1, s1  }
0x8c: {  	s17 =	sshll.u32 s0, $0xA;
	s2 =	sadd.s32 s3, s2  }
0x8d: {  	s2 =	sadd.s32 s2, s17  }
0x8e: {  	[smem:$0x3FBE] =	sst s2  }
0x8f: {  	_ = 	snop  }
0x90: {  	s2 =	sld [smem:$0x3FD0];
	(tm) =	ssettm $0x1  }
0x91: {  	s18 =	sld [smem:$0x3FFB];
	_ =	sdelay $0x3  }
0x92: {  	_ =	strace s18  }
0x93: {  	s3 =	sld [smem:$0x3FFC];
	_ =	sdelay $0x3  }
0x94: {  	_ =	strace s3  }
0x95: {  	s3 =	sld [smem:$0x3FFD];
	_ =	sdelay $0x3  }
0x96: {  	_ =	strace s3  }
0x97: {  	_ =	strace $0x8FFFFFFF  }
0x98: {  	s19 =	sld [smem:$0x3FDB];
	_ =	sdelay $0x1  }
0x99: {  	s4 =	simm.s32 $_scs_section_size  }
0x9a: {  	s5 =	simm.s32 $_size__tile_overlayer_lowered;
	s6 =	simm.s32 $_tile_overlayer_lowered  }
0x9b: {  	s22 =	simm.s32 $0x1BFF;
	s21 =	sshll.u32 s6, $0x1;
	s3 =	sadd.s32 s4, s19  }
0x9c: {  	s7 =	simm.s32 $0x0;
	s20 =	sshll.u32 s5, $0x1;
	s5 =	sadd.s32 s21, s3  }
0x9d: {  	[timem:s7], [sflag:s22] =	dma.local [hbm:s5], s20  }
0x9e: {  	_ =	swait.ge [sflag:s22], s20  }
0x9f: {  	s4 =	ssub.s32 $0x0, s20;
	[sflag:s22] =	ssyncset.done $0x0  }
0xa0: {  	[sflag:s22] =	ssyncadd.s32 s4;
	_ =	sdelay $0x1  }
0xa1: {  	s23 =	simm.s32 $0x1B8B  }
0xa2: {  	_ =	swait.ge [sflag:s23], $0x1  }
0xa3: {  	[sflag:s23] =	ssyncset.done $0x0  }
0xa4: {  	s25 =	simm.s32 $0x1B8E;
	s24 =	sld [smem:$0x3FFE];
	[sflag:s23] =	ssyncadd.s32 $0xFFFFFFFF  }
0xa5: {  	s26 =	simm.s32 $execute0_lowered;
	[smem:$0x3FD2] =	sst s25  }
0xa6: {  	s5 =	sshll.u32 s26, $0x1;
	_ =	strace $0x8000004C;
	[dreg:$0x1] =	wrdreg $0xFFFFFFFF  }
0xa7: {  	s28 =	simm.s32 $_size_execute0_lowered;
	s3 =	sadd.s32 s3, s5;
	[dreg:$0x0] =	wrdreg $0x0  }
0xa8: {  	s5 =	sshll.u32 s28, $0x1;
	[dreg:$0x2] =	wrdreg s3  }
0xa9: {  	[dreg:$0x3] =	wrdreg s5  }
0xaa: {  	[dreg:$0x4] =	wrdreg $0xC0  }
0xab: {  	_ =	task [dreg:s7], $0x5FFFF  }
0xac: {  	[dreg:$0x1] =	wrdreg $0xFFFFFFFF  }
0xad: {  	[dreg:$0x0] =	wrdreg $0x60  }
0xae: {  	[dreg:$0x2] =	wrdreg s24  }
0xaf: {  	[dreg:$0x3] =	wrdreg s2  }
0xb0: {  	[dreg:$0x4] =	wrdreg $0x82000  }
0xb1: {  	[dreg:$0x5] =	wrdreg $0x9  }
0xb2: {  	_ =	task.clear_ibuf [dreg:s7], $0x6FFFF;
	_ =	strace $0x9000004C  }
0xb3: {  	s29 =	simm.s32 $0x9;
	_ =	strace $0x8000004E  }
0xb4: {  	_ =	swait.ge [sflag:s29], $0x1  }
0xb5: {  	[sflag:s29] =	ssyncadd.s32 $0xFFFFFFFF  }
0xb6: {  	_ =	strace $0x9000004E  }
0xb7: {  	_ =	sfence  }
0xb8: {  	s30 =	sld [smem:$0x0];
	_ =	sdelay $0x2  }
0xb9: {  	s31 =	sshll.u32 s1, $0xD;
	s1 =	sshrl.u32 s1, $0x2  }
0xba: {  	s3 =	sand.u32 $0x4000, s31;
	s1 =	sadd.s32 s1, s30  }
0xbb: {  	s0 =	sor.u32 s3, s0;
	s1 =	sshll.u32 s1, $0x11  }
0xbc: {  	s0 =	sor.u32 s1, s0  }
0xbd: {  	s0 =	sadd.s32 $0x8F2B, s0  }
0xbe: {  	[sflag:s0] =	ssyncadd.remote.s32 $0x1  }
0xbf: {  	_ =	sfence.sel $0xFFFF  }
0xc0: {  	[dreg:$0x0] =	wrdreg $0xFFFFFFFF;
	(pc) =	sbr.abs _section_cstart, $3  }
0xc1: {  	[dreg:$0x1] =	wrdreg $0xFFFFFFFF  }
0xc2: {  	_ =	task.clear_ibuf [dreg:s7], $0x2FFFF;
	_ =	strace $0x9FFFFFFF  }
0xc3: {  	(tm) =	ssettm $0x7FFFFFFF  }
tec
execute0_lowered:
.L_overlay_start_1:
0x0: {  	(tag) =	ssettag $0x1  }
0x1: {  	s0 =	rddreg [dreg:$0x0]  }
0x2: {  	s1 =	rddreg [dreg:$0x1]  }
0x3: {  	s2 =	rddreg [dreg:$0x2];
	s3 =	srdreg.scid;
	s4 =	simm.s32 $0x0  }
0x4: {  	s10 =	stileid.u32;
	s19 =	simm.s32 $0x200;
	s28 =	simm.s32 $0x6  }
0x5: {  	s29 =	simm.s32 $0x4200;
	s30 =	simm.s32 $0x2;
	s7 =	smul.u32 $0x14000, s10  }
0x6: {  	s31 =	simm.s32 $0x180;
	s3 =	sand.u32 $0x1, s3;
	s8 =	smul.u32 $0x50000, s10  }
0x7: {  	[smem:$0x7FF] =	sst s4;
	s5 =	sadd.s32 $0xC400, s0;
	s6 =	smul.u32 $0x140000, s3  }
0x8: {  	_ =	strace $0x8000004D;
	s20 =	sshll.u32 s3, $0x4;
	s3 =	ssub.s32 $0x2, s3  }
0x9: {  	s10 =	sor.u32 s10, s20;
	s21 =	sshrl.u32 s8, $0x2;
	s11 =	sshrl.u32 s3, $0x1  }
0xa: {  	s20 =	simm.s32 $0x7;
	s7 =	sadd.s32 s7, s6;
	s6 =	sadd.s32 $0x2400, s0  }
0xb: {  	s3 =	ssub.s32 s3, s11;
	s9 =	sshrl.u32 s7, $0x3;
	s7 =	sadd.s32 s21, s2  }
0xc: {  	s8 =	smul.u32 $0x2800, s10;
	s18 =	smax.u32 s3, $0x1;
	s22 =	sadd.s32 $0x4000, s7  }
0xd: {  	s21 =	simm.s32 $0x100;
	s23 =	sadd.s32 $0x8000, s7;
	[dreg:$0x4] =	wrdreg s22  }
0xe: {  	s0 =	sadd.s32 s9, s0;
	s24 =	sadd.s32 $0xC000, s7;
	[dreg:$0x5] =	wrdreg s23  }
0xf: {  	s25 =	sshrl.u32 s8, $0x3;
	s12 =	sadd.s32 $0x10000, s7;
	[dreg:$0x6] =	wrdreg s24  }
0x10: {  	s13 =	sadd.s32 s1, s25;
	s26 =	sor.u32 $0x10, s25;
	s14 =	sadd.s32 s6, s25  }
0x11: {  	s17 =	sadd.s32 $0xAC400, s0;
	s22 =	simm.s32 $0x80;
	s23 =	simm.s32 $0x3  }
0x12: {  	s24 =	simm.s32 $0x5;
	s25 =	simm.s32 $0x1;
	s0 =	simm.s32 $0x0  }
0x13: {  	v0 =	vimm.f32 $0.0e+00;
	s15 =	sadd.s32 s1, s26;
	s16 =	sadd.s32 s6, s26;
	s26 =	simm.s32 $0x4  }
.LBB2_1:
0x14: {  	s3 =	sand.u32 $0xFE00, s4  }
0x15: {  	s9 =	sand.u32 $0x70, s4;
	s10 =	sshrl.u32 s3, $0x2  }
0x16: {  	s3 =	simm.s32 $0x40;
	s10 =	sor.u32 s9, s10;
	s9 =	simm.s32 $0x0  }
.LBB2_2:
0x17: {  	p0 =	sne.s32 s3, $0xFFC0  }
0x18: {  	[tilespmem:s10+$0x200] =	vst v0;
	s9 =	sadd.s32 $0x10, s9;
	s10 =	smov.u32 s3;
	s3 =	sadd.s32 $0x40, s3  }
.Ltmp0:
0x19: {  	(pc) =	sbr.rel @p0 .LBB2_2-.Ltmp0, $4  }
0x1a: {  	_ = 	snop  }
0x1b: {  	s10 =	sand.u32 $0xFE00, s10  }
0x1c: {  	s11 =	sand.u32 $0x70, s9;
	s10 =	sshrl.u32 s10, $0x2  }
0x1d: {  	s10 =	sor.u32 s11, s10  }
0x1e: {  	[tilespmem:s10+$0x200] =	vst v0  }
0x1f: {  	[spmem:s7] =	stream.linear.scatter [tilespmem:s19], [sflag:$0x7], $0x4000, $0x38;
	[tilespmem:$0x1C200] =	vst v63  }
0x20: {  	_ =	swait.ge [sflag:s20], $0x4000  }
0x21: {  	[sflag:s20] =	ssyncset.done $0x0  }
0x22: {  	s3 =	rddreg [dreg:$0x4];
	[sflag:s20] =	ssyncadd.s32 $0xFFFFC000  }
0x23: {  	[spmem:s3] =	stream.linear.scatter [tilespmem:s19], [sflag:$0x7], $0x4000, $0x38;
	[tilespmem:$0x1C200] =	vst v63  }
0x24: {  	_ =	swait.ge [sflag:s20], $0x4000  }
0x25: {  	[sflag:s20] =	ssyncset.done $0x0  }
0x26: {  	s9 =	rddreg [dreg:$0x5];
	[sflag:s20] =	ssyncadd.s32 $0xFFFFC000  }
0x27: {  	[spmem:s9] =	stream.linear.scatter [tilespmem:s19], [sflag:$0x7], $0x4000, $0x38;
	[tilespmem:$0x1C200] =	vst v63  }
0x28: {  	_ =	swait.ge [sflag:s20], $0x4000  }
0x29: {  	[sflag:s20] =	ssyncset.done $0x0  }
0x2a: {  	s10 =	rddreg [dreg:$0x6];
	[sflag:s20] =	ssyncadd.s32 $0xFFFFC000  }
0x2b: {  	[spmem:s10] =	stream.linear.scatter [tilespmem:s19], [sflag:$0x7], $0x4000, $0x38;
	[tilespmem:$0x1C200] =	vst v63  }
0x2c: {  	_ =	swait.ge [sflag:s20], $0x4000  }
0x2d: {  	[sflag:s20] =	ssyncset.done $0x0  }
0x2e: {  	[sflag:s20] =	ssyncadd.s32 $0xFFFFC000  }
0x2f: {  	[spmem:s12] =	stream.linear.scatter [tilespmem:s19], [sflag:$0x7], $0x4000, $0x38;
	[tilespmem:$0x1C200] =	vst v63  }
0x30: {  	_ =	swait.ge [sflag:s20], $0x4000  }
0x31: {  	[sflag:s20] =	ssyncset.done $0x0  }
0x32: {  	[sflag:s20] =	ssyncadd.s32 $0xFFFFC000  }
0x33: {  	[bflag:$0x0] =	sbarrier.arrive $0xFFFF  }
0x34: {  	[tilespmem:s4], [sflag:$0x3] =	stream.linear.gather [hbm4b:s13+s4], $0x80, $0x38;
	[tilespmem:$0x1C200] =	vst v63  }
0x35: {  	_ = 	snop  }
0x36: {  	[tilespmem:s21], [sflag:$0x5] =	stream.linear.gather [hbm4b:s14+s4], $0x80, $0x38;
	[tilespmem:$0x1C200] =	vst v63  }
0x37: {  	_ = 	snop  }
0x38: {  	[tilespmem:s22], [sflag:$0x4] =	stream.linear.gather [hbm4b:s15+s4], $0x80, $0x38;
	[tilespmem:$0x1C200] =	vst v63  }
0x39: {  	s3 =	simm.s32 $0x180  }
0x3a: {  	[tilespmem:s3], [sflag:$0x6] =	stream.linear.gather [hbm4b:s16+s4], $0x80, $0x38;
	[tilespmem:$0x1C200] =	vst v63  }
0x3b: {  	_ =	swait.ge [sflag:s23], $0x80  }
0x3c: {  	[sflag:s23] =	ssyncset.done $0x0  }
0x3d: {  	[sflag:s23] =	ssyncadd.s32 $0xFFFFFF80  }
0x3e: {  	_ =	swait.ge [sflag:s24], $0x80  }
0x3f: {  	[sflag:s24] =	ssyncset.done $0x0  }
0x40: {  	[sflag:s24] =	ssyncadd.s32 $0xFFFFFF80  }
0x41: {  	[tilespmem:s19], [sflag:$0x1] =	stream.indirect.gather [hbm4b:s5+s22], $0x80, s4, s22, $0xb8;
	[tilespmem:$0x1C200] =	vst v63  }
0x42: {  	s9 =	simm.s32 $0x100;
	_ =	swait.ge [sflag:s25], $0x4000  }
0x43: {  	s11 =	sand.u32 $0x7C00, s9;
	[sflag:s25] =	ssyncset.done $0x0  }
0x44: {  	s9 =	sand.u32 $0x300, s9;
	s10 =	sadd.s32 s8, s11;
	[sflag:s25] =	ssyncadd.s32 $0xFFFFC000  }
0x45: {  	[spmem:s2] =	stream.indirect.scatter.add.f32 [tilespmem:s19], [sflag:$0x7], $0x80, s21, s22, $0xb8;
	[tilespmem:$0x1C200] =	vst v63  }
0x46: {  	s9 =	sor.u32 s9, s10;
	_ =	swait.ge [sflag:s20], $0x4000  }
0x47: {  	s9 =	sshrl.u32 s9, $0x3;
	[sflag:s20] =	ssyncset.done $0x0  }
0x48: {  	s11 =	sadd.s32 s1, s9;
	[sflag:s20] =	ssyncadd.s32 $0xFFFFC000  }
0x49: {  	[tilespmem:s4], [sflag:$0x3] =	stream.linear.gather [hbm4b:s11+s4], $0x80, $0x38;
	[tilespmem:$0x1C200] =	vst v63  }
0x4a: {  	s9 =	sadd.s32 s6, s9  }
0x4b: {  	[tilespmem:s21], [sflag:$0x5] =	stream.linear.gather [hbm4b:s9+s4], $0x80, $0x38;
	[tilespmem:$0x1C200] =	vst v63  }
0x4c: {  	_ =	swait.ge [sflag:s26], $0x80  }
0x4d: {  	[sflag:s26] =	ssyncset.done $0x0  }
0x4e: {  	[sflag:s26] =	ssyncadd.s32 $0xFFFFFF80  }
0x4f: {  	_ =	swait.ge [sflag:s28], $0x80  }
0x50: {  	[sflag:s28] =	ssyncset.done $0x0  }
0x51: {  	[sflag:s28] =	ssyncadd.s32 $0xFFFFFF80  }
0x52: {  	[tilespmem:s29], [sflag:$0x2] =	stream.indirect.gather [hbm4b:s5+s22], $0x80, s22, s22, $0xb8;
	[tilespmem:$0x1C200] =	vst v63  }
0x53: {  	_ =	swait.ge [sflag:s30], $0x4000  }
0x54: {  	s10 =	sand.u32 $0x7C00, s3;
	[sflag:s30] =	ssyncset.done $0x0  }
0x55: {  	s3 =	sand.u32 $0x380, s3;
	s9 =	sadd.s32 s8, s10;
	[sflag:s30] =	ssyncadd.s32 $0xFFFFC000  }
0x56: {  	[spmem:s2] =	stream.indirect.scatter.add.f32 [tilespmem:s29], [sflag:$0x7], $0x80, s31, s22, $0xb8;
	[tilespmem:$0x1C200] =	vst v63  }
0x57: {  	s3 =	sor.u32 s3, s9;
	_ =	swait.ge [sflag:s20], $0x4000  }
0x58: {  	s3 =	sshrl.u32 s3, $0x3;
	[sflag:s20] =	ssyncset.done $0x0  }
0x59: {  	s11 =	sadd.s32 s1, s3;
	[sflag:s20] =	ssyncadd.s32 $0xFFFFC000  }
0x5a: {  	[tilespmem:s22], [sflag:$0x4] =	stream.linear.gather [hbm4b:s11+s4], $0x80, $0x38;
	[tilespmem:$0x1C200] =	vst v63  }
0x5b: {  	s3 =	sadd.s32 s6, s3  }
0x5c: {  	[tilespmem:s31], [sflag:$0x6] =	stream.linear.gather [hbm4b:s3+s4], $0x80, $0x38;
	[tilespmem:$0x1C200] =	vst v63  }
0x5d: {  	_ =	swait.ge [sflag:s23], $0x80  }
0x5e: {  	[sflag:s23] =	ssyncset.done $0x0  }
0x5f: {  	[sflag:s23] =	ssyncadd.s32 $0xFFFFFF80  }
0x60: {  	_ =	swait.ge [sflag:s24], $0x80  }
0x61: {  	s3 =	simm.s32 $0x280;
	[sflag:s24] =	ssyncset.done $0x0  }
.LBB2_4:
0x62: {  	p0 =	sne.s32 s3, $0x2780  }
0x63: {  	[sflag:s24] =	ssyncadd.s32 $0xFFFFFF80;
	s9 =	smov.u32 s3;
	s3 =	sadd.s32 $0x100, s3  }
0x64: {  	[tilespmem:s19], [sflag:$0x1] =	stream.indirect.gather [hbm4b:s5+s22], $0x80, s4, s22, $0xb8;
	[tilespmem:$0x1C200] =	vst v63  }
0x65: {  	s10 =	sadd.s32 $0xFFFFFF80, s9;
	_ =	swait.ge [sflag:s25], $0x4000  }
0x66: {  	s11 =	sand.u32 $0x7C00, s10;
	s10 =	sand.u32 $0x300, s10;
	[sflag:s25] =	ssyncset.done $0x0  }
0x67: {  	s11 =	sadd.s32 s8, s11;
	[sflag:s25] =	ssyncadd.s32 $0xFFFFC000  }
0x68: {  	[spmem:s2] =	stream.indirect.scatter.add.f32 [tilespmem:s19], [sflag:$0x7], $0x80, s21, s22, $0xb8;
	[tilespmem:$0x1C200] =	vst v63  }
0x69: {  	s10 =	sor.u32 s10, s11;
	_ =	swait.ge [sflag:s20], $0x4000  }
0x6a: {  	s10 =	sshrl.u32 s10, $0x3;
	[sflag:s20] =	ssyncset.done $0x0  }
0x6b: {  	s11 =	sadd.s32 s1, s10;
	s10 =	sadd.s32 s6, s10;
	[sflag:s20] =	ssyncadd.s32 $0xFFFFC000  }
0x6c: {  	[tilespmem:s4], [sflag:$0x3] =	stream.linear.gather [hbm4b:s11+s4], $0x80, $0x38;
	[tilespmem:$0x1C200] =	vst v63  }
0x6d: {  	_ = 	snop  }
0x6e: {  	[tilespmem:s21], [sflag:$0x5] =	stream.linear.gather [hbm4b:s10+s4], $0x80, $0x38;
	[tilespmem:$0x1C200] =	vst v63  }
0x6f: {  	_ =	swait.ge [sflag:s26], $0x80  }
0x70: {  	[sflag:s26] =	ssyncset.done $0x0  }
0x71: {  	[sflag:s26] =	ssyncadd.s32 $0xFFFFFF80  }
0x72: {  	_ =	swait.ge [sflag:s28], $0x80  }
0x73: {  	[sflag:s28] =	ssyncset.done $0x0  }
0x74: {  	[sflag:s28] =	ssyncadd.s32 $0xFFFFFF80  }
0x75: {  	[tilespmem:s29], [sflag:$0x2] =	stream.indirect.gather [hbm4b:s5+s22], $0x80, s22, s22, $0xb8;
	[tilespmem:$0x1C200] =	vst v63  }
0x76: {  	_ =	swait.ge [sflag:s30], $0x4000  }
0x77: {  	s10 =	sand.u32 $0x7C00, s9;
	[sflag:s30] =	ssyncset.done $0x0  }
0x78: {  	s9 =	sand.u32 $0x380, s9;
	s10 =	sadd.s32 s8, s10;
	[sflag:s30] =	ssyncadd.s32 $0xFFFFC000  }
0x79: {  	[spmem:s2] =	stream.indirect.scatter.add.f32 [tilespmem:s29], [sflag:$0x7], $0x80, s31, s22, $0xb8;
	[tilespmem:$0x1C200] =	vst v63  }
0x7a: {  	s9 =	sor.u32 s9, s10;
	_ =	swait.ge [sflag:s20], $0x4000  }
0x7b: {  	s9 =	sshrl.u32 s9, $0x3;
	[sflag:s20] =	ssyncset.done $0x0  }
0x7c: {  	s10 =	sadd.s32 s1, s9;
	s9 =	sadd.s32 s6, s9;
	[sflag:s20] =	ssyncadd.s32 $0xFFFFC000  }
0x7d: {  	[tilespmem:s22], [sflag:$0x4] =	stream.linear.gather [hbm4b:s10+s4], $0x80, $0x38;
	[tilespmem:$0x1C200] =	vst v63  }
0x7e: {  	_ = 	snop  }
0x7f: {  	[tilespmem:s31], [sflag:$0x6] =	stream.linear.gather [hbm4b:s9+s4], $0x80, $0x38;
	[tilespmem:$0x1C200] =	vst v63  }
.Ltmp1:
0x80: {  	_ =	swait.ge [sflag:s23], $0x80;
	(pc) =	sbr.rel @p0 .LBB2_4-.Ltmp1, $4  }
0x81: {  	[sflag:s23] =	ssyncset.done $0x0  }
0x82: {  	[sflag:s23] =	ssyncadd.s32 $0xFFFFFF80  }
0x83: {  	_ =	swait.ge [sflag:s24], $0x80  }
0x84: {  	[sflag:s24] =	ssyncset.done $0x0  }
0x85: {  	[sflag:s24] =	ssyncadd.s32 $0xFFFFFF80  }
0x86: {  	[tilespmem:s19], [sflag:$0x1] =	stream.indirect.gather [hbm4b:s5+s22], $0x80, s4, s22, $0xb8;
	[tilespmem:$0x1C200] =	vst v63  }
0x87: {  	_ =	swait.ge [sflag:s25], $0x4000  }
0x88: {  	[sflag:s25] =	ssyncset.done $0x0  }
0x89: {  	[sflag:s25] =	ssyncadd.s32 $0xFFFFC000  }
0x8a: {  	[spmem:s2] =	stream.indirect.scatter.add.f32 [tilespmem:s19], [sflag:$0x7], $0x80, s21, s22, $0xb8;
	[tilespmem:$0x1C200] =	vst v63  }
0x8b: {  	_ =	swait.ge [sflag:s20], $0x4000  }
0x8c: {  	[sflag:s20] =	ssyncset.done $0x0  }
0x8d: {  	[sflag:s20] =	ssyncadd.s32 $0xFFFFC000  }
0x8e: {  	_ =	swait.ge [sflag:s26], $0x80  }
0x8f: {  	[sflag:s26] =	ssyncset.done $0x0  }
0x90: {  	[sflag:s26] =	ssyncadd.s32 $0xFFFFFF80  }
0x91: {  	_ =	swait.ge [sflag:s28], $0x80  }
0x92: {  	[sflag:s28] =	ssyncset.done $0x0  }
0x93: {  	[sflag:s28] =	ssyncadd.s32 $0xFFFFFF80  }
0x94: {  	[tilespmem:s29], [sflag:$0x2] =	stream.indirect.gather [hbm4b:s5+s22], $0x80, s22, s22, $0xb8;
	[tilespmem:$0x1C200] =	vst v63  }
0x95: {  	_ =	swait.ge [sflag:s30], $0x4000  }
0x96: {  	[sflag:s30] =	ssyncset.done $0x0  }
0x97: {  	[sflag:s30] =	ssyncadd.s32 $0xFFFFC000  }
0x98: {  	[spmem:s2] =	stream.indirect.scatter.add.f32 [tilespmem:s29], [sflag:$0x7], $0x80, s31, s22, $0xb8;
	[tilespmem:$0x1C200] =	vst v63  }
0x99: {  	s3 =	stileid.u32;
	_ =	swait.ge [sflag:s20], $0x4000  }
0x9a: {  	s9 =	sshrl.u32 s7, $0x3;
	s0 =	sadd.s32 $0x1, s0;
	[sflag:s20] =	ssyncset.done $0x0  }
0x9b: {  	s3 =	sshll.u32 s3, $0x6;
	p0 =	sne.s32 s0, s18;
	[sflag:s20] =	ssyncadd.s32 $0xFFFFC000  }
.Ltmp2:
0x9c: {  	s3 =	sor.u32 $0x1C07, s3;
	[bflag:$0x0] =	sbarrier.arrive $0xFFFF;
	(pc) =	sbr.rel @p0 .LBB2_1-.Ltmp2, $4  }
0x9d: {  	[hbm:s17], [sflag:s3] =	dma.local [spmem:s9], $0x2800  }
0x9e: {  	_ =	swait.ge [sflag:s20], $0x2800  }
0x9f: {  	[sflag:s20] =	ssyncset.done $0x0  }
0xa0: {  	[sflag:s20] =	ssyncadd.s32 $0xFFFFD800  }
0xa1: {  	_ =	sfence.sel $0x180000  }
0xa2: {  	[bflag:$0x0] =	sbarrier.arrive $0xFFFF  }
0xa3: {  	_ =	strace $0x9000004D  }
0xa4: {  	s0 =	stileid.u32;
	[bflag:$0x2] =	sbarrier.arrive $0xFFFF  }
0xa5: {  	p0 =	sne.s32 s0, $0x0;
	s0 =	rddreg [dreg:$0x3]  }
0xa6: {  	s0 =	sadd.s32 @!p0 $0x100000, s0  }
0xa7: {  	[sflag:s0] =	ssyncadd.tile.s32 @!p0 $0x1;
	_ =	shalt  }
.Lfunc_end2:
_tile_overlayer_lowered:
.L_overlay_start_2:
0xa8: {  	(tag) =	ssettag $0x2  }
0xa9: {  	s0 =	rddreg [dreg:$0x0];
	s2 =	stileid.u32  }
0xaa: {  	s1 =	rddreg [dreg:$0x1];
	p0 =	sne.s32 s2, $0x0  }
0xab: {  	s3 =	rddreg [dreg:$0x2];
	[bflag:$0x3] =	sbarrier.arrive $0xFFFF;
	s2 =	simm.s32 @!p0 $0x1C07  }
0xac: {  	[timem:s3], [sflag:s2] =	dma.local @!p0 [hbm:s0], s1  }
0xad: {  	s0 =	simm.s32 @!p0 $0x7  }
0xae: {  	_ =	swait.ge @!p0 [sflag:s0], s1  }
0xaf: {  	s1 =	ssub.s32 @!p0 $0x0, s1;
	[sflag:s0] =	ssyncset.done @!p0 $0x0  }
0xb0: {  	[sflag:s0] =	ssyncadd.s32 @!p0 s1  }
0xb1: {  	[bflag:$0x3] =	sbarrier.arrive $0xFFFF  }
0xb2: {  	_ =	shalt  }

// kernel: kernel.7.cloned.1.call-start
scs
__scs_entry_jumppad:
0x0: {  	(pc) =	sbr.rel $0x88, $3  }
0x1: {  	(tag) =	ssettag $0x0;
	lr =	simm.s32 $0x1  }
0x2: {  	[smem:$0x3F97] =	sst lr;
	_ =	strace $0xD0000000  }
0x3: {  	_ = 	snop  }
0x4: {  	_ = 	snop  }
0x5: {  	_ = 	snop  }
0x6: {  	_ = 	snop  }
0x7: {  	_ = 	snop  }
__scs_overlays_trampoline_lowered:
0x8: {  	[smem:$0x3FA6] =	sst s0  }
0x9: {  	[smem:$0x3FA7] =	sst s1  }
0xa: {  	[smem:$0x3FA8] =	sst s2  }
0xb: {  	[smem:$0x3FA9] =	sst s3  }
0xc: {  	[smem:$0x3FAA] =	sst s4  }
0xd: {  	[smem:$0x3FAB] =	sst s5  }
0xe: {  	[smem:$0x3FAC] =	sst s6  }
0xf: {  	[smem:$0x3FAD] =	sst s7  }
0x10: {  	[smem:$0x3FAE] =	sst s8  }
0x11: {  	[smem:$0x3FAF] =	sst s9;
	s0 =	simm.s32 @!p0 $0x0  }
0x12: {  	s1 =	sld [smem:$0x3F95];
	s0 =	simm.s32 @p0 $0x1  }
0x13: {  	[smem:$0x3FB0] =	sst s0;
	s0 =	simm.s32 @!p1 $0x0  }
0x14: {  	s2 =	sld [smem:$0x3F94];
	s0 =	simm.s32 @p1 $0x1  }
0x15: {  	[smem:$0x3FB1] =	sst s0;
	s0 =	simm.s32 @!p2 $0x0  }
0x16: {  	s3 =	sld [smem:$0x3FDB];
	s0 =	simm.s32 @p2 $0x1  }
0x17: {  	s4 =	simm.s32 $0x1BF5;
	[smem:$0x3FB3] =	sst s0  }
0x18: {  	s0 =	sld [smem:$0x3F96];
	_ =	swait.ge [sflag:s4], $0x0  }
0x19: {  	s7 =	sld [smem:$0x3F97]  }
0x1a: {  	s8 =	sadd.s32 $0xFFFFE003, lr  }
0x1b: {  	s9 =	sadd.s32 $0xFFFFFEF7, lr;
	s5 =	simm.s32 $0xFFFFFFFF;
	p2 =	slt.u32 s8, $0xFFFFF086  }
0x1c: {  	p1 =	slt.u32 s9, $0xF7A;
	s5 =	simm.s32 @!p2 $0x0  }
0x1d: {  	s5 =	simm.s32 @p1 $0x1;
	p0 =	seq.s32 s7, s2  }
0x1e: {  	s7 =	smul.u32 @!p0 $0xF7A, s2;
	p2 =	seq.s32 @!p0 s5, $0x0  }
0x1f: {  	s9 =	smul.u32 $0xF7A, s1;
	s8 =	simm.s32 @!p0 $0x1BF5;
	p2 =	por !p2, p0  }
0x20: {  	[sflag:s8] =	ssyncset.s32 @!p0 $0xFFFFF086;
	s6 =	sadd.s32 @!p0 s3, s7;
	s7 =	simm.s32 @!p0 $0x108  }
0x21: {  	s3 =	sadd.s32 s3, s9;
	s6 =	sadd.s32 @!p0 $0x88, s6;
	s7 =	simm.s32 @p2 $0x1082  }
0x22: {  	[simem:s7], [sflag:s8] =	dma.local @!p0 [hbm:s6], $0xF7A  }
0x23: {  	s9 =	sor.u32 $0xD0000000, s2;
	s6 =	simm.s32 $0x108;
	_ =	swait.ge @!p0 [sflag:s8], $0x0  }
0x24: {  	s3 =	sadd.s32 $0x88, s3;
	s6 =	simm.s32 @!p1 $0x1082;
	[sflag:s4] =	ssyncset.s32 $0xFFFFF086  }
0x25: {  	[simem:s6], [sflag:s4] =	dma.local [hbm:s3], $0xF7A  }
0x26: {  	[smem:$0x3F97] =	sst s1;
	(tag) =	ssettag s2;
	_ =	strace s9  }
0x27: {  	s1 =	sld [smem:$0x3FA7]  }
0x28: {  	s2 =	sld [smem:$0x3FA8]  }
0x29: {  	s4 =	sld [smem:$0x3FAA]  }
0x2a: {  	p0 =	seq.s32 s5, $0x0;
	s5 =	sld [smem:$0x3FAB]  }
0x2b: {  	s6 =	sld [smem:$0x3FAC]  }
0x2c: {  	s7 =	sld [smem:$0x3FAD]  }
0x2d: {  	s3 =	simm.s32 $0x108;
	s8 =	sld [smem:$0x3FAE]  }
0x2e: {  	s3 =	simm.s32 @!p0 $0x1082;
	s9 =	sld [smem:$0x3FAF]  }
0x2f: {  	lr =	sadd.s32 s0, s3;
	s0 =	sld [smem:$0x3FA6]  }
0x30: {  	s3 =	sld [smem:$0x3FA9]  }
0x31: {  	[smem:$0x3FB2] =	sst s10  }
0x32: {  	s10 =	sld [smem:$0x3FB0];
	_ =	sdelay $0x3  }
0x33: {  	p0 =	seq.s32 s10, $0x1;
	s10 =	sld [smem:$0x3FB2];
	_ =	sdelay $0x3  }
0x34: {  	[smem:$0x3FB2] =	sst s10  }
0x35: {  	s10 =	sld [smem:$0x3FB1];
	_ =	sdelay $0x3  }
0x36: {  	p1 =	seq.s32 s10, $0x1;
	s10 =	sld [smem:$0x3FB2];
	_ =	sdelay $0x3  }
0x37: {  	[smem:$0x3FB2] =	sst s10  }
0x38: {  	s10 =	sld [smem:$0x3FB3]  }
0x39: {  	_ = 	snop;
	(pc) =	sbr.ind lr, $3  }
0x3a: {  	_ = 	snop  }
0x3b: {  	_ = 	snop  }
0x3c: {  	p2 =	seq.s32 s10, $0x1;
	s10 =	sld [smem:$0x3FB2]  }
0x3d: {  	_ =	shalt  }
0x3e: {  	_ =	shalt  }
0x3f: {  	_ =	shalt  }
0x40: {  	_ =	shalt  }
0x41: {  	_ =	shalt  }
0x42: {  	_ =	shalt  }
0x43: {  	_ =	shalt  }
0x44: {  	_ =	shalt  }
0x45: {  	_ =	shalt  }
0x46: {  	_ =	shalt  }
0x47: {  	_ =	shalt  }
0x48: {  	_ =	shalt  }
0x49: {  	_ =	shalt  }
0x4a: {  	_ =	shalt  }
0x4b: {  	_ =	shalt  }
0x4c: {  	_ =	shalt  }
0x4d: {  	_ =	shalt  }
0x4e: {  	_ =	shalt  }
0x4f: {  	_ =	shalt  }
0x50: {  	_ =	shalt  }
0x51: {  	_ =	shalt  }
0x52: {  	_ =	shalt  }
0x53: {  	_ =	shalt  }
0x54: {  	_ =	shalt  }
0x55: {  	_ =	shalt  }
0x56: {  	_ =	shalt  }
0x57: {  	_ =	shalt  }
0x58: {  	_ =	shalt  }
0x59: {  	_ =	shalt  }
0x5a: {  	_ =	shalt  }
0x5b: {  	_ =	shalt  }
0x5c: {  	_ =	shalt  }
0x5d: {  	_ =	shalt  }
0x5e: {  	_ =	shalt  }
0x5f: {  	_ =	shalt  }
0x60: {  	_ =	shalt  }
0x61: {  	_ =	shalt  }
0x62: {  	_ =	shalt  }
0x63: {  	_ =	shalt  }
0x64: {  	_ =	shalt  }
0x65: {  	_ =	shalt  }
0x66: {  	_ =	shalt  }
0x67: {  	_ =	shalt  }
0x68: {  	_ =	shalt  }
0x69: {  	_ =	shalt  }
0x6a: {  	_ =	shalt  }
0x6b: {  	_ =	shalt  }
0x6c: {  	_ =	shalt  }
0x6d: {  	_ =	shalt  }
0x6e: {  	_ =	shalt  }
0x6f: {  	_ =	shalt  }
0x70: {  	_ =	shalt  }
0x71: {  	_ =	shalt  }
0x72: {  	_ =	shalt  }
0x73: {  	_ =	shalt  }
0x74: {  	_ =	shalt  }
0x75: {  	_ =	shalt  }
0x76: {  	_ =	shalt  }
0x77: {  	_ =	shalt  }
0x78: {  	_ =	shalt  }
0x79: {  	_ =	shalt  }
0x7a: {  	_ =	shalt  }
0x7b: {  	_ =	shalt  }
0x7c: {  	_ =	shalt  }
0x7d: {  	_ =	shalt  }
0x7e: {  	_ =	shalt  }
0x7f: {  	_ =	shalt  }
0x80: {  	_ =	shalt  }
0x81: {  	_ =	shalt  }
0x82: {  	_ =	shalt  }
0x83: {  	_ =	shalt  }
0x84: {  	_ =	shalt  }
0x85: {  	_ =	shalt  }
0x86: {  	_ =	shalt  }
0x87: {  	_ =	shalt  }
.Lfunc_end0:
.L_simem_size_0:
called_computation_lowered:
.L_overlay_start_0:
0x88: {  	s2 =	sld [smem:$0x3FD9]  }
0x89: {  	s3 =	sld [smem:$0x3FFE];
	_ =	sdelay $0x1  }
0x8a: {  	s1 =	srdreg.scid  }
0x8b: {  	s0 =	sand.u32 $0x1, s1  }
0x8c: {  	s17 =	sshll.u32 s0, $0xA;
	s2 =	sadd.s32 s3, s2  }
0x8d: {  	s2 =	sadd.s32 s2, s17  }
0x8e: {  	[smem:$0x3FBE] =	sst s2  }
0x8f: {  	_ = 	snop  }
0x90: {  	(tm) =	ssettm $0x1  }
0x91: {  	s18 =	sld [smem:$0x3FFB];
	_ =	sdelay $0x3  }
0x92: {  	_ =	strace s18  }
0x93: {  	s2 =	sld [smem:$0x3FFC];
	_ =	sdelay $0x3  }
0x94: {  	_ =	strace s2  }
0x95: {  	s2 =	sld [smem:$0x3FFD];
	_ =	sdelay $0x3  }
0x96: {  	_ =	strace s2  }
0x97: {  	_ =	strace $0x8FFFFFFF  }
0x98: {  	s19 =	sld [smem:$0x3FDB];
	_ =	sdelay $0x1  }
0x99: {  	s20 =	simm.s32 $_scs_section_size  }
0x9a: {  	s4 =	simm.s32 $_size__tile_overlayer_lowered;
	s5 =	simm.s32 $_tile_overlayer_lowered  }
0x9b: {  	s6 =	simm.s32 $0x1BFF;
	s21 =	sshll.u32 s5, $0x1;
	s3 =	sadd.s32 s20, s19  }
0x9c: {  	s22 =	simm.s32 $0x0;
	s4 =	sshll.u32 s4, $0x1;
	s5 =	sadd.s32 s21, s3  }
0x9d: {  	[timem:s22], [sflag:s6] =	dma.local [hbm:s5], s4  }
0x9e: {  	_ =	swait.ge [sflag:s6], s4  }
0x9f: {  	s4 =	ssub.s32 $0x0, s4;
	[sflag:s6] =	ssyncset.done $0x0  }
0xa0: {  	[sflag:s6] =	ssyncadd.s32 s4;
	_ =	sdelay $0x1  }
0xa1: {  	s23 =	simm.s32 $0x1B8B  }
0xa2: {  	_ =	swait.ge [sflag:s23], $0x1  }
0xa3: {  	[sflag:s23] =	ssyncset.done $0x0  }
0xa4: {  	[sflag:s23] =	ssyncadd.s32 $0xFFFFFFFF  }
0xa5: {  	s4 =	sld [smem:$0x0]  }
0xa6: {  	s5 =	sand.u32 $0xFFFFFFFE, s1  }
0xa7: {  	p0 =	sne.s32 s1, s5  }
0xa8: {  	s5 =	sshll.u32 @p0 s5, $0xE  }
0xa9: {  	s5 =	sadd.s32 @p0 $0x11B8D, s5;
	s6 =	sshll.u32 @p0 s4, $0x11  }
0xaa: {  	s5 =	sor.u32 @p0 s6, s5  }
0xab: {  	[sflag:s5] =	ssyncadd.remote.s32 @p0 $0x1;
	_ =	sdelay $0x1  }
0xac: {  	s5 =	simm.s32 @p0 $0x1B8D  }
0xad: {  	_ =	swait.eq @p0 [sflag:s5], $0x1  }
0xae: {  	[sflag:s5] =	ssyncadd.s32 @p0 $0xFFFFFFFF  }
0xaf: {  	s6 =	sshll.u32 @!p0 s1, $0xE  }
0xb0: {  	s6 =	sor.u32 @!p0 $0x4000, s6;
	s5 =	simm.s32 @!p0 $0x1B8D  }
0xb1: {  	s4 =	sshll.u32 @!p0 s4, $0x11;
	s6 =	sadd.s32 @!p0 $0x11B8D, s6;
	_ =	swait.eq @!p0 [sflag:s5], $0x1  }
0xb2: {  	s4 =	sor.u32 @!p0 s4, s6;
	[sflag:s5] =	ssyncadd.s32 @!p0 $0xFFFFFFFF  }
0xb3: {  	s25 =	simm.s32 $0x1B8E;
	s24 =	sld [smem:$0x3FFE];
	[sflag:s4] =	ssyncadd.remote.s32 @!p0 $0x1  }
0xb4: {  	s26 =	simm.s32 $execute0_lowered;
	[smem:$0x3FD2] =	sst s25  }
0xb5: {  	s5 =	sshll.u32 s26, $0x1;
	_ =	strace $0x80000049;
	[dreg:$0x1] =	wrdreg $0xFFFFFFFF  }
0xb6: {  	s28 =	simm.s32 $_size_execute0_lowered;
	s3 =	sadd.s32 s3, s5;
	[dreg:$0x0] =	wrdreg $0x0  }
0xb7: {  	s5 =	sshll.u32 s28, $0x1;
	[dreg:$0x2] =	wrdreg s3  }
0xb8: {  	[dreg:$0x3] =	wrdreg s5  }
0xb9: {  	[dreg:$0x4] =	wrdreg $0xC0  }
0xba: {  	_ =	task [dreg:s22], $0x5FFFF  }
0xbb: {  	[dreg:$0x1] =	wrdreg $0xFFFFFFFF  }
0xbc: {  	[dreg:$0x0] =	wrdreg $0x60  }
0xbd: {  	[dreg:$0x2] =	wrdreg s24  }
0xbe: {  	[dreg:$0x3] =	wrdreg $0x68000  }
0xbf: {  	[dreg:$0x4] =	wrdreg $0x9  }
0xc0: {  	_ =	task.clear_ibuf [dreg:s22], $0x5FFFF;
	_ =	strace $0x90000049  }
0xc1: {  	s29 =	simm.s32 $0x9;
	_ =	strace $0x8000004B  }
0xc2: {  	_ =	swait.ge [sflag:s29], $0x1  }
0xc3: {  	[sflag:s29] =	ssyncadd.s32 $0xFFFFFFFF  }
0xc4: {  	_ =	strace $0x9000004B  }
0xc5: {  	_ =	sfence  }
0xc6: {  	s30 =	sld [smem:$0x0];
	_ =	sdelay $0x2  }
0xc7: {  	s31 =	sshll.u32 s1, $0xD;
	s1 =	sshrl.u32 s1, $0x2  }
0xc8: {  	s4 =	sand.u32 $0x4000, s31;
	s1 =	sadd.s32 s1, s30  }
0xc9: {  	s0 =	sor.u32 s4, s0;
	s1 =	sshll.u32 s1, $0x11  }
0xca: {  	s0 =	sor.u32 s1, s0  }
0xcb: {  	s0 =	sadd.s32 $0x8F2B, s0  }
0xcc: {  	[sflag:s0] =	ssyncadd.remote.s32 $0x1  }
0xcd: {  	_ =	sfence.sel $0xFFFF  }
0xce: {  	[dreg:$0x0] =	wrdreg $0xFFFFFFFF;
	(pc) =	sbr.abs _section_cstart, $3  }
0xcf: {  	[dreg:$0x1] =	wrdreg $0xFFFFFFFF  }
0xd0: {  	_ =	task.clear_ibuf [dreg:s22], $0x2FFFF;
	_ =	strace $0x9FFFFFFF  }
0xd1: {  	(tm) =	ssettm $0x7FFFFFFF  }
tec
execute0_lowered:
.L_overlay_start_1:
0x0: {  	(tag) =	ssettag $0x1  }
0x1: {  	s0 =	srdreg.scid;
	s5 =	rddreg [dreg:$0x0]  }
0x2: {  	s2 =	rddreg [dreg:$0x1];
	s3 =	simm.s32 $0x0;
	s4 =	sand.u32 $0x1, s0  }
0x3: {  	s13 =	simm.s32 $0x1;
	s0 =	stileid.u32;
	s7 =	smul.u32 $0x140000, s4  }
0x4: {  	s14 =	simm.s32 $0x80;
	s17 =	simm.s32 $0x0;
	s8 =	smul.u32 $0x14000, s0  }
0x5: {  	[smem:$0x7FF] =	sst s3;
	s1 =	sshll.u32 s4, $0x4;
	s9 =	smul.u32 $0x50000, s0  }
0x6: {  	s29 =	ssub.s32 $0x2, s4;
	s15 =	sshll.u32 s0, $0x6;
	s1 =	sor.u32 s0, s1  }
0x7: {  	s31 =	sshrl.u32 s29, $0x1;
	s15 =	sor.u32 $0x1C01, s15;
	s6 =	smul.u32 $0x500, s1  }
0x8: {  	s1 =	rddreg [dreg:$0x2];
	_ =	strace $0x8000004A;
	s30 =	sshrl.u32 s9, $0x2  }
0x9: {  	s28 =	sadd.s32 s8, s7;
	s12 =	ssub.s32 s29, s31;
	s4 =	sadd.s32 s30, s2  }
0xa: {  	s10 =	sadd.s32 s6, s5;
	s6 =	sshrl.u32 s28, $0x3;
	s7 =	sadd.s32 $0xC000, s4  }
0xb: {  	s8 =	sadd.s32 $0x10000, s4;
	s16 =	sshrl.u32 s4, $0x3;
	s11 =	sadd.s32 s6, s5  }
0xc: {  	s5 =	sadd.s32 $0x4000, s4;
	s6 =	sadd.s32 $0x8000, s4;
	s9 =	sadd.s32 $0x2400, s10  }
0xd: {  	v0 =	vimm.f32 $0.0e+00;
	v1 =	vimm.f32 $1.000000000e+00;
	s10 =	sadd.s32 $0x5C400, s11;
	s11 =	smax.u32 s12, $0x1;
	s12 =	simm.s32 $0x2800  }
.LBB2_1:
0xe: {  	s18 =	sand.u32 $0xFE00, s3  }
0xf: {  	s19 =	sand.u32 $0x70, s3;
	s20 =	sshrl.u32 s18, $0x2  }
0x10: {  	s18 =	simm.s32 $0x40;
	s20 =	sor.u32 s19, s20;
	s19 =	simm.s32 $0x0  }
.LBB2_2:
0x11: {  	p0 =	sne.s32 s18, $0xFFC0  }
0x12: {  	[tilespmem:s20+$0x2800] =	vst v0;
	s19 =	sadd.s32 $0x10, s19;
	s20 =	smov.u32 s18;
	s18 =	sadd.s32 $0x40, s18  }
.Ltmp0:
0x13: {  	(pc) =	sbr.rel @p0 .LBB2_2-.Ltmp0, $4  }
0x14: {  	_ = 	snop  }
0x15: {  	s20 =	sand.u32 $0xFE00, s20  }
0x16: {  	s21 =	sand.u32 $0x70, s19;
	s20 =	sshrl.u32 s20, $0x2  }
0x17: {  	s20 =	sor.u32 s21, s20  }
0x18: {  	[tilespmem:s20+$0x2800] =	vst v0  }
0x19: {  	[spmem:s4] =	stream.linear.scatter [tilespmem:s12], [sflag:$0x1], $0x4000, $0x38;
	[tilespmem:$0x1A800] =	vst v63  }
0x1a: {  	_ =	swait.ge [sflag:s13], $0x4000  }
0x1b: {  	[sflag:s13] =	ssyncset.done $0x0  }
0x1c: {  	[sflag:s13] =	ssyncadd.s32 $0xFFFFC000  }
0x1d: {  	[spmem:s5] =	stream.linear.scatter [tilespmem:s12], [sflag:$0x1], $0x4000, $0x38;
	[tilespmem:$0x1A800] =	vst v63  }
0x1e: {  	_ =	swait.ge [sflag:s13], $0x4000  }
0x1f: {  	[sflag:s13] =	ssyncset.done $0x0  }
0x20: {  	[sflag:s13] =	ssyncadd.s32 $0xFFFFC000  }
0x21: {  	[spmem:s6] =	stream.linear.scatter [tilespmem:s12], [sflag:$0x1], $0x4000, $0x38;
	[tilespmem:$0x1A800] =	vst v63  }
0x22: {  	_ =	swait.ge [sflag:s13], $0x4000  }
0x23: {  	[sflag:s13] =	ssyncset.done $0x0  }
0x24: {  	[sflag:s13] =	ssyncadd.s32 $0xFFFFC000  }
0x25: {  	[spmem:s7] =	stream.linear.scatter [tilespmem:s12], [sflag:$0x1], $0x4000, $0x38;
	[tilespmem:$0x1A800] =	vst v63  }
0x26: {  	_ =	swait.ge [sflag:s13], $0x4000  }
0x27: {  	[sflag:s13] =	ssyncset.done $0x0  }
0x28: {  	s18 =	simm.s32 $0x0;
	[sflag:s13] =	ssyncadd.s32 $0xFFFFC000  }
0x29: {  	[spmem:s8] =	stream.linear.scatter [tilespmem:s12], [sflag:$0x1], $0x4000, $0x38;
	[tilespmem:$0x1A800] =	vst v63  }
0x2a: {  	s19 =	sand.u32 $0xFE00, s18;
	_ =	swait.ge [sflag:s13], $0x4000  }
0x2b: {  	s31 =	sand.u32 $0x70, s18;
	s21 =	sshrl.u32 s19, $0x2;
	[sflag:s13] =	ssyncset.done $0x0  }
0x2c: {  	s19 =	simm.s32 $0x40;
	s20 =	sor.u32 s31, s21;
	[sflag:s13] =	ssyncadd.s32 $0xFFFFC000  }
.LBB2_4:
0x2d: {  	p0 =	sne.s32 s19, $0xFFC0  }
0x2e: {  	[tilespmem:s20+$0x2800] =	vst v1;
	s18 =	sadd.s32 $0x10, s18;
	s20 =	smov.u32 s19;
	s19 =	sadd.s32 $0x40, s19  }
.Ltmp1:
0x2f: {  	(pc) =	sbr.rel @p0 .LBB2_4-.Ltmp1, $4  }
0x30: {  	_ = 	snop  }
0x31: {  	s20 =	sand.u32 $0xFE00, s20  }
0x32: {  	s21 =	sand.u32 $0x70, s18;
	s20 =	sshrl.u32 s20, $0x2  }
0x33: {  	s20 =	sor.u32 s21, s20  }
0x34: {  	[tilespmem:s20+$0x2800] =	vst v1;
	s18 =	simm.s32 $0x0  }
0x35: {  	[tilespmem:s18], [sflag:$0x1] =	stream.linear.gather [hbm4b:s9+s18], $0x2800, $0x38;
	[tilespmem:$0x1A800] =	vst v63  }
0x36: {  	_ =	swait.ge [sflag:s13], $0x2800  }
0x37: {  	[sflag:s13] =	ssyncset.done $0x0  }
0x38: {  	[sflag:s13] =	ssyncadd.s32 $0xFFFFD800  }
0x39: {  	s31 =	simm.s32 $0x0;
	[bflag:$0x0] =	sbarrier.arrive $0xFFFF  }
0x3a: {  	[spmem:s2] =	stream.indirect.scatter.add.f32 [tilespmem:s12], [sflag:$0x1], $0x80, s31, s14, $0xb8;
	[tilespmem:$0x1A800] =	vst v63  }
0x3b: {  	_ =	swait.ge [sflag:s13], $0x4000  }
0x3c: {  	s18 =	simm.s32 $0x200;
	[sflag:s13] =	ssyncset.done $0x0  }
.LBB2_6:
0x3d: {  	s19 =	sshra.s32 s18, $0x2;
	[sflag:s13] =	ssyncadd.s32 $0xFFFFC000;
	p0 =	sne.s32 s18, $0x9E00  }
0x3e: {  	[spmem:s2] =	stream.indirect.scatter.add.f32 [tilespmem:s12], [sflag:$0x1], $0x80, s19, s14, $0xb8;
	[tilespmem:$0x1A800] =	vst v63  }
.Ltmp2:
0x3f: {  	_ = 	snop;
	(pc) =	sbr.rel @p0 .LBB2_6-.Ltmp2, $4  }
0x40: {  	_ = 	snop  }
0x41: {  	s18 =	sadd.s32 $0x200, s18  }
0x42: {  	_ =	swait.ge [sflag:s13], $0x4000  }
0x43: {  	[sflag:s13] =	ssyncset.done $0x0  }
0x44: {  	s17 =	sadd.s32 $0x1, s17  }
0x45: {  	[sflag:s13] =	ssyncadd.s32 $0xFFFFC000;
	p0 =	sne.s32 s17, s11  }
.Ltmp3:
0x46: {  	[bflag:$0x0] =	sbarrier.arrive $0xFFFF;
	(pc) =	sbr.rel @p0 .LBB2_1-.Ltmp3, $4  }
0x47: {  	[hbm:s10], [sflag:s15] =	dma.local [spmem:s16], $0x2800  }
0x48: {  	_ =	swait.ge [sflag:s13], $0x2800  }
0x49: {  	[sflag:s13] =	ssyncset.done $0x0  }
0x4a: {  	[sflag:s13] =	ssyncadd.s32 $0xFFFFD800  }
0x4b: {  	_ =	sfence.sel $0x180000  }
0x4c: {  	[bflag:$0x0] =	sbarrier.arrive $0xFFFF  }
0x4d: {  	p0 =	sne.s32 s0, $0x0;
	_ =	strace $0x9000004A  }
0x4e: {  	s0 =	sadd.s32 @!p0 $0x100000, s1;
	[bflag:$0x2] =	sbarrier.arrive $0xFFFF  }
0x4f: {  	[sflag:s0] =	ssyncadd.tile.s32 @!p0 $0x1;
	_ =	shalt  }
.Lfunc_end2:
_tile_overlayer_lowered:
.L_overlay_start_2:
0x50: {  	(tag) =	ssettag $0x2  }
0x51: {  	s0 =	rddreg [dreg:$0x0];
	s2 =	stileid.u32  }
0x52: {  	s1 =	rddreg [dreg:$0x1];
	p0 =	sne.s32 s2, $0x0  }
0x53: {  	s3 =	rddreg [dreg:$0x2];
	[bflag:$0x3] =	sbarrier.arrive $0xFFFF;
	s2 =	simm.s32 @!p0 $0x1C01  }
0x54: {  	[timem:s3], [sflag:s2] =	dma.local @!p0 [hbm:s0], s1  }
0x55: {  	s0 =	simm.s32 @!p0 $0x1  }
0x56: {  	_ =	swait.ge @!p0 [sflag:s0], s1  }
0x57: {  	s1 =	ssub.s32 @!p0 $0x0, s1;
	[sflag:s0] =	ssyncset.done @!p0 $0x0  }
0x58: {  	[sflag:s0] =	ssyncadd.s32 @!p0 s1  }
0x59: {  	[bflag:$0x3] =	sbarrier.arrive $0xFFFF  }
0x5a: {  	_ =	shalt  }

</sc_bundles>
